<compile_context>
chip_gen: v7x
topology: tpu7x:2x2x1
jax: 0.10.2.dev20260603
libtpu: 0.0.44.dev20260713+nightly
codegen_flags: <defaults>
</compile_context>

<pallas_src>
import functools
import jax
import jax.numpy as jnp
from jax import lax
from jax.experimental import pallas as pl
from jax.experimental.pallas import tpu as pltpu
from jax.experimental.pallas import tpu_sc as plsc

_NUM_USERS = 1_000_000
_NUM_SUBGROUPS = 1_000
_NUM_CHOICES = 100_000
_D = 64

_NW = 32

_BUF = 400
_N_CHUNKS = _NUM_USERS // _BUF
_U_ROUNDS = _N_CHUNKS // _NW
_U_TAIL = _N_CHUNKS - _U_ROUNDS * _NW

_CBUF = 200
_NC_CHUNKS = _NUM_CHOICES // _CBUF
_C_ROUNDS = _NC_CHUNKS // _NW
_C_TAIL = _NC_CHUNKS - _C_ROUNDS * _NW

_SUB_WORKERS = 5
_SPW = _NUM_SUBGROUPS // _SUB_WORKERS


def _sc_body(sub_hbm, cho_hbm, user_hbm,
             sub_out, cho_out, user_out,
             buf, cbuf0, cbuf1, sem_c0, sem_c1, sem_u, sem_s):
    wid = lax.axis_index("c") * 16 + lax.axis_index("s")

    cbufs = [cbuf0, cbuf1]
    csems = [sem_c0, sem_c1]
    pending = [None, None]
    for r in range(_C_ROUNDS):
        base = (r * _NW + wid) * _CBUF
        p = r % 2
        if pending[p] is not None:
            pending[p].wait()
        rd = pltpu.make_async_copy(
            cho_hbm.at[pl.ds(base, _CBUF), :], cbufs[p], csems[p])
        rd.start()
        rd.wait()
        wr = pltpu.make_async_copy(
            cbufs[p], cho_out.at[pl.ds(base, _CBUF), :], csems[p])
        wr.start()
        pending[p] = wr

    tbase = (_C_ROUNDS * _NW + wid) * _CBUF
    p = _C_ROUNDS % 2
    t_rd = pltpu.make_async_copy(
        cho_hbm.at[pl.ds(tbase, _CBUF), :], cbufs[p], csems[p])
    t_wr = pltpu.make_async_copy(
        cbufs[p], cho_out.at[pl.ds(tbase, _CBUF), :], csems[p])

    @pl.when(wid < _C_TAIL)
    def _():
        if pending[p] is not None:
            pending[p].wait()
        t_rd.start()
        t_rd.wait()
        t_wr.start()
        t_wr.wait()

    @pl.when(wid >= _C_TAIL)
    def _():
        if pending[p] is not None:
            pending[p].wait()

    if pending[1 - p] is not None:
        pending[1 - p].wait()

    sbase = wid * _SPW
    sub_read = pltpu.make_async_copy(
        sub_hbm.at[pl.ds(sbase, _SPW), :], cbuf0, sem_s)
    sub_write = pltpu.make_async_copy(
        cbuf0, sub_out.at[pl.ds(sbase, _SPW), :], sem_s)

    @pl.when(wid < _SUB_WORKERS)
    def _():
        sub_read.start()
        sub_read.wait()
        sub_write.start()
        sub_write.wait()

    pltpu.sync_copy(user_hbm, buf.at[pl.ds(0, 1), :])
    regs = [buf[0, pl.ds(k * 16, 16)] for k in range(_D // 16)]

    def _fill_row(j, carry):
        for k in range(_D // 16):
            buf[j, pl.ds(k * 16, 16)] = regs[k]
        return carry

    lax.fori_loop(1, _BUF, _fill_row, 0)

    user_copies = []
    for j in range(_U_ROUNDS):
        c = pltpu.make_async_copy(
            buf,
            user_out.at[pl.ds((j * _NW + wid) * _BUF, _BUF), :],
            sem_u)
        c.start()
        user_copies.append(c)

    u_tail = pltpu.make_async_copy(
        buf,
        user_out.at[pl.ds((_U_ROUNDS * _NW + wid) * _BUF, _BUF), :],
        sem_u)

    @pl.when(wid < _U_TAIL)
    def _():
        u_tail.start()

    for c in user_copies:
        c.wait()

    @pl.when(wid < _U_TAIL)
    def _():
        u_tail.wait()


@functools.partial(
    pl.kernel,
    out_type=[
        jax.ShapeDtypeStruct((_NUM_SUBGROUPS, _D), jnp.float32),
        jax.ShapeDtypeStruct((_NUM_CHOICES, _D), jnp.float32),
        jax.ShapeDtypeStruct((_NUM_USERS, _D), jnp.float32),
    ],
    mesh=plsc.VectorSubcoreMesh(core_axis_name="c", subcore_axis_name="s"),
    scratch_types=[
        pltpu.VMEM((_BUF, _D), jnp.float32),
        pltpu.VMEM((_CBUF, _D), jnp.float32),
        pltpu.VMEM((_CBUF, _D), jnp.float32),
        pltpu.SemaphoreType.DMA,
        pltpu.SemaphoreType.DMA,
        pltpu.SemaphoreType.DMA,
        pltpu.SemaphoreType.DMA,
    ],
)
def _sc_tables(sub_hbm, cho_hbm, user_hbm, sub_out, cho_out, user_out,
               buf, cbuf0, cbuf1, sem_c0, sem_c1, sem_u, sem_s):
    _sc_body(sub_hbm, cho_hbm, user_hbm, sub_out, cho_out, user_out,
             buf, cbuf0, cbuf1, sem_c0, sem_c1, sem_u, sem_s)


def kernel(sub_w, cho_w, user_token):
    sub_o, cho_o, user_o = _sc_tables(sub_w, cho_w, user_token)
    return (sub_o, cho_o, user_o)

# --- scband reference (transcript-rebuilt; emitter-appended) ---
"""Pipeline reference for scband-learnable-tables-19628000543181 (READ-ONLY COPY).

The authoritative reference and input builder live on the scoring server;
editing this copy changes nothing except your own understanding.
"""

import jax, jax.numpy as jnp
import numpy as np

NUM_USERS = 1000000
NUM_SUBGROUPS = 1000
NUM_CHOICES = 100000
D_IN = 64


def setup_inputs(seed: int = 0) -> dict:
    key = jax.random.key(seed)
    k1, k2, k3 = jax.random.split(key, 3)
    sub_w = jax.random.normal(k1, (NUM_SUBGROUPS, D_IN), dtype=jnp.float32) * 0.02
    cho_w = jax.random.normal(k2, (NUM_CHOICES, D_IN), dtype=jnp.float32) * 0.02
    user_token = jax.random.normal(k3, (1, D_IN), dtype=jnp.float32) * 0.02
    return {"sub_w": sub_w, "cho_w": cho_w, "user_token": user_token}


def reference(sub_w, cho_w, user_token):
    # Faithful translation of LearnableTables.forward():
    #   'subgroup' -> sub_embed.weight
    #   'question' -> cho_embed.weight
    #   'user'     -> user_token.expand(num_users, -1)
    user = jnp.broadcast_to(user_token, (NUM_USERS, D_IN))
    return (sub_w, cho_w, user)

if __name__ == "__main__":
    import jax
    _d = setup_inputs()
    print(jax.jit(kernel)(*tuple(_d.values())))

</pallas_src>

<mosaic_0001>
#map = affine_map<(d0, d1) -> (0, 0)>
module attributes {stable_mosaic.version = 14 : i64} {
  func.func @_sc_tables(%arg0: i32, %arg1: i32, %arg2: memref<1000x64xf32, #tpu.memory_space<hbm>>, %arg3: memref<100000x64xf32, #tpu.memory_space<hbm>>, %arg4: memref<1x64xf32, #tpu.memory_space<hbm>>, %arg5: memref<1000x64xf32, #tpu.memory_space<hbm>>, %arg6: memref<100000x64xf32, #tpu.memory_space<hbm>>, %arg7: memref<1000000x64xf32, #tpu.memory_space<hbm>>, %arg8: memref<400x64xf32, #tpu.memory_space<vmem>>, %arg9: memref<200x64xf32, #tpu.memory_space<vmem>>, %arg10: memref<200x64xf32, #tpu.memory_space<vmem>>, %arg11: memref<!tpu.dma_semaphore, #tpu.memory_space<semaphore_mem>>, %arg12: memref<!tpu.dma_semaphore, #tpu.memory_space<semaphore_mem>>, %arg13: memref<!tpu.dma_semaphore, #tpu.memory_space<semaphore_mem>>, %arg14: memref<!tpu.dma_semaphore, #tpu.memory_space<semaphore_mem>>) attributes {dimension_semantics = [#tpu.dimension_semantics<core_parallel>, #tpu.dimension_semantics<subcore_parallel>], iteration_bounds = array<i64: 2, 16>, scalar_prefetch = 0 : i64, scratch_operands = 7 : i64, tpu.core_type = #tpu.core_type<sc_vector_subcore>, window_params = [{transform_indices = #map}, {transform_indices = #map}, {transform_indices = #map}, {transform_indices = #map}, {transform_indices = #map}, {transform_indices = #map}]} {
    %mul3A = arith.constant 16 : i32
    %mul3A_0 = arith.muli %arg0, %mul3A : i32
    %add3A = arith.addi %mul3A_0, %arg1 : i32
    %add3A_1 = arith.constant 0 : i32
    %add3A_2 = arith.addi %add3A_1, %add3A : i32
    %mul3A_3 = arith.constant 200 : i32
    %mul3A_4 = arith.muli %add3A_2, %mul3A_3 : i32
    %dma_start3A = arith.constant 0 : i32
    %dma_start3A_5 = tpu.memref_slice %arg3[%mul3A_4, %dma_start3A] : memref<100000x64xf32, #tpu.memory_space<hbm>> -> memref<200x64xf32, #tpu.memory_space<hbm>>
    %dma_start3A_6 = arith.constant 0 : i32
    %dma_start3A_7 = tpu.memref_slice %arg3[%mul3A_4, %dma_start3A_6] : memref<100000x64xf32, #tpu.memory_space<hbm>> -> memref<200x64xf32, #tpu.memory_space<hbm>>
    tpu.enqueue_dma source(%dma_start3A_7 : memref<200x64xf32, #tpu.memory_space<hbm>>) target(%arg9 : memref<200x64xf32, #tpu.memory_space<vmem>>) target_semaphore(%arg11 : memref<!tpu.dma_semaphore, #tpu.memory_space<semaphore_mem>>)
    %dma_wait3A = arith.constant 0 : i32
    %dma_wait3A_8 = tpu.memref_slice %arg3[%mul3A_4, %dma_wait3A] : memref<100000x64xf32, #tpu.memory_space<hbm>> -> memref<200x64xf32, #tpu.memory_space<hbm>>
    %dma_wait3A_9 = arith.constant 0 : i32
    %dma_wait3A_10 = tpu.memref_slice %arg3[%mul3A_4, %dma_wait3A_9] : memref<100000x64xf32, #tpu.memory_space<hbm>> -> memref<200x64xf32, #tpu.memory_space<hbm>>
    tpu.wait_dma2 semaphore(%arg11 : memref<!tpu.dma_semaphore, #tpu.memory_space<semaphore_mem>>) src(%dma_wait3A_10 : memref<200x64xf32, #tpu.memory_space<hbm>>) dst(%arg9 : memref<200x64xf32, #tpu.memory_space<vmem>>)
    %dma_start3A_11 = arith.constant 0 : i32
    %dma_start3A_12 = tpu.memref_slice %arg6[%mul3A_4, %dma_start3A_11] : memref<100000x64xf32, #tpu.memory_space<hbm>> -> memref<200x64xf32, #tpu.memory_space<hbm>>
    %dma_start3A_13 = arith.constant 0 : i32
    %dma_start3A_14 = tpu.memref_slice %arg6[%mul3A_4, %dma_start3A_13] : memref<100000x64xf32, #tpu.memory_space<hbm>> -> memref<200x64xf32, #tpu.memory_space<hbm>>
    tpu.enqueue_dma source(%arg9 : memref<200x64xf32, #tpu.memory_space<vmem>>) target(%dma_start3A_14 : memref<200x64xf32, #tpu.memory_space<hbm>>) target_semaphore(%arg11 : memref<!tpu.dma_semaphore, #tpu.memory_space<semaphore_mem>>)
    %add3A_15 = arith.constant 32 : i32
    %add3A_16 = arith.addi %add3A_15, %add3A : i32
    %mul3A_17 = arith.constant 200 : i32
    %mul3A_18 = arith.muli %add3A_16, %mul3A_17 : i32
    %dma_start3A_19 = arith.constant 0 : i32
    %dma_start3A_20 = tpu.memref_slice %arg3[%mul3A_18, %dma_start3A_19] : memref<100000x64xf32, #tpu.memory_space<hbm>> -> memref<200x64xf32, #tpu.memory_space<hbm>>
    %dma_start3A_21 = arith.constant 0 : i32
    %dma_start3A_22 = tpu.memref_slice %arg3[%mul3A_18, %dma_start3A_21] : memref<100000x64xf32, #tpu.memory_space<hbm>> -> memref<200x64xf32, #tpu.memory_space<hbm>>
    tpu.enqueue_dma source(%dma_start3A_22 : memref<200x64xf32, #tpu.memory_space<hbm>>) target(%arg10 : memref<200x64xf32, #tpu.memory_space<vmem>>) target_semaphore(%arg12 : memref<!tpu.dma_semaphore, #tpu.memory_space<semaphore_mem>>)
    %dma_wait3A_23 = arith.constant 0 : i32
    %dma_wait3A_24 = tpu.memref_slice %arg3[%mul3A_18, %dma_wait3A_23] : memref<100000x64xf32, #tpu.memory_space<hbm>> -> memref<200x64xf32, #tpu.memory_space<hbm>>
    %dma_wait3A_25 = arith.constant 0 : i32
    %dma_wait3A_26 = tpu.memref_slice %arg3[%mul3A_18, %dma_wait3A_25] : memref<100000x64xf32, #tpu.memory_space<hbm>> -> memref<200x64xf32, #tpu.memory_space<hbm>>
    tpu.wait_dma2 semaphore(%arg12 : memref<!tpu.dma_semaphore, #tpu.memory_space<semaphore_mem>>) src(%dma_wait3A_26 : memref<200x64xf32, #tpu.memory_space<hbm>>) dst(%arg10 : memref<200x64xf32, #tpu.memory_space<vmem>>)
    %dma_start3A_27 = arith.constant 0 : i32
    %dma_start3A_28 = tpu.memref_slice %arg6[%mul3A_18, %dma_start3A_27] : memref<100000x64xf32, #tpu.memory_space<hbm>> -> memref<200x64xf32, #tpu.memory_space<hbm>>
    %dma_start3A_29 = arith.constant 0 : i32
    %dma_start3A_30 = tpu.memref_slice %arg6[%mul3A_18, %dma_start3A_29] : memref<100000x64xf32, #tpu.memory_space<hbm>> -> memref<200x64xf32, #tpu.memory_space<hbm>>
    tpu.enqueue_dma source(%arg10 : memref<200x64xf32, #tpu.memory_space<vmem>>) target(%dma_start3A_30 : memref<200x64xf32, #tpu.memory_space<hbm>>) target_semaphore(%arg12 : memref<!tpu.dma_semaphore, #tpu.memory_space<semaphore_mem>>)
    %add3A_31 = arith.constant 64 : i32
    %add3A_32 = arith.addi %add3A_31, %add3A : i32
    %mul3A_33 = arith.constant 200 : i32
    %mul3A_34 = arith.muli %add3A_32, %mul3A_33 : i32
    %dma_wait3A_35 = arith.constant 0 : i32
    %dma_wait3A_36 = tpu.memref_slice %arg6[%mul3A_4, %dma_wait3A_35] : memref<100000x64xf32, #tpu.memory_space<hbm>> -> memref<200x64xf32, #tpu.memory_space<hbm>>
    %dma_wait3A_37 = arith.constant 0 : i32
    %dma_wait3A_38 = tpu.memref_slice %arg6[%mul3A_4, %dma_wait3A_37] : memref<100000x64xf32, #tpu.memory_space<hbm>> -> memref<200x64xf32, #tpu.memory_space<hbm>>
    tpu.wait_dma2 semaphore(%arg11 : memref<!tpu.dma_semaphore, #tpu.memory_space<semaphore_mem>>) src(%arg9 : memref<200x64xf32, #tpu.memory_space<vmem>>) dst(%dma_wait3A_38 : memref<200x64xf32, #tpu.memory_space<hbm>>)
    %dma_start3A_39 = arith.constant 0 : i32
    %dma_start3A_40 = tpu.memref_slice %arg3[%mul3A_34, %dma_start3A_39] : memref<100000x64xf32, #tpu.memory_space<hbm>> -> memref<200x64xf32, #tpu.memory_space<hbm>>
    %dma_start3A_41 = arith.constant 0 : i32
    %dma_start3A_42 = tpu.memref_slice %arg3[%mul3A_34, %dma_start3A_41] : memref<100000x64xf32, #tpu.memory_space<hbm>> -> memref<200x64xf32, #tpu.memory_space<hbm>>
    tpu.enqueue_dma source(%dma_start3A_42 : memref<200x64xf32, #tpu.memory_space<hbm>>) target(%arg9 : memref<200x64xf32, #tpu.memory_space<vmem>>) target_semaphore(%arg11 : memref<!tpu.dma_semaphore, #tpu.memory_space<semaphore_mem>>)
    %dma_wait3A_43 = arith.constant 0 : i32
    %dma_wait3A_44 = tpu.memref_slice %arg3[%mul3A_34, %dma_wait3A_43] : memref<100000x64xf32, #tpu.memory_space<hbm>> -> memref<200x64xf32, #tpu.memory_space<hbm>>
    %dma_wait3A_45 = arith.constant 0 : i32
    %dma_wait3A_46 = tpu.memref_slice %arg3[%mul3A_34, %dma_wait3A_45] : memref<100000x64xf32, #tpu.memory_space<hbm>> -> memref<200x64xf32, #tpu.memory_space<hbm>>
    tpu.wait_dma2 semaphore(%arg11 : memref<!tpu.dma_semaphore, #tpu.memory_space<semaphore_mem>>) src(%dma_wait3A_46 : memref<200x64xf32, #tpu.memory_space<hbm>>) dst(%arg9 : memref<200x64xf32, #tpu.memory_space<vmem>>)
    %dma_start3A_47 = arith.constant 0 : i32
    %dma_start3A_48 = tpu.memref_slice %arg6[%mul3A_34, %dma_start3A_47] : memref<100000x64xf32, #tpu.memory_space<hbm>> -> memref<200x64xf32, #tpu.memory_space<hbm>>
    %dma_start3A_49 = arith.constant 0 : i32
    %dma_start3A_50 = tpu.memref_slice %arg6[%mul3A_34, %dma_start3A_49] : memref<100000x64xf32, #tpu.memory_space<hbm>> -> memref<200x64xf32, #tpu.memory_space<hbm>>
    tpu.enqueue_dma source(%arg9 : memref<200x64xf32, #tpu.memory_space<vmem>>) target(%dma_start3A_50 : memref<200x64xf32, #tpu.memory_space<hbm>>) target_semaphore(%arg11 : memref<!tpu.dma_semaphore, #tpu.memory_space<semaphore_mem>>)
    %add3A_51 = arith.constant 96 : i32
    %add3A_52 = arith.addi %add3A_51, %add3A : i32
    %mul3A_53 = arith.constant 200 : i32
    %mul3A_54 = arith.muli %add3A_52, %mul3A_53 : i32
    %dma_wait3A_55 = arith.constant 0 : i32
    %dma_wait3A_56 = tpu.memref_slice %arg6[%mul3A_18, %dma_wait3A_55] : memref<100000x64xf32, #tpu.memory_space<hbm>> -> memref<200x64xf32, #tpu.memory_space<hbm>>
    %dma_wait3A_57 = arith.constant 0 : i32
    %dma_wait3A_58 = tpu.memref_slice %arg6[%mul3A_18, %dma_wait3A_57] : memref<100000x64xf32, #tpu.memory_space<hbm>> -> memref<200x64xf32, #tpu.memory_space<hbm>>
    tpu.wait_dma2 semaphore(%arg12 : memref<!tpu.dma_semaphore, #tpu.memory_space<semaphore_mem>>) src(%arg10 : memref<200x64xf32, #tpu.memory_space<vmem>>) dst(%dma_wait3A_58 : memref<200x64xf32, #tpu.memory_space<hbm>>)
    %dma_start3A_59 = arith.constant 0 : i32
    %dma_start3A_60 = tpu.memref_slice %arg3[%mul3A_54, %dma_start3A_59] : memref<100000x64xf32, #tpu.memory_space<hbm>> -> memref<200x64xf32, #tpu.memory_space<hbm>>
    %dma_start3A_61 = arith.constant 0 : i32
    %dma_start3A_62 = tpu.memref_slice %arg3[%mul3A_54, %dma_start3A_61] : memref<100000x64xf32, #tpu.memory_space<hbm>> -> memref<200x64xf32, #tpu.memory_space<hbm>>
    tpu.enqueue_dma source(%dma_start3A_62 : memref<200x64xf32, #tpu.memory_space<hbm>>) target(%arg10 : memref<200x64xf32, #tpu.memory_space<vmem>>) target_semaphore(%arg12 : memref<!tpu.dma_semaphore, #tpu.memory_space<semaphore_mem>>)
    %dma_wait3A_63 = arith.constant 0 : i32
    %dma_wait3A_64 = tpu.memref_slice %arg3[%mul3A_54, %dma_wait3A_63] : memref<100000x64xf32, #tpu.memory_space<hbm>> -> memref<200x64xf32, #tpu.memory_space<hbm>>
    %dma_wait3A_65 = arith.constant 0 : i32
    %dma_wait3A_66 = tpu.memref_slice %arg3[%mul3A_54, %dma_wait3A_65] : memref<100000x64xf32, #tpu.memory_space<hbm>> -> memref<200x64xf32, #tpu.memory_space<hbm>>
    tpu.wait_dma2 semaphore(%arg12 : memref<!tpu.dma_semaphore, #tpu.memory_space<semaphore_mem>>) src(%dma_wait3A_66 : memref<200x64xf32, #tpu.memory_space<hbm>>) dst(%arg10 : memref<200x64xf32, #tpu.memory_space<vmem>>)
    %dma_start3A_67 = arith.constant 0 : i32
    %dma_start3A_68 = tpu.memref_slice %arg6[%mul3A_54, %dma_start3A_67] : memref<100000x64xf32, #tpu.memory_space<hbm>> -> memref<200x64xf32, #tpu.memory_space<hbm>>
    %dma_start3A_69 = arith.constant 0 : i32
    %dma_start3A_70 = tpu.memref_slice %arg6[%mul3A_54, %dma_start3A_69] : memref<100000x64xf32, #tpu.memory_space<hbm>> -> memref<200x64xf32, #tpu.memory_space<hbm>>
    tpu.enqueue_dma source(%arg10 : memref<200x64xf32, #tpu.memory_space<vmem>>) target(%dma_start3A_70 : memref<200x64xf32, #tpu.memory_space<hbm>>) target_semaphore(%arg12 : memref<!tpu.dma_semaphore, #tpu.memory_space<semaphore_mem>>)
    %add3A_71 = arith.constant 128 : i32
    %add3A_72 = arith.addi %add3A_71, %add3A : i32
    %mul3A_73 = arith.constant 200 : i32
    %mul3A_74 = arith.muli %add3A_72, %mul3A_73 : i32
    %dma_wait3A_75 = arith.constant 0 : i32
    %dma_wait3A_76 = tpu.memref_slice %arg6[%mul3A_34, %dma_wait3A_75] : memref<100000x64xf32, #tpu.memory_space<hbm>> -> memref<200x64xf32, #tpu.memory_space<hbm>>
    %dma_wait3A_77 = arith.constant 0 : i32
    %dma_wait3A_78 = tpu.memref_slice %arg6[%mul3A_34, %dma_wait3A_77] : memref<100000x64xf32, #tpu.memory_space<hbm>> -> memref<200x64xf32, #tpu.memory_space<hbm>>
    tpu.wait_dma2 semaphore(%arg11 : memref<!tpu.dma_semaphore, #tpu.memory_space<semaphore_mem>>) src(%arg9 : memref<200x64xf32, #tpu.memory_space<vmem>>) dst(%dma_wait3A_78 : memref<200x64xf32, #tpu.memory_space<hbm>>)
    %dma_start3A_79 = arith.constant 0 : i32
    %dma_start3A_80 = tpu.memref_slice %arg3[%mul3A_74, %dma_start3A_79] : memref<100000x64xf32, #tpu.memory_space<hbm>> -> memref<200x64xf32, #tpu.memory_space<hbm>>
    %dma_start3A_81 = arith.constant 0 : i32
    %dma_start3A_82 = tpu.memref_slice %arg3[%mul3A_74, %dma_start3A_81] : memref<100000x64xf32, #tpu.memory_space<hbm>> -> memref<200x64xf32, #tpu.memory_space<hbm>>
    tpu.enqueue_dma source(%dma_start3A_82 : memref<200x64xf32, #tpu.memory_space<hbm>>) target(%arg9 : memref<200x64xf32, #tpu.memory_space<vmem>>) target_semaphore(%arg11 : memref<!tpu.dma_semaphore, #tpu.memory_space<semaphore_mem>>)
    %dma_wait3A_83 = arith.constant 0 : i32
    %dma_wait3A_84 = tpu.memref_slice %arg3[%mul3A_74, %dma_wait3A_83] : memref<100000x64xf32, #tpu.memory_space<hbm>> -> memref<200x64xf32, #tpu.memory_space<hbm>>
    %dma_wait3A_85 = arith.constant 0 : i32
    %dma_wait3A_86 = tpu.memref_slice %arg3[%mul3A_74, %dma_wait3A_85] : memref<100000x64xf32, #tpu.memory_space<hbm>> -> memref<200x64xf32, #tpu.memory_space<hbm>>
    tpu.wait_dma2 semaphore(%arg11 : memref<!tpu.dma_semaphore, #tpu.memory_space<semaphore_mem>>) src(%dma_wait3A_86 : memref<200x64xf32, #tpu.memory_space<hbm>>) dst(%arg9 : memref<200x64xf32, #tpu.memory_space<vmem>>)
    %dma_start3A_87 = arith.constant 0 : i32
    %dma_start3A_88 = tpu.memref_slice %arg6[%mul3A_74, %dma_start3A_87] : memref<100000x64xf32, #tpu.memory_space<hbm>> -> memref<200x64xf32, #tpu.memory_space<hbm>>
    %dma_start3A_89 = arith.constant 0 : i32
    %dma_start3A_90 = tpu.memref_slice %arg6[%mul3A_74, %dma_start3A_89] : memref<100000x64xf32, #tpu.memory_space<hbm>> -> memref<200x64xf32, #tpu.memory_space<hbm>>
    tpu.enqueue_dma source(%arg9 : memref<200x64xf32, #tpu.memory_space<vmem>>) target(%dma_start3A_90 : memref<200x64xf32, #tpu.memory_space<hbm>>) target_semaphore(%arg11 : memref<!tpu.dma_semaphore, #tpu.memory_space<semaphore_mem>>)
    %add3A_91 = arith.constant 160 : i32
    %add3A_92 = arith.addi %add3A_91, %add3A : i32
    %mul3A_93 = arith.constant 200 : i32
    %mul3A_94 = arith.muli %add3A_92, %mul3A_93 : i32
    %dma_wait3A_95 = arith.constant 0 : i32
    %dma_wait3A_96 = tpu.memref_slice %arg6[%mul3A_54, %dma_wait3A_95] : memref<100000x64xf32, #tpu.memory_space<hbm>> -> memref<200x64xf32, #tpu.memory_space<hbm>>
    %dma_wait3A_97 = arith.constant 0 : i32
    %dma_wait3A_98 = tpu.memref_slice %arg6[%mul3A_54, %dma_wait3A_97] : memref<100000x64xf32, #tpu.memory_space<hbm>> -> memref<200x64xf32, #tpu.memory_space<hbm>>
    tpu.wait_dma2 semaphore(%arg12 : memref<!tpu.dma_semaphore, #tpu.memory_space<semaphore_mem>>) src(%arg10 : memref<200x64xf32, #tpu.memory_space<vmem>>) dst(%dma_wait3A_98 : memref<200x64xf32, #tpu.memory_space<hbm>>)
    %dma_start3A_99 = arith.constant 0 : i32
    %dma_start3A_100 = tpu.memref_slice %arg3[%mul3A_94, %dma_start3A_99] : memref<100000x64xf32, #tpu.memory_space<hbm>> -> memref<200x64xf32, #tpu.memory_space<hbm>>
    %dma_start3A_101 = arith.constant 0 : i32
    %dma_start3A_102 = tpu.memref_slice %arg3[%mul3A_94, %dma_start3A_101] : memref<100000x64xf32, #tpu.memory_space<hbm>> -> memref<200x64xf32, #tpu.memory_space<hbm>>
    tpu.enqueue_dma source(%dma_start3A_102 : memref<200x64xf32, #tpu.memory_space<hbm>>) target(%arg10 : memref<200x64xf32, #tpu.memory_space<vmem>>) target_semaphore(%arg12 : memref<!tpu.dma_semaphore, #tpu.memory_space<semaphore_mem>>)
    %dma_wait3A_103 = arith.constant 0 : i32
    %dma_wait3A_104 = tpu.memref_slice %arg3[%mul3A_94, %dma_wait3A_103] : memref<100000x64xf32, #tpu.memory_space<hbm>> -> memref<200x64xf32, #tpu.memory_space<hbm>>
    %dma_wait3A_105 = arith.constant 0 : i32
    %dma_wait3A_106 = tpu.memref_slice %arg3[%mul3A_94, %dma_wait3A_105] : memref<100000x64xf32, #tpu.memory_space<hbm>> -> memref<200x64xf32, #tpu.memory_space<hbm>>
    tpu.wait_dma2 semaphore(%arg12 : memref<!tpu.dma_semaphore, #tpu.memory_space<semaphore_mem>>) src(%dma_wait3A_106 : memref<200x64xf32, #tpu.memory_space<hbm>>) dst(%arg10 : memref<200x64xf32, #tpu.memory_space<vmem>>)
    %dma_start3A_107 = arith.constant 0 : i32
    %dma_start3A_108 = tpu.memref_slice %arg6[%mul3A_94, %dma_start3A_107] : memref<100000x64xf32, #tpu.memory_space<hbm>> -> memref<200x64xf32, #tpu.memory_space<hbm>>
    %dma_start3A_109 = arith.constant 0 : i32
    %dma_start3A_110 = tpu.memref_slice %arg6[%mul3A_94, %dma_start3A_109] : memref<100000x64xf32, #tpu.memory_space<hbm>> -> memref<200x64xf32, #tpu.memory_space<hbm>>
    tpu.enqueue_dma source(%arg10 : memref<200x64xf32, #tpu.memory_space<vmem>>) target(%dma_start3A_110 : memref<200x64xf32, #tpu.memory_space<hbm>>) target_semaphore(%arg12 : memref<!tpu.dma_semaphore, #tpu.memory_space<semaphore_mem>>)
    %add3A_111 = arith.constant 192 : i32
    %add3A_112 = arith.addi %add3A_111, %add3A : i32
    %mul3A_113 = arith.constant 200 : i32
    %mul3A_114 = arith.muli %add3A_112, %mul3A_113 : i32
    %dma_wait3A_115 = arith.constant 0 : i32
    %dma_wait3A_116 = tpu.memref_slice %arg6[%mul3A_74, %dma_wait3A_115] : memref<100000x64xf32, #tpu.memory_space<hbm>> -> memref<200x64xf32, #tpu.memory_space<hbm>>
    %dma_wait3A_117 = arith.constant 0 : i32
    %dma_wait3A_118 = tpu.memref_slice %arg6[%mul3A_74, %dma_wait3A_117] : memref<100000x64xf32, #tpu.memory_space<hbm>> -> memref<200x64xf32, #tpu.memory_space<hbm>>
    tpu.wait_dma2 semaphore(%arg11 : memref<!tpu.dma_semaphore, #tpu.memory_space<semaphore_mem>>) src(%arg9 : memref<200x64xf32, #tpu.memory_space<vmem>>) dst(%dma_wait3A_118 : memref<200x64xf32, #tpu.memory_space<hbm>>)
    %dma_start3A_119 = arith.constant 0 : i32
    %dma_start3A_120 = tpu.memref_slice %arg3[%mul3A_114, %dma_start3A_119] : memref<100000x64xf32, #tpu.memory_space<hbm>> -> memref<200x64xf32, #tpu.memory_space<hbm>>
    %dma_start3A_121 = arith.constant 0 : i32
    %dma_start3A_122 = tpu.memref_slice %arg3[%mul3A_114, %dma_start3A_121] : memref<100000x64xf32, #tpu.memory_space<hbm>> -> memref<200x64xf32, #tpu.memory_space<hbm>>
    tpu.enqueue_dma source(%dma_start3A_122 : memref<200x64xf32, #tpu.memory_space<hbm>>) target(%arg9 : memref<200x64xf32, #tpu.memory_space<vmem>>) target_semaphore(%arg11 : memref<!tpu.dma_semaphore, #tpu.memory_space<semaphore_mem>>)
    %dma_wait3A_123 = arith.constant 0 : i32
    %dma_wait3A_124 = tpu.memref_slice %arg3[%mul3A_114, %dma_wait3A_123] : memref<100000x64xf32, #tpu.memory_space<hbm>> -> memref<200x64xf32, #tpu.memory_space<hbm>>
    %dma_wait3A_125 = arith.constant 0 : i32
    %dma_wait3A_126 = tpu.memref_slice %arg3[%mul3A_114, %dma_wait3A_125] : memref<100000x64xf32, #tpu.memory_space<hbm>> -> memref<200x64xf32, #tpu.memory_space<hbm>>
    tpu.wait_dma2 semaphore(%arg11 : memref<!tpu.dma_semaphore, #tpu.memory_space<semaphore_mem>>) src(%dma_wait3A_126 : memref<200x64xf32, #tpu.memory_space<hbm>>) dst(%arg9 : memref<200x64xf32, #tpu.memory_space<vmem>>)
    %dma_start3A_127 = arith.constant 0 : i32
    %dma_start3A_128 = tpu.memref_slice %arg6[%mul3A_114, %dma_start3A_127] : memref<100000x64xf32, #tpu.memory_space<hbm>> -> memref<200x64xf32, #tpu.memory_space<hbm>>
    %dma_start3A_129 = arith.constant 0 : i32
    %dma_start3A_130 = tpu.memref_slice %arg6[%mul3A_114, %dma_start3A_129] : memref<100000x64xf32, #tpu.memory_space<hbm>> -> memref<200x64xf32, #tpu.memory_space<hbm>>
    tpu.enqueue_dma source(%arg9 : memref<200x64xf32, #tpu.memory_space<vmem>>) target(%dma_start3A_130 : memref<200x64xf32, #tpu.memory_space<hbm>>) target_semaphore(%arg11 : memref<!tpu.dma_semaphore, #tpu.memory_space<semaphore_mem>>)
    %add3A_131 = arith.constant 224 : i32
    %add3A_132 = arith.addi %add3A_131, %add3A : i32
    %mul3A_133 = arith.constant 200 : i32
    %mul3A_134 = arith.muli %add3A_132, %mul3A_133 : i32
    %dma_wait3A_135 = arith.constant 0 : i32
    %dma_wait3A_136 = tpu.memref_slice %arg6[%mul3A_94, %dma_wait3A_135] : memref<100000x64xf32, #tpu.memory_space<hbm>> -> memref<200x64xf32, #tpu.memory_space<hbm>>
    %dma_wait3A_137 = arith.constant 0 : i32
    %dma_wait3A_138 = tpu.memref_slice %arg6[%mul3A_94, %dma_wait3A_137] : memref<100000x64xf32, #tpu.memory_space<hbm>> -> memref<200x64xf32, #tpu.memory_space<hbm>>
    tpu.wait_dma2 semaphore(%arg12 : memref<!tpu.dma_semaphore, #tpu.memory_space<semaphore_mem>>) src(%arg10 : memref<200x64xf32, #tpu.memory_space<vmem>>) dst(%dma_wait3A_138 : memref<200x64xf32, #tpu.memory_space<hbm>>)
    %dma_start3A_139 = arith.constant 0 : i32
    %dma_start3A_140 = tpu.memref_slice %arg3[%mul3A_134, %dma_start3A_139] : memref<100000x64xf32, #tpu.memory_space<hbm>> -> memref<200x64xf32, #tpu.memory_space<hbm>>
    %dma_start3A_141 = arith.constant 0 : i32
    %dma_start3A_142 = tpu.memref_slice %arg3[%mul3A_134, %dma_start3A_141] : memref<100000x64xf32, #tpu.memory_space<hbm>> -> memref<200x64xf32, #tpu.memory_space<hbm>>
    tpu.enqueue_dma source(%dma_start3A_142 : memref<200x64xf32, #tpu.memory_space<hbm>>) target(%arg10 : memref<200x64xf32, #tpu.memory_space<vmem>>) target_semaphore(%arg12 : memref<!tpu.dma_semaphore, #tpu.memory_space<semaphore_mem>>)
    %dma_wait3A_143 = arith.constant 0 : i32
    %dma_wait3A_144 = tpu.memref_slice %arg3[%mul3A_134, %dma_wait3A_143] : memref<100000x64xf32, #tpu.memory_space<hbm>> -> memref<200x64xf32, #tpu.memory_space<hbm>>
    %dma_wait3A_145 = arith.constant 0 : i32
    %dma_wait3A_146 = tpu.memref_slice %arg3[%mul3A_134, %dma_wait3A_145] : memref<100000x64xf32, #tpu.memory_space<hbm>> -> memref<200x64xf32, #tpu.memory_space<hbm>>
    tpu.wait_dma2 semaphore(%arg12 : memref<!tpu.dma_semaphore, #tpu.memory_space<semaphore_mem>>) src(%dma_wait3A_146 : memref<200x64xf32, #tpu.memory_space<hbm>>) dst(%arg10 : memref<200x64xf32, #tpu.memory_space<vmem>>)
    %dma_start3A_147 = arith.constant 0 : i32
    %dma_start3A_148 = tpu.memref_slice %arg6[%mul3A_134, %dma_start3A_147] : memref<100000x64xf32, #tpu.memory_space<hbm>> -> memref<200x64xf32, #tpu.memory_space<hbm>>
    %dma_start3A_149 = arith.constant 0 : i32
    %dma_start3A_150 = tpu.memref_slice %arg6[%mul3A_134, %dma_start3A_149] : memref<100000x64xf32, #tpu.memory_space<hbm>> -> memref<200x64xf32, #tpu.memory_space<hbm>>
    tpu.enqueue_dma source(%arg10 : memref<200x64xf32, #tpu.memory_space<vmem>>) target(%dma_start3A_150 : memref<200x64xf32, #tpu.memory_space<hbm>>) target_semaphore(%arg12 : memref<!tpu.dma_semaphore, #tpu.memory_space<semaphore_mem>>)
    %add3A_151 = arith.constant 256 : i32
    %add3A_152 = arith.addi %add3A_151, %add3A : i32
    %mul3A_153 = arith.constant 200 : i32
    %mul3A_154 = arith.muli %add3A_152, %mul3A_153 : i32
    %dma_wait3A_155 = arith.constant 0 : i32
    %dma_wait3A_156 = tpu.memref_slice %arg6[%mul3A_114, %dma_wait3A_155] : memref<100000x64xf32, #tpu.memory_space<hbm>> -> memref<200x64xf32, #tpu.memory_space<hbm>>
    %dma_wait3A_157 = arith.constant 0 : i32
    %dma_wait3A_158 = tpu.memref_slice %arg6[%mul3A_114, %dma_wait3A_157] : memref<100000x64xf32, #tpu.memory_space<hbm>> -> memref<200x64xf32, #tpu.memory_space<hbm>>
    tpu.wait_dma2 semaphore(%arg11 : memref<!tpu.dma_semaphore, #tpu.memory_space<semaphore_mem>>) src(%arg9 : memref<200x64xf32, #tpu.memory_space<vmem>>) dst(%dma_wait3A_158 : memref<200x64xf32, #tpu.memory_space<hbm>>)
    %dma_start3A_159 = arith.constant 0 : i32
    %dma_start3A_160 = tpu.memref_slice %arg3[%mul3A_154, %dma_start3A_159] : memref<100000x64xf32, #tpu.memory_space<hbm>> -> memref<200x64xf32, #tpu.memory_space<hbm>>
    %dma_start3A_161 = arith.constant 0 : i32
    %dma_start3A_162 = tpu.memref_slice %arg3[%mul3A_154, %dma_start3A_161] : memref<100000x64xf32, #tpu.memory_space<hbm>> -> memref<200x64xf32, #tpu.memory_space<hbm>>
    tpu.enqueue_dma source(%dma_start3A_162 : memref<200x64xf32, #tpu.memory_space<hbm>>) target(%arg9 : memref<200x64xf32, #tpu.memory_space<vmem>>) target_semaphore(%arg11 : memref<!tpu.dma_semaphore, #tpu.memory_space<semaphore_mem>>)
    %dma_wait3A_163 = arith.constant 0 : i32
    %dma_wait3A_164 = tpu.memref_slice %arg3[%mul3A_154, %dma_wait3A_163] : memref<100000x64xf32, #tpu.memory_space<hbm>> -> memref<200x64xf32, #tpu.memory_space<hbm>>
    %dma_wait3A_165 = arith.constant 0 : i32
    %dma_wait3A_166 = tpu.memref_slice %arg3[%mul3A_154, %dma_wait3A_165] : memref<100000x64xf32, #tpu.memory_space<hbm>> -> memref<200x64xf32, #tpu.memory_space<hbm>>
    tpu.wait_dma2 semaphore(%arg11 : memref<!tpu.dma_semaphore, #tpu.memory_space<semaphore_mem>>) src(%dma_wait3A_166 : memref<200x64xf32, #tpu.memory_space<hbm>>) dst(%arg9 : memref<200x64xf32, #tpu.memory_space<vmem>>)
    %dma_start3A_167 = arith.constant 0 : i32
    %dma_start3A_168 = tpu.memref_slice %arg6[%mul3A_154, %dma_start3A_167] : memref<100000x64xf32, #tpu.memory_space<hbm>> -> memref<200x64xf32, #tpu.memory_space<hbm>>
    %dma_start3A_169 = arith.constant 0 : i32
    %dma_start3A_170 = tpu.memref_slice %arg6[%mul3A_154, %dma_start3A_169] : memref<100000x64xf32, #tpu.memory_space<hbm>> -> memref<200x64xf32, #tpu.memory_space<hbm>>
    tpu.enqueue_dma source(%arg9 : memref<200x64xf32, #tpu.memory_space<vmem>>) target(%dma_start3A_170 : memref<200x64xf32, #tpu.memory_space<hbm>>) target_semaphore(%arg11 : memref<!tpu.dma_semaphore, #tpu.memory_space<semaphore_mem>>)
    %add3A_171 = arith.constant 288 : i32
    %add3A_172 = arith.addi %add3A_171, %add3A : i32
    %mul3A_173 = arith.constant 200 : i32
    %mul3A_174 = arith.muli %add3A_172, %mul3A_173 : i32
    %dma_wait3A_175 = arith.constant 0 : i32
    %dma_wait3A_176 = tpu.memref_slice %arg6[%mul3A_134, %dma_wait3A_175] : memref<100000x64xf32, #tpu.memory_space<hbm>> -> memref<200x64xf32, #tpu.memory_space<hbm>>
    %dma_wait3A_177 = arith.constant 0 : i32
    %dma_wait3A_178 = tpu.memref_slice %arg6[%mul3A_134, %dma_wait3A_177] : memref<100000x64xf32, #tpu.memory_space<hbm>> -> memref<200x64xf32, #tpu.memory_space<hbm>>
    tpu.wait_dma2 semaphore(%arg12 : memref<!tpu.dma_semaphore, #tpu.memory_space<semaphore_mem>>) src(%arg10 : memref<200x64xf32, #tpu.memory_space<vmem>>) dst(%dma_wait3A_178 : memref<200x64xf32, #tpu.memory_space<hbm>>)
    %dma_start3A_179 = arith.constant 0 : i32
    %dma_start3A_180 = tpu.memref_slice %arg3[%mul3A_174, %dma_start3A_179] : memref<100000x64xf32, #tpu.memory_space<hbm>> -> memref<200x64xf32, #tpu.memory_space<hbm>>
    %dma_start3A_181 = arith.constant 0 : i32
    %dma_start3A_182 = tpu.memref_slice %arg3[%mul3A_174, %dma_start3A_181] : memref<100000x64xf32, #tpu.memory_space<hbm>> -> memref<200x64xf32, #tpu.memory_space<hbm>>
    tpu.enqueue_dma source(%dma_start3A_182 : memref<200x64xf32, #tpu.memory_space<hbm>>) target(%arg10 : memref<200x64xf32, #tpu.memory_space<vmem>>) target_semaphore(%arg12 : memref<!tpu.dma_semaphore, #tpu.memory_space<semaphore_mem>>)
    %dma_wait3A_183 = arith.constant 0 : i32
    %dma_wait3A_184 = tpu.memref_slice %arg3[%mul3A_174, %dma_wait3A_183] : memref<100000x64xf32, #tpu.memory_space<hbm>> -> memref<200x64xf32, #tpu.memory_space<hbm>>
    %dma_wait3A_185 = arith.constant 0 : i32
    %dma_wait3A_186 = tpu.memref_slice %arg3[%mul3A_174, %dma_wait3A_185] : memref<100000x64xf32, #tpu.memory_space<hbm>> -> memref<200x64xf32, #tpu.memory_space<hbm>>
    tpu.wait_dma2 semaphore(%arg12 : memref<!tpu.dma_semaphore, #tpu.memory_space<semaphore_mem>>) src(%dma_wait3A_186 : memref<200x64xf32, #tpu.memory_space<hbm>>) dst(%arg10 : memref<200x64xf32, #tpu.memory_space<vmem>>)
    %dma_start3A_187 = arith.constant 0 : i32
    %dma_start3A_188 = tpu.memref_slice %arg6[%mul3A_174, %dma_start3A_187] : memref<100000x64xf32, #tpu.memory_space<hbm>> -> memref<200x64xf32, #tpu.memory_space<hbm>>
    %dma_start3A_189 = arith.constant 0 : i32
    %dma_start3A_190 = tpu.memref_slice %arg6[%mul3A_174, %dma_start3A_189] : memref<100000x64xf32, #tpu.memory_space<hbm>> -> memref<200x64xf32, #tpu.memory_space<hbm>>
    tpu.enqueue_dma source(%arg10 : memref<200x64xf32, #tpu.memory_space<vmem>>) target(%dma_start3A_190 : memref<200x64xf32, #tpu.memory_space<hbm>>) target_semaphore(%arg12 : memref<!tpu.dma_semaphore, #tpu.memory_space<semaphore_mem>>)
    %add3A_191 = arith.constant 320 : i32
    %add3A_192 = arith.addi %add3A_191, %add3A : i32
    %mul3A_193 = arith.constant 200 : i32
    %mul3A_194 = arith.muli %add3A_192, %mul3A_193 : i32
    %dma_wait3A_195 = arith.constant 0 : i32
    %dma_wait3A_196 = tpu.memref_slice %arg6[%mul3A_154, %dma_wait3A_195] : memref<100000x64xf32, #tpu.memory_space<hbm>> -> memref<200x64xf32, #tpu.memory_space<hbm>>
    %dma_wait3A_197 = arith.constant 0 : i32
    %dma_wait3A_198 = tpu.memref_slice %arg6[%mul3A_154, %dma_wait3A_197] : memref<100000x64xf32, #tpu.memory_space<hbm>> -> memref<200x64xf32, #tpu.memory_space<hbm>>
    tpu.wait_dma2 semaphore(%arg11 : memref<!tpu.dma_semaphore, #tpu.memory_space<semaphore_mem>>) src(%arg9 : memref<200x64xf32, #tpu.memory_space<vmem>>) dst(%dma_wait3A_198 : memref<200x64xf32, #tpu.memory_space<hbm>>)
    %dma_start3A_199 = arith.constant 0 : i32
    %dma_start3A_200 = tpu.memref_slice %arg3[%mul3A_194, %dma_start3A_199] : memref<100000x64xf32, #tpu.memory_space<hbm>> -> memref<200x64xf32, #tpu.memory_space<hbm>>
    %dma_start3A_201 = arith.constant 0 : i32
    %dma_start3A_202 = tpu.memref_slice %arg3[%mul3A_194, %dma_start3A_201] : memref<100000x64xf32, #tpu.memory_space<hbm>> -> memref<200x64xf32, #tpu.memory_space<hbm>>
    tpu.enqueue_dma source(%dma_start3A_202 : memref<200x64xf32, #tpu.memory_space<hbm>>) target(%arg9 : memref<200x64xf32, #tpu.memory_space<vmem>>) target_semaphore(%arg11 : memref<!tpu.dma_semaphore, #tpu.memory_space<semaphore_mem>>)
    %dma_wait3A_203 = arith.constant 0 : i32
    %dma_wait3A_204 = tpu.memref_slice %arg3[%mul3A_194, %dma_wait3A_203] : memref<100000x64xf32, #tpu.memory_space<hbm>> -> memref<200x64xf32, #tpu.memory_space<hbm>>
    %dma_wait3A_205 = arith.constant 0 : i32
    %dma_wait3A_206 = tpu.memref_slice %arg3[%mul3A_194, %dma_wait3A_205] : memref<100000x64xf32, #tpu.memory_space<hbm>> -> memref<200x64xf32, #tpu.memory_space<hbm>>
    tpu.wait_dma2 semaphore(%arg11 : memref<!tpu.dma_semaphore, #tpu.memory_space<semaphore_mem>>) src(%dma_wait3A_206 : memref<200x64xf32, #tpu.memory_space<hbm>>) dst(%arg9 : memref<200x64xf32, #tpu.memory_space<vmem>>)
    %dma_start3A_207 = arith.constant 0 : i32
    %dma_start3A_208 = tpu.memref_slice %arg6[%mul3A_194, %dma_start3A_207] : memref<100000x64xf32, #tpu.memory_space<hbm>> -> memref<200x64xf32, #tpu.memory_space<hbm>>
    %dma_start3A_209 = arith.constant 0 : i32
    %dma_start3A_210 = tpu.memref_slice %arg6[%mul3A_194, %dma_start3A_209] : memref<100000x64xf32, #tpu.memory_space<hbm>> -> memref<200x64xf32, #tpu.memory_space<hbm>>
    tpu.enqueue_dma source(%arg9 : memref<200x64xf32, #tpu.memory_space<vmem>>) target(%dma_start3A_210 : memref<200x64xf32, #tpu.memory_space<hbm>>) target_semaphore(%arg11 : memref<!tpu.dma_semaphore, #tpu.memory_space<semaphore_mem>>)
    %add3A_211 = arith.constant 352 : i32
    %add3A_212 = arith.addi %add3A_211, %add3A : i32
    %mul3A_213 = arith.constant 200 : i32
    %mul3A_214 = arith.muli %add3A_212, %mul3A_213 : i32
    %dma_wait3A_215 = arith.constant 0 : i32
    %dma_wait3A_216 = tpu.memref_slice %arg6[%mul3A_174, %dma_wait3A_215] : memref<100000x64xf32, #tpu.memory_space<hbm>> -> memref<200x64xf32, #tpu.memory_space<hbm>>
    %dma_wait3A_217 = arith.constant 0 : i32
    %dma_wait3A_218 = tpu.memref_slice %arg6[%mul3A_174, %dma_wait3A_217] : memref<100000x64xf32, #tpu.memory_space<hbm>> -> memref<200x64xf32, #tpu.memory_space<hbm>>
    tpu.wait_dma2 semaphore(%arg12 : memref<!tpu.dma_semaphore, #tpu.memory_space<semaphore_mem>>) src(%arg10 : memref<200x64xf32, #tpu.memory_space<vmem>>) dst(%dma_wait3A_218 : memref<200x64xf32, #tpu.memory_space<hbm>>)
    %dma_start3A_219 = arith.constant 0 : i32
    %dma_start3A_220 = tpu.memref_slice %arg3[%mul3A_214, %dma_start3A_219] : memref<100000x64xf32, #tpu.memory_space<hbm>> -> memref<200x64xf32, #tpu.memory_space<hbm>>
    %dma_start3A_221 = arith.constant 0 : i32
    %dma_start3A_222 = tpu.memref_slice %arg3[%mul3A_214, %dma_start3A_221] : memref<100000x64xf32, #tpu.memory_space<hbm>> -> memref<200x64xf32, #tpu.memory_space<hbm>>
    tpu.enqueue_dma source(%dma_start3A_222 : memref<200x64xf32, #tpu.memory_space<hbm>>) target(%arg10 : memref<200x64xf32, #tpu.memory_space<vmem>>) target_semaphore(%arg12 : memref<!tpu.dma_semaphore, #tpu.memory_space<semaphore_mem>>)
    %dma_wait3A_223 = arith.constant 0 : i32
    %dma_wait3A_224 = tpu.memref_slice %arg3[%mul3A_214, %dma_wait3A_223] : memref<100000x64xf32, #tpu.memory_space<hbm>> -> memref<200x64xf32, #tpu.memory_space<hbm>>
    %dma_wait3A_225 = arith.constant 0 : i32
    %dma_wait3A_226 = tpu.memref_slice %arg3[%mul3A_214, %dma_wait3A_225] : memref<100000x64xf32, #tpu.memory_space<hbm>> -> memref<200x64xf32, #tpu.memory_space<hbm>>
    tpu.wait_dma2 semaphore(%arg12 : memref<!tpu.dma_semaphore, #tpu.memory_space<semaphore_mem>>) src(%dma_wait3A_226 : memref<200x64xf32, #tpu.memory_space<hbm>>) dst(%arg10 : memref<200x64xf32, #tpu.memory_space<vmem>>)
    %dma_start3A_227 = arith.constant 0 : i32
    %dma_start3A_228 = tpu.memref_slice %arg6[%mul3A_214, %dma_start3A_227] : memref<100000x64xf32, #tpu.memory_space<hbm>> -> memref<200x64xf32, #tpu.memory_space<hbm>>
    %dma_start3A_229 = arith.constant 0 : i32
    %dma_start3A_230 = tpu.memref_slice %arg6[%mul3A_214, %dma_start3A_229] : memref<100000x64xf32, #tpu.memory_space<hbm>> -> memref<200x64xf32, #tpu.memory_space<hbm>>
    tpu.enqueue_dma source(%arg10 : memref<200x64xf32, #tpu.memory_space<vmem>>) target(%dma_start3A_230 : memref<200x64xf32, #tpu.memory_space<hbm>>) target_semaphore(%arg12 : memref<!tpu.dma_semaphore, #tpu.memory_space<semaphore_mem>>)
    %add3A_231 = arith.constant 384 : i32
    %add3A_232 = arith.addi %add3A_231, %add3A : i32
    %mul3A_233 = arith.constant 200 : i32
    %mul3A_234 = arith.muli %add3A_232, %mul3A_233 : i32
    %dma_wait3A_235 = arith.constant 0 : i32
    %dma_wait3A_236 = tpu.memref_slice %arg6[%mul3A_194, %dma_wait3A_235] : memref<100000x64xf32, #tpu.memory_space<hbm>> -> memref<200x64xf32, #tpu.memory_space<hbm>>
    %dma_wait3A_237 = arith.constant 0 : i32
    %dma_wait3A_238 = tpu.memref_slice %arg6[%mul3A_194, %dma_wait3A_237] : memref<100000x64xf32, #tpu.memory_space<hbm>> -> memref<200x64xf32, #tpu.memory_space<hbm>>
    tpu.wait_dma2 semaphore(%arg11 : memref<!tpu.dma_semaphore, #tpu.memory_space<semaphore_mem>>) src(%arg9 : memref<200x64xf32, #tpu.memory_space<vmem>>) dst(%dma_wait3A_238 : memref<200x64xf32, #tpu.memory_space<hbm>>)
    %dma_start3A_239 = arith.constant 0 : i32
    %dma_start3A_240 = tpu.memref_slice %arg3[%mul3A_234, %dma_start3A_239] : memref<100000x64xf32, #tpu.memory_space<hbm>> -> memref<200x64xf32, #tpu.memory_space<hbm>>
    %dma_start3A_241 = arith.constant 0 : i32
    %dma_start3A_242 = tpu.memref_slice %arg3[%mul3A_234, %dma_start3A_241] : memref<100000x64xf32, #tpu.memory_space<hbm>> -> memref<200x64xf32, #tpu.memory_space<hbm>>
    tpu.enqueue_dma source(%dma_start3A_242 : memref<200x64xf32, #tpu.memory_space<hbm>>) target(%arg9 : memref<200x64xf32, #tpu.memory_space<vmem>>) target_semaphore(%arg11 : memref<!tpu.dma_semaphore, #tpu.memory_space<semaphore_mem>>)
    %dma_wait3A_243 = arith.constant 0 : i32
    %dma_wait3A_244 = tpu.memref_slice %arg3[%mul3A_234, %dma_wait3A_243] : memref<100000x64xf32, #tpu.memory_space<hbm>> -> memref<200x64xf32, #tpu.memory_space<hbm>>
    %dma_wait3A_245 = arith.constant 0 : i32
    %dma_wait3A_246 = tpu.memref_slice %arg3[%mul3A_234, %dma_wait3A_245] : memref<100000x64xf32, #tpu.memory_space<hbm>> -> memref<200x64xf32, #tpu.memory_space<hbm>>
    tpu.wait_dma2 semaphore(%arg11 : memref<!tpu.dma_semaphore, #tpu.memory_space<semaphore_mem>>) src(%dma_wait3A_246 : memref<200x64xf32, #tpu.memory_space<hbm>>) dst(%arg9 : memref<200x64xf32, #tpu.memory_space<vmem>>)
    %dma_start3A_247 = arith.constant 0 : i32
    %dma_start3A_248 = tpu.memref_slice %arg6[%mul3A_234, %dma_start3A_247] : memref<100000x64xf32, #tpu.memory_space<hbm>> -> memref<200x64xf32, #tpu.memory_space<hbm>>
    %dma_start3A_249 = arith.constant 0 : i32
    %dma_start3A_250 = tpu.memref_slice %arg6[%mul3A_234, %dma_start3A_249] : memref<100000x64xf32, #tpu.memory_space<hbm>> -> memref<200x64xf32, #tpu.memory_space<hbm>>
    tpu.enqueue_dma source(%arg9 : memref<200x64xf32, #tpu.memory_space<vmem>>) target(%dma_start3A_250 : memref<200x64xf32, #tpu.memory_space<hbm>>) target_semaphore(%arg11 : memref<!tpu.dma_semaphore, #tpu.memory_space<semaphore_mem>>)
    %add3A_251 = arith.constant 416 : i32
    %add3A_252 = arith.addi %add3A_251, %add3A : i32
    %mul3A_253 = arith.constant 200 : i32
    %mul3A_254 = arith.muli %add3A_252, %mul3A_253 : i32
    %dma_wait3A_255 = arith.constant 0 : i32
    %dma_wait3A_256 = tpu.memref_slice %arg6[%mul3A_214, %dma_wait3A_255] : memref<100000x64xf32, #tpu.memory_space<hbm>> -> memref<200x64xf32, #tpu.memory_space<hbm>>
    %dma_wait3A_257 = arith.constant 0 : i32
    %dma_wait3A_258 = tpu.memref_slice %arg6[%mul3A_214, %dma_wait3A_257] : memref<100000x64xf32, #tpu.memory_space<hbm>> -> memref<200x64xf32, #tpu.memory_space<hbm>>
    tpu.wait_dma2 semaphore(%arg12 : memref<!tpu.dma_semaphore, #tpu.memory_space<semaphore_mem>>) src(%arg10 : memref<200x64xf32, #tpu.memory_space<vmem>>) dst(%dma_wait3A_258 : memref<200x64xf32, #tpu.memory_space<hbm>>)
    %dma_start3A_259 = arith.constant 0 : i32
    %dma_start3A_260 = tpu.memref_slice %arg3[%mul3A_254, %dma_start3A_259] : memref<100000x64xf32, #tpu.memory_space<hbm>> -> memref<200x64xf32, #tpu.memory_space<hbm>>
    %dma_start3A_261 = arith.constant 0 : i32
    %dma_start3A_262 = tpu.memref_slice %arg3[%mul3A_254, %dma_start3A_261] : memref<100000x64xf32, #tpu.memory_space<hbm>> -> memref<200x64xf32, #tpu.memory_space<hbm>>
    tpu.enqueue_dma source(%dma_start3A_262 : memref<200x64xf32, #tpu.memory_space<hbm>>) target(%arg10 : memref<200x64xf32, #tpu.memory_space<vmem>>) target_semaphore(%arg12 : memref<!tpu.dma_semaphore, #tpu.memory_space<semaphore_mem>>)
    %dma_wait3A_263 = arith.constant 0 : i32
    %dma_wait3A_264 = tpu.memref_slice %arg3[%mul3A_254, %dma_wait3A_263] : memref<100000x64xf32, #tpu.memory_space<hbm>> -> memref<200x64xf32, #tpu.memory_space<hbm>>
    %dma_wait3A_265 = arith.constant 0 : i32
    %dma_wait3A_266 = tpu.memref_slice %arg3[%mul3A_254, %dma_wait3A_265] : memref<100000x64xf32, #tpu.memory_space<hbm>> -> memref<200x64xf32, #tpu.memory_space<hbm>>
    tpu.wait_dma2 semaphore(%arg12 : memref<!tpu.dma_semaphore, #tpu.memory_space<semaphore_mem>>) src(%dma_wait3A_266 : memref<200x64xf32, #tpu.memory_space<hbm>>) dst(%arg10 : memref<200x64xf32, #tpu.memory_space<vmem>>)
    %dma_start3A_267 = arith.constant 0 : i32
    %dma_start3A_268 = tpu.memref_slice %arg6[%mul3A_254, %dma_start3A_267] : memref<100000x64xf32, #tpu.memory_space<hbm>> -> memref<200x64xf32, #tpu.memory_space<hbm>>
    %dma_start3A_269 = arith.constant 0 : i32
    %dma_start3A_270 = tpu.memref_slice %arg6[%mul3A_254, %dma_start3A_269] : memref<100000x64xf32, #tpu.memory_space<hbm>> -> memref<200x64xf32, #tpu.memory_space<hbm>>
    tpu.enqueue_dma source(%arg10 : memref<200x64xf32, #tpu.memory_space<vmem>>) target(%dma_start3A_270 : memref<200x64xf32, #tpu.memory_space<hbm>>) target_semaphore(%arg12 : memref<!tpu.dma_semaphore, #tpu.memory_space<semaphore_mem>>)
    %add3A_271 = arith.constant 448 : i32
    %add3A_272 = arith.addi %add3A_271, %add3A : i32
    %mul3A_273 = arith.constant 200 : i32
    %mul3A_274 = arith.muli %add3A_272, %mul3A_273 : i32
    %dma_wait3A_275 = arith.constant 0 : i32
    %dma_wait3A_276 = tpu.memref_slice %arg6[%mul3A_234, %dma_wait3A_275] : memref<100000x64xf32, #tpu.memory_space<hbm>> -> memref<200x64xf32, #tpu.memory_space<hbm>>
    %dma_wait3A_277 = arith.constant 0 : i32
    %dma_wait3A_278 = tpu.memref_slice %arg6[%mul3A_234, %dma_wait3A_277] : memref<100000x64xf32, #tpu.memory_space<hbm>> -> memref<200x64xf32, #tpu.memory_space<hbm>>
    tpu.wait_dma2 semaphore(%arg11 : memref<!tpu.dma_semaphore, #tpu.memory_space<semaphore_mem>>) src(%arg9 : memref<200x64xf32, #tpu.memory_space<vmem>>) dst(%dma_wait3A_278 : memref<200x64xf32, #tpu.memory_space<hbm>>)
    %dma_start3A_279 = arith.constant 0 : i32
    %dma_start3A_280 = tpu.memref_slice %arg3[%mul3A_274, %dma_start3A_279] : memref<100000x64xf32, #tpu.memory_space<hbm>> -> memref<200x64xf32, #tpu.memory_space<hbm>>
    %dma_start3A_281 = arith.constant 0 : i32
    %dma_start3A_282 = tpu.memref_slice %arg3[%mul3A_274, %dma_start3A_281] : memref<100000x64xf32, #tpu.memory_space<hbm>> -> memref<200x64xf32, #tpu.memory_space<hbm>>
    tpu.enqueue_dma source(%dma_start3A_282 : memref<200x64xf32, #tpu.memory_space<hbm>>) target(%arg9 : memref<200x64xf32, #tpu.memory_space<vmem>>) target_semaphore(%arg11 : memref<!tpu.dma_semaphore, #tpu.memory_space<semaphore_mem>>)
    %dma_wait3A_283 = arith.constant 0 : i32
    %dma_wait3A_284 = tpu.memref_slice %arg3[%mul3A_274, %dma_wait3A_283] : memref<100000x64xf32, #tpu.memory_space<hbm>> -> memref<200x64xf32, #tpu.memory_space<hbm>>
    %dma_wait3A_285 = arith.constant 0 : i32
    %dma_wait3A_286 = tpu.memref_slice %arg3[%mul3A_274, %dma_wait3A_285] : memref<100000x64xf32, #tpu.memory_space<hbm>> -> memref<200x64xf32, #tpu.memory_space<hbm>>
    tpu.wait_dma2 semaphore(%arg11 : memref<!tpu.dma_semaphore, #tpu.memory_space<semaphore_mem>>) src(%dma_wait3A_286 : memref<200x64xf32, #tpu.memory_space<hbm>>) dst(%arg9 : memref<200x64xf32, #tpu.memory_space<vmem>>)
    %dma_start3A_287 = arith.constant 0 : i32
    %dma_start3A_288 = tpu.memref_slice %arg6[%mul3A_274, %dma_start3A_287] : memref<100000x64xf32, #tpu.memory_space<hbm>> -> memref<200x64xf32, #tpu.memory_space<hbm>>
    %dma_start3A_289 = arith.constant 0 : i32
    %dma_start3A_290 = tpu.memref_slice %arg6[%mul3A_274, %dma_start3A_289] : memref<100000x64xf32, #tpu.memory_space<hbm>> -> memref<200x64xf32, #tpu.memory_space<hbm>>
    tpu.enqueue_dma source(%arg9 : memref<200x64xf32, #tpu.memory_space<vmem>>) target(%dma_start3A_290 : memref<200x64xf32, #tpu.memory_space<hbm>>) target_semaphore(%arg11 : memref<!tpu.dma_semaphore, #tpu.memory_space<semaphore_mem>>)
    %add3A_291 = arith.constant 480 : i32
    %add3A_292 = arith.addi %add3A_291, %add3A : i32
    %mul3A_293 = arith.constant 200 : i32
    %mul3A_294 = arith.muli %add3A_292, %mul3A_293 : i32
    %lt3A = arith.constant 20 : i32
    %lt3A_295 = arith.cmpi slt, %add3A, %lt3A : i32
    %convert_element_type3A = arith.extui %lt3A_295 : i1 to i32
    %cond3A = arith.constant 0 : i32
    %cond3A_296 = arith.cmpi ne, %convert_element_type3A, %cond3A : i32
    scf.if %cond3A_296 {
      %dma_wait3A_1286 = arith.constant 0 : i32
      %dma_wait3A_1287 = tpu.memref_slice %arg6[%mul3A_254, %dma_wait3A_1286] : memref<100000x64xf32, #tpu.memory_space<hbm>> -> memref<200x64xf32, #tpu.memory_space<hbm>>
      %dma_wait3A_1288 = arith.constant 0 : i32
      %dma_wait3A_1289 = tpu.memref_slice %arg6[%mul3A_254, %dma_wait3A_1288] : memref<100000x64xf32, #tpu.memory_space<hbm>> -> memref<200x64xf32, #tpu.memory_space<hbm>>
      tpu.wait_dma2 semaphore(%arg12 : memref<!tpu.dma_semaphore, #tpu.memory_space<semaphore_mem>>) src(%arg10 : memref<200x64xf32, #tpu.memory_space<vmem>>) dst(%dma_wait3A_1289 : memref<200x64xf32, #tpu.memory_space<hbm>>)
      %dma_start3A_1290 = arith.constant 0 : i32
      %dma_start3A_1291 = tpu.memref_slice %arg3[%mul3A_294, %dma_start3A_1290] : memref<100000x64xf32, #tpu.memory_space<hbm>> -> memref<200x64xf32, #tpu.memory_space<hbm>>
      %dma_start3A_1292 = arith.constant 0 : i32
      %dma_start3A_1293 = tpu.memref_slice %arg3[%mul3A_294, %dma_start3A_1292] : memref<100000x64xf32, #tpu.memory_space<hbm>> -> memref<200x64xf32, #tpu.memory_space<hbm>>
      tpu.enqueue_dma source(%dma_start3A_1293 : memref<200x64xf32, #tpu.memory_space<hbm>>) target(%arg10 : memref<200x64xf32, #tpu.memory_space<vmem>>) target_semaphore(%arg12 : memref<!tpu.dma_semaphore, #tpu.memory_space<semaphore_mem>>)
      %dma_wait3A_1294 = arith.constant 0 : i32
      %dma_wait3A_1295 = tpu.memref_slice %arg3[%mul3A_294, %dma_wait3A_1294] : memref<100000x64xf32, #tpu.memory_space<hbm>> -> memref<200x64xf32, #tpu.memory_space<hbm>>
      %dma_wait3A_1296 = arith.constant 0 : i32
      %dma_wait3A_1297 = tpu.memref_slice %arg3[%mul3A_294, %dma_wait3A_1296] : memref<100000x64xf32, #tpu.memory_space<hbm>> -> memref<200x64xf32, #tpu.memory_space<hbm>>
      tpu.wait_dma2 semaphore(%arg12 : memref<!tpu.dma_semaphore, #tpu.memory_space<semaphore_mem>>) src(%dma_wait3A_1297 : memref<200x64xf32, #tpu.memory_space<hbm>>) dst(%arg10 : memref<200x64xf32, #tpu.memory_space<vmem>>)
      %dma_start3A_1298 = arith.constant 0 : i32
      %dma_start3A_1299 = tpu.memref_slice %arg6[%mul3A_294, %dma_start3A_1298] : memref<100000x64xf32, #tpu.memory_space<hbm>> -> memref<200x64xf32, #tpu.memory_space<hbm>>
      %dma_start3A_1300 = arith.constant 0 : i32
      %dma_start3A_1301 = tpu.memref_slice %arg6[%mul3A_294, %dma_start3A_1300] : memref<100000x64xf32, #tpu.memory_space<hbm>> -> memref<200x64xf32, #tpu.memory_space<hbm>>
      tpu.enqueue_dma source(%arg10 : memref<200x64xf32, #tpu.memory_space<vmem>>) target(%dma_start3A_1301 : memref<200x64xf32, #tpu.memory_space<hbm>>) target_semaphore(%arg12 : memref<!tpu.dma_semaphore, #tpu.memory_space<semaphore_mem>>)
      %dma_wait3A_1302 = arith.constant 0 : i32
      %dma_wait3A_1303 = tpu.memref_slice %arg6[%mul3A_294, %dma_wait3A_1302] : memref<100000x64xf32, #tpu.memory_space<hbm>> -> memref<200x64xf32, #tpu.memory_space<hbm>>
      %dma_wait3A_1304 = arith.constant 0 : i32
      %dma_wait3A_1305 = tpu.memref_slice %arg6[%mul3A_294, %dma_wait3A_1304] : memref<100000x64xf32, #tpu.memory_space<hbm>> -> memref<200x64xf32, #tpu.memory_space<hbm>>
      tpu.wait_dma2 semaphore(%arg12 : memref<!tpu.dma_semaphore, #tpu.memory_space<semaphore_mem>>) src(%arg10 : memref<200x64xf32, #tpu.memory_space<vmem>>) dst(%dma_wait3A_1305 : memref<200x64xf32, #tpu.memory_space<hbm>>)
    } else {
    }
    %ge3A = arith.constant 20 : i32
    %ge3A_297 = arith.cmpi sge, %add3A, %ge3A : i32
    %convert_element_type3A_298 = arith.extui %ge3A_297 : i1 to i32
    %cond3A_299 = arith.constant 0 : i32
    %cond3A_300 = arith.cmpi ne, %convert_element_type3A_298, %cond3A_299 : i32
    scf.if %cond3A_300 {
      %dma_wait3A_1286 = arith.constant 0 : i32
      %dma_wait3A_1287 = tpu.memref_slice %arg6[%mul3A_254, %dma_wait3A_1286] : memref<100000x64xf32, #tpu.memory_space<hbm>> -> memref<200x64xf32, #tpu.memory_space<hbm>>
      %dma_wait3A_1288 = arith.constant 0 : i32
      %dma_wait3A_1289 = tpu.memref_slice %arg6[%mul3A_254, %dma_wait3A_1288] : memref<100000x64xf32, #tpu.memory_space<hbm>> -> memref<200x64xf32, #tpu.memory_space<hbm>>
      tpu.wait_dma2 semaphore(%arg12 : memref<!tpu.dma_semaphore, #tpu.memory_space<semaphore_mem>>) src(%arg10 : memref<200x64xf32, #tpu.memory_space<vmem>>) dst(%dma_wait3A_1289 : memref<200x64xf32, #tpu.memory_space<hbm>>)
    } else {
    }
    %dma_wait3A_301 = arith.constant 0 : i32
    %dma_wait3A_302 = tpu.memref_slice %arg6[%mul3A_274, %dma_wait3A_301] : memref<100000x64xf32, #tpu.memory_space<hbm>> -> memref<200x64xf32, #tpu.memory_space<hbm>>
    %dma_wait3A_303 = arith.constant 0 : i32
    %dma_wait3A_304 = tpu.memref_slice %arg6[%mul3A_274, %dma_wait3A_303] : memref<100000x64xf32, #tpu.memory_space<hbm>> -> memref<200x64xf32, #tpu.memory_space<hbm>>
    tpu.wait_dma2 semaphore(%arg11 : memref<!tpu.dma_semaphore, #tpu.memory_space<semaphore_mem>>) src(%arg9 : memref<200x64xf32, #tpu.memory_space<vmem>>) dst(%dma_wait3A_304 : memref<200x64xf32, #tpu.memory_space<hbm>>)
    %mul3A_305 = arith.constant 200 : i32
    %mul3A_306 = arith.muli %add3A, %mul3A_305 : i32
    %lt3A_307 = arith.constant 5 : i32
    %lt3A_308 = arith.cmpi slt, %add3A, %lt3A_307 : i32
    %convert_element_type3A_309 = arith.extui %lt3A_308 : i1 to i32
    %cond3A_310 = arith.constant 0 : i32
    %cond3A_311 = arith.cmpi ne, %convert_element_type3A_309, %cond3A_310 : i32
    scf.if %cond3A_311 {
      %dma_start3A_1286 = arith.constant 0 : i32
      %dma_start3A_1287 = tpu.memref_slice %arg2[%mul3A_306, %dma_start3A_1286] : memref<1000x64xf32, #tpu.memory_space<hbm>> -> memref<200x64xf32, #tpu.memory_space<hbm>>
      %dma_start3A_1288 = arith.constant 0 : i32
      %dma_start3A_1289 = tpu.memref_slice %arg2[%mul3A_306, %dma_start3A_1288] : memref<1000x64xf32, #tpu.memory_space<hbm>> -> memref<200x64xf32, #tpu.memory_space<hbm>>
      tpu.enqueue_dma source(%dma_start3A_1289 : memref<200x64xf32, #tpu.memory_space<hbm>>) target(%arg9 : memref<200x64xf32, #tpu.memory_space<vmem>>) target_semaphore(%arg14 : memref<!tpu.dma_semaphore, #tpu.memory_space<semaphore_mem>>)
      %dma_wait3A_1290 = arith.constant 0 : i32
      %dma_wait3A_1291 = tpu.memref_slice %arg2[%mul3A_306, %dma_wait3A_1290] : memref<1000x64xf32, #tpu.memory_space<hbm>> -> memref<200x64xf32, #tpu.memory_space<hbm>>
      %dma_wait3A_1292 = arith.constant 0 : i32
      %dma_wait3A_1293 = tpu.memref_slice %arg2[%mul3A_306, %dma_wait3A_1292] : memref<1000x64xf32, #tpu.memory_space<hbm>> -> memref<200x64xf32, #tpu.memory_space<hbm>>
      tpu.wait_dma2 semaphore(%arg14 : memref<!tpu.dma_semaphore, #tpu.memory_space<semaphore_mem>>) src(%dma_wait3A_1293 : memref<200x64xf32, #tpu.memory_space<hbm>>) dst(%arg9 : memref<200x64xf32, #tpu.memory_space<vmem>>)
      %dma_start3A_1294 = arith.constant 0 : i32
      %dma_start3A_1295 = tpu.memref_slice %arg5[%mul3A_306, %dma_start3A_1294] : memref<1000x64xf32, #tpu.memory_space<hbm>> -> memref<200x64xf32, #tpu.memory_space<hbm>>
      %dma_start3A_1296 = arith.constant 0 : i32
      %dma_start3A_1297 = tpu.memref_slice %arg5[%mul3A_306, %dma_start3A_1296] : memref<1000x64xf32, #tpu.memory_space<hbm>> -> memref<200x64xf32, #tpu.memory_space<hbm>>
      tpu.enqueue_dma source(%arg9 : memref<200x64xf32, #tpu.memory_space<vmem>>) target(%dma_start3A_1297 : memref<200x64xf32, #tpu.memory_space<hbm>>) target_semaphore(%arg14 : memref<!tpu.dma_semaphore, #tpu.memory_space<semaphore_mem>>)
      %dma_wait3A_1298 = arith.constant 0 : i32
      %dma_wait3A_1299 = tpu.memref_slice %arg5[%mul3A_306, %dma_wait3A_1298] : memref<1000x64xf32, #tpu.memory_space<hbm>> -> memref<200x64xf32, #tpu.memory_space<hbm>>
      %dma_wait3A_1300 = arith.constant 0 : i32
      %dma_wait3A_1301 = tpu.memref_slice %arg5[%mul3A_306, %dma_wait3A_1300] : memref<1000x64xf32, #tpu.memory_space<hbm>> -> memref<200x64xf32, #tpu.memory_space<hbm>>
      tpu.wait_dma2 semaphore(%arg14 : memref<!tpu.dma_semaphore, #tpu.memory_space<semaphore_mem>>) src(%arg9 : memref<200x64xf32, #tpu.memory_space<vmem>>) dst(%dma_wait3A_1301 : memref<200x64xf32, #tpu.memory_space<hbm>>)
    } else {
    }
    "tpu.region"() ({
      %run_scoped3A = tpu.sem_alloc : memref<!tpu.dma_semaphore, #tpu.memory_space<semaphore_mem>>
      %dma_start3A_1286 = arith.constant 0 : i32
      %dma_start3A_1287 = arith.constant 0 : i32
      %dma_start3A_1288 = tpu.memref_slice %arg8[%dma_start3A_1286, %dma_start3A_1287] : memref<400x64xf32, #tpu.memory_space<vmem>> -> memref<1x64xf32, #tpu.memory_space<vmem>>
      %dma_start3A_1289 = arith.constant 0 : i32
      %dma_start3A_1290 = arith.constant 0 : i32
      %dma_start3A_1291 = tpu.memref_slice %arg8[%dma_start3A_1289, %dma_start3A_1290] : memref<400x64xf32, #tpu.memory_space<vmem>> -> memref<1x64xf32, #tpu.memory_space<vmem>>
      tpu.enqueue_dma source(%arg4 : memref<1x64xf32, #tpu.memory_space<hbm>>) target(%dma_start3A_1291 : memref<1x64xf32, #tpu.memory_space<vmem>>) target_semaphore(%run_scoped3A : memref<!tpu.dma_semaphore, #tpu.memory_space<semaphore_mem>>)
      %dma_wait3A_1292 = arith.constant 0 : i32
      %dma_wait3A_1293 = arith.constant 0 : i32
      %dma_wait3A_1294 = tpu.memref_slice %arg8[%dma_wait3A_1292, %dma_wait3A_1293] : memref<400x64xf32, #tpu.memory_space<vmem>> -> memref<1x64xf32, #tpu.memory_space<vmem>>
      %dma_wait3A_1295 = arith.constant 0 : i32
      %dma_wait3A_1296 = arith.constant 0 : i32
      %dma_wait3A_1297 = tpu.memref_slice %arg8[%dma_wait3A_1295, %dma_wait3A_1296] : memref<400x64xf32, #tpu.memory_space<vmem>> -> memref<1x64xf32, #tpu.memory_space<vmem>>
      tpu.wait_dma2 semaphore(%run_scoped3A : memref<!tpu.dma_semaphore, #tpu.memory_space<semaphore_mem>>) src(%arg4 : memref<1x64xf32, #tpu.memory_space<hbm>>) dst(%dma_wait3A_1297 : memref<1x64xf32, #tpu.memory_space<vmem>>)
      tpu.yield
    }) : () -> ()
    %get3A = arith.constant 0 : i32
    %get3A_312 = arith.index_cast %get3A : i32 to index
    %get3A_313 = arith.constant 0 : index
    %get3A_314 = tpu.vector_load %arg8[%get3A_312, %get3A_313] {strides = array<i32>} : memref<400x64xf32, #tpu.memory_space<vmem>>, vector<1x16xf32>,
    %get3A_315 = vector.shape_cast %get3A_314 : vector<1x16xf32> to vector<16xf32>
    %get3A_316 = arith.constant 0 : i32
    %get3A_317 = arith.index_cast %get3A_316 : i32 to index
    %get3A_318 = arith.constant 16 : index
    %get3A_319 = tpu.vector_load %arg8[%get3A_317, %get3A_318] {strides = array<i32>} : memref<400x64xf32, #tpu.memory_space<vmem>>, vector<1x16xf32>,
    %get3A_320 = vector.shape_cast %get3A_319 : vector<1x16xf32> to vector<16xf32>
    %get3A_321 = arith.constant 0 : i32
    %get3A_322 = arith.index_cast %get3A_321 : i32 to index
    %get3A_323 = arith.constant 32 : index
    %get3A_324 = tpu.vector_load %arg8[%get3A_322, %get3A_323] {strides = array<i32>} : memref<400x64xf32, #tpu.memory_space<vmem>>, vector<1x16xf32>,
    %get3A_325 = vector.shape_cast %get3A_324 : vector<1x16xf32> to vector<16xf32>
    %get3A_326 = arith.constant 0 : i32
    %get3A_327 = arith.index_cast %get3A_326 : i32 to index
    %get3A_328 = arith.constant 48 : index
    %get3A_329 = tpu.vector_load %arg8[%get3A_327, %get3A_328] {strides = array<i32>} : memref<400x64xf32, #tpu.memory_space<vmem>>, vector<1x16xf32>,
    %get3A_330 = vector.shape_cast %get3A_329 : vector<1x16xf32> to vector<16xf32>
    %scan3A = arith.constant 0 : i32
    %scan3A_331 = arith.constant 1 : i32
    %scan3A_332 = arith.constant 399 : i32
    %scan3A_333 = arith.addi %scan3A_331, %scan3A_332 : i32
    %scan3A_334 = arith.constant 1 : i32
    scf.for %scan3A_1286 = %scan3A_331 to %scan3A_333 step %scan3A_334  : i32 {
      %swap3A = arith.index_cast %scan3A_1286 : i32 to index
      %swap3A_1287 = arith.constant 0 : index
      %swap3A_1288 = tpu.vector_load %arg8[%swap3A, %swap3A_1287] {strides = array<i32>} : memref<400x64xf32, #tpu.memory_space<vmem>>, vector<1x16xf32>,
      %swap3A_1289 = vector.shape_cast %swap3A_1288 : vector<1x16xf32> to vector<16xf32>
      %swap3A_1290 = vector.shape_cast %get3A_315 : vector<16xf32> to vector<1x16xf32>
      tpu.vector_store %arg8[%swap3A, %swap3A_1287], %swap3A_1290 {strides = array<i32>} : memref<400x64xf32, #tpu.memory_space<vmem>>, vector<1x16xf32>,
      %swap3A_1291 = arith.index_cast %scan3A_1286 : i32 to index
      %swap3A_1292 = arith.constant 16 : index
      %swap3A_1293 = tpu.vector_load %arg8[%swap3A_1291, %swap3A_1292] {strides = array<i32>} : memref<400x64xf32, #tpu.memory_space<vmem>>, vector<1x16xf32>,
      %swap3A_1294 = vector.shape_cast %swap3A_1293 : vector<1x16xf32> to vector<16xf32>
      %swap3A_1295 = vector.shape_cast %get3A_320 : vector<16xf32> to vector<1x16xf32>
      tpu.vector_store %arg8[%swap3A_1291, %swap3A_1292], %swap3A_1295 {strides = array<i32>} : memref<400x64xf32, #tpu.memory_space<vmem>>, vector<1x16xf32>,
      %swap3A_1296 = arith.index_cast %scan3A_1286 : i32 to index
      %swap3A_1297 = arith.constant 32 : index
      %swap3A_1298 = tpu.vector_load %arg8[%swap3A_1296, %swap3A_1297] {strides = array<i32>} : memref<400x64xf32, #tpu.memory_space<vmem>>, vector<1x16xf32>,
      %swap3A_1299 = vector.shape_cast %swap3A_1298 : vector<1x16xf32> to vector<16xf32>
      %swap3A_1300 = vector.shape_cast %get3A_325 : vector<16xf32> to vector<1x16xf32>
      tpu.vector_store %arg8[%swap3A_1296, %swap3A_1297], %swap3A_1300 {strides = array<i32>} : memref<400x64xf32, #tpu.memory_space<vmem>>, vector<1x16xf32>,
      %swap3A_1301 = arith.index_cast %scan3A_1286 : i32 to index
      %swap3A_1302 = arith.constant 48 : index
      %swap3A_1303 = tpu.vector_load %arg8[%swap3A_1301, %swap3A_1302] {strides = array<i32>} : memref<400x64xf32, #tpu.memory_space<vmem>>, vector<1x16xf32>,
      %swap3A_1304 = vector.shape_cast %swap3A_1303 : vector<1x16xf32> to vector<16xf32>
      %swap3A_1305 = vector.shape_cast %get3A_330 : vector<16xf32> to vector<1x16xf32>
      tpu.vector_store %arg8[%swap3A_1301, %swap3A_1302], %swap3A_1305 {strides = array<i32>} : memref<400x64xf32, #tpu.memory_space<vmem>>, vector<1x16xf32>,
    }
    %scan3A_335 = arith.constant 399 : i32
    %add3A_336 = arith.constant 0 : i32
    %add3A_337 = arith.addi %add3A_336, %add3A : i32
    %mul3A_338 = arith.constant 400 : i32
    %mul3A_339 = arith.muli %add3A_337, %mul3A_338 : i32
    %dma_start3A_340 = arith.constant 0 : i32
    %dma_start3A_341 = tpu.memref_slice %arg7[%mul3A_339, %dma_start3A_340] : memref<1000000x64xf32, #tpu.memory_space<hbm>> -> memref<400x64xf32, #tpu.memory_space<hbm>>
    %dma_start3A_342 = arith.constant 0 : i32
    %dma_start3A_343 = tpu.memref_slice %arg7[%mul3A_339, %dma_start3A_342] : memref<1000000x64xf32, #tpu.memory_space<hbm>> -> memref<400x64xf32, #tpu.memory_space<hbm>>
    tpu.enqueue_dma source(%arg8 : memref<400x64xf32, #tpu.memory_space<vmem>>) target(%dma_start3A_343 : memref<400x64xf32, #tpu.memory_space<hbm>>) target_semaphore(%arg13 : memref<!tpu.dma_semaphore, #tpu.memory_space<semaphore_mem>>)
    %add3A_344 = arith.constant 32 : i32
    %add3A_345 = arith.addi %add3A_344, %add3A : i32
    %mul3A_346 = arith.constant 400 : i32
    %mul3A_347 = arith.muli %add3A_345, %mul3A_346 : i32
    %dma_start3A_348 = arith.constant 0 : i32
    %dma_start3A_349 = tpu.memref_slice %arg7[%mul3A_347, %dma_start3A_348] : memref<1000000x64xf32, #tpu.memory_space<hbm>> -> memref<400x64xf32, #tpu.memory_space<hbm>>
    %dma_start3A_350 = arith.constant 0 : i32
    %dma_start3A_351 = tpu.memref_slice %arg7[%mul3A_347, %dma_start3A_350] : memref<1000000x64xf32, #tpu.memory_space<hbm>> -> memref<400x64xf32, #tpu.memory_space<hbm>>
    tpu.enqueue_dma source(%arg8 : memref<400x64xf32, #tpu.memory_space<vmem>>) target(%dma_start3A_351 : memref<400x64xf32, #tpu.memory_space<hbm>>) target_semaphore(%arg13 : memref<!tpu.dma_semaphore, #tpu.memory_space<semaphore_mem>>)
    %add3A_352 = arith.constant 64 : i32
    %add3A_353 = arith.addi %add3A_352, %add3A : i32
    %mul3A_354 = arith.constant 400 : i32
    %mul3A_355 = arith.muli %add3A_353, %mul3A_354 : i32
    %dma_start3A_356 = arith.constant 0 : i32
    %dma_start3A_357 = tpu.memref_slice %arg7[%mul3A_355, %dma_start3A_356] : memref<1000000x64xf32, #tpu.memory_space<hbm>> -> memref<400x64xf32, #tpu.memory_space<hbm>>
    %dma_start3A_358 = arith.constant 0 : i32
    %dma_start3A_359 = tpu.memref_slice %arg7[%mul3A_355, %dma_start3A_358] : memref<1000000x64xf32, #tpu.memory_space<hbm>> -> memref<400x64xf32, #tpu.memory_space<hbm>>
    tpu.enqueue_dma source(%arg8 : memref<400x64xf32, #tpu.memory_space<vmem>>) target(%dma_start3A_359 : memref<400x64xf32, #tpu.memory_space<hbm>>) target_semaphore(%arg13 : memref<!tpu.dma_semaphore, #tpu.memory_space<semaphore_mem>>)
    %add3A_360 = arith.constant 96 : i32
    %add3A_361 = arith.addi %add3A_360, %add3A : i32
    %mul3A_362 = arith.constant 400 : i32
    %mul3A_363 = arith.muli %add3A_361, %mul3A_362 : i32
    %dma_start3A_364 = arith.constant 0 : i32
    %dma_start3A_365 = tpu.memref_slice %arg7[%mul3A_363, %dma_start3A_364] : memref<1000000x64xf32, #tpu.memory_space<hbm>> -> memref<400x64xf32, #tpu.memory_space<hbm>>
    %dma_start3A_366 = arith.constant 0 : i32
    %dma_start3A_367 = tpu.memref_slice %arg7[%mul3A_363, %dma_start3A_366] : memref<1000000x64xf32, #tpu.memory_space<hbm>> -> memref<400x64xf32, #tpu.memory_space<hbm>>
    tpu.enqueue_dma source(%arg8 : memref<400x64xf32, #tpu.memory_space<vmem>>) target(%dma_start3A_367 : memref<400x64xf32, #tpu.memory_space<hbm>>) target_semaphore(%arg13 : memref<!tpu.dma_semaphore, #tpu.memory_space<semaphore_mem>>)
    %add3A_368 = arith.constant 128 : i32
    %add3A_369 = arith.addi %add3A_368, %add3A : i32
    %mul3A_370 = arith.constant 400 : i32
    %mul3A_371 = arith.muli %add3A_369, %mul3A_370 : i32
    %dma_start3A_372 = arith.constant 0 : i32
    %dma_start3A_373 = tpu.memref_slice %arg7[%mul3A_371, %dma_start3A_372] : memref<1000000x64xf32, #tpu.memory_space<hbm>> -> memref<400x64xf32, #tpu.memory_space<hbm>>
    %dma_start3A_374 = arith.constant 0 : i32
    %dma_start3A_375 = tpu.memref_slice %arg7[%mul3A_371, %dma_start3A_374] : memref<1000000x64xf32, #tpu.memory_space<hbm>> -> memref<400x64xf32, #tpu.memory_space<hbm>>
    tpu.enqueue_dma source(%arg8 : memref<400x64xf32, #tpu.memory_space<vmem>>) target(%dma_start3A_375 : memref<400x64xf32, #tpu.memory_space<hbm>>) target_semaphore(%arg13 : memref<!tpu.dma_semaphore, #tpu.memory_space<semaphore_mem>>)
    %add3A_376 = arith.constant 160 : i32
    %add3A_377 = arith.addi %add3A_376, %add3A : i32
    %mul3A_378 = arith.constant 400 : i32
    %mul3A_379 = arith.muli %add3A_377, %mul3A_378 : i32
    %dma_start3A_380 = arith.constant 0 : i32
    %dma_start3A_381 = tpu.memref_slice %arg7[%mul3A_379, %dma_start3A_380] : memref<1000000x64xf32, #tpu.memory_space<hbm>> -> memref<400x64xf32, #tpu.memory_space<hbm>>
    %dma_start3A_382 = arith.constant 0 : i32
    %dma_start3A_383 = tpu.memref_slice %arg7[%mul3A_379, %dma_start3A_382] : memref<1000000x64xf32, #tpu.memory_space<hbm>> -> memref<400x64xf32, #tpu.memory_space<hbm>>
    tpu.enqueue_dma source(%arg8 : memref<400x64xf32, #tpu.memory_space<vmem>>) target(%dma_start3A_383 : memref<400x64xf32, #tpu.memory_space<hbm>>) target_semaphore(%arg13 : memref<!tpu.dma_semaphore, #tpu.memory_space<semaphore_mem>>)
    %add3A_384 = arith.constant 192 : i32
    %add3A_385 = arith.addi %add3A_384, %add3A : i32
    %mul3A_386 = arith.constant 400 : i32
    %mul3A_387 = arith.muli %add3A_385, %mul3A_386 : i32
    %dma_start3A_388 = arith.constant 0 : i32
    %dma_start3A_389 = tpu.memref_slice %arg7[%mul3A_387, %dma_start3A_388] : memref<1000000x64xf32, #tpu.memory_space<hbm>> -> memref<400x64xf32, #tpu.memory_space<hbm>>
    %dma_start3A_390 = arith.constant 0 : i32
    %dma_start3A_391 = tpu.memref_slice %arg7[%mul3A_387, %dma_start3A_390] : memref<1000000x64xf32, #tpu.memory_space<hbm>> -> memref<400x64xf32, #tpu.memory_space<hbm>>
    tpu.enqueue_dma source(%arg8 : memref<400x64xf32, #tpu.memory_space<vmem>>) target(%dma_start3A_391 : memref<400x64xf32, #tpu.memory_space<hbm>>) target_semaphore(%arg13 : memref<!tpu.dma_semaphore, #tpu.memory_space<semaphore_mem>>)
    %add3A_392 = arith.constant 224 : i32
    %add3A_393 = arith.addi %add3A_392, %add3A : i32
    %mul3A_394 = arith.constant 400 : i32
    %mul3A_395 = arith.muli %add3A_393, %mul3A_394 : i32
    %dma_start3A_396 = arith.constant 0 : i32
    %dma_start3A_397 = tpu.memref_slice %arg7[%mul3A_395, %dma_start3A_396] : memref<1000000x64xf32, #tpu.memory_space<hbm>> -> memref<400x64xf32, #tpu.memory_space<hbm>>
    %dma_start3A_398 = arith.constant 0 : i32
    %dma_start3A_399 = tpu.memref_slice %arg7[%mul3A_395, %dma_start3A_398] : memref<1000000x64xf32, #tpu.memory_space<hbm>> -> memref<400x64xf32, #tpu.memory_space<hbm>>
    tpu.enqueue_dma source(%arg8 : memref<400x64xf32, #tpu.memory_space<vmem>>) target(%dma_start3A_399 : memref<400x64xf32, #tpu.memory_space<hbm>>) target_semaphore(%arg13 : memref<!tpu.dma_semaphore, #tpu.memory_space<semaphore_mem>>)
    %add3A_400 = arith.constant 256 : i32
    %add3A_401 = arith.addi %add3A_400, %add3A : i32
    %mul3A_402 = arith.constant 400 : i32
    %mul3A_403 = arith.muli %add3A_401, %mul3A_402 : i32
    %dma_start3A_404 = arith.constant 0 : i32
    %dma_start3A_405 = tpu.memref_slice %arg7[%mul3A_403, %dma_start3A_404] : memref<1000000x64xf32, #tpu.memory_space<hbm>> -> memref<400x64xf32, #tpu.memory_space<hbm>>
    %dma_start3A_406 = arith.constant 0 : i32
    %dma_start3A_407 = tpu.memref_slice %arg7[%mul3A_403, %dma_start3A_406] : memref<1000000x64xf32, #tpu.memory_space<hbm>> -> memref<400x64xf32, #tpu.memory_space<hbm>>
    tpu.enqueue_dma source(%arg8 : memref<400x64xf32, #tpu.memory_space<vmem>>) target(%dma_start3A_407 : memref<400x64xf32, #tpu.memory_space<hbm>>) target_semaphore(%arg13 : memref<!tpu.dma_semaphore, #tpu.memory_space<semaphore_mem>>)
    %add3A_408 = arith.constant 288 : i32
    %add3A_409 = arith.addi %add3A_408, %add3A : i32
    %mul3A_410 = arith.constant 400 : i32
    %mul3A_411 = arith.muli %add3A_409, %mul3A_410 : i32
    %dma_start3A_412 = arith.constant 0 : i32
    %dma_start3A_413 = tpu.memref_slice %arg7[%mul3A_411, %dma_start3A_412] : memref<1000000x64xf32, #tpu.memory_space<hbm>> -> memref<400x64xf32, #tpu.memory_space<hbm>>
    %dma_start3A_414 = arith.constant 0 : i32
    %dma_start3A_415 = tpu.memref_slice %arg7[%mul3A_411, %dma_start3A_414] : memref<1000000x64xf32, #tpu.memory_space<hbm>> -> memref<400x64xf32, #tpu.memory_space<hbm>>
    tpu.enqueue_dma source(%arg8 : memref<400x64xf32, #tpu.memory_space<vmem>>) target(%dma_start3A_415 : memref<400x64xf32, #tpu.memory_space<hbm>>) target_semaphore(%arg13 : memref<!tpu.dma_semaphore, #tpu.memory_space<semaphore_mem>>)
    %add3A_416 = arith.constant 320 : i32
    %add3A_417 = arith.addi %add3A_416, %add3A : i32
    %mul3A_418 = arith.constant 400 : i32
    %mul3A_419 = arith.muli %add3A_417, %mul3A_418 : i32
    %dma_start3A_420 = arith.constant 0 : i32
    %dma_start3A_421 = tpu.memref_slice %arg7[%mul3A_419, %dma_start3A_420] : memref<1000000x64xf32, #tpu.memory_space<hbm>> -> memref<400x64xf32, #tpu.memory_space<hbm>>
    %dma_start3A_422 = arith.constant 0 : i32
    %dma_start3A_423 = tpu.memref_slice %arg7[%mul3A_419, %dma_start3A_422] : memref<1000000x64xf32, #tpu.memory_space<hbm>> -> memref<400x64xf32, #tpu.memory_space<hbm>>
    tpu.enqueue_dma source(%arg8 : memref<400x64xf32, #tpu.memory_space<vmem>>) target(%dma_start3A_423 : memref<400x64xf32, #tpu.memory_space<hbm>>) target_semaphore(%arg13 : memref<!tpu.dma_semaphore, #tpu.memory_space<semaphore_mem>>)
    %add3A_424 = arith.constant 352 : i32
    %add3A_425 = arith.addi %add3A_424, %add3A : i32
    %mul3A_426 = arith.constant 400 : i32
    %mul3A_427 = arith.muli %add3A_425, %mul3A_426 : i32
    %dma_start3A_428 = arith.constant 0 : i32
    %dma_start3A_429 = tpu.memref_slice %arg7[%mul3A_427, %dma_start3A_428] : memref<1000000x64xf32, #tpu.memory_space<hbm>> -> memref<400x64xf32, #tpu.memory_space<hbm>>
    %dma_start3A_430 = arith.constant 0 : i32
    %dma_start3A_431 = tpu.memref_slice %arg7[%mul3A_427, %dma_start3A_430] : memref<1000000x64xf32, #tpu.memory_space<hbm>> -> memref<400x64xf32, #tpu.memory_space<hbm>>
    tpu.enqueue_dma source(%arg8 : memref<400x64xf32, #tpu.memory_space<vmem>>) target(%dma_start3A_431 : memref<400x64xf32, #tpu.memory_space<hbm>>) target_semaphore(%arg13 : memref<!tpu.dma_semaphore, #tpu.memory_space<semaphore_mem>>)
    %add3A_432 = arith.constant 384 : i32
    %add3A_433 = arith.addi %add3A_432, %add3A : i32
    %mul3A_434 = arith.constant 400 : i32
    %mul3A_435 = arith.muli %add3A_433, %mul3A_434 : i32
    %dma_start3A_436 = arith.constant 0 : i32
    %dma_start3A_437 = tpu.memref_slice %arg7[%mul3A_435, %dma_start3A_436] : memref<1000000x64xf32, #tpu.memory_space<hbm>> -> memref<400x64xf32, #tpu.memory_space<hbm>>
    %dma_start3A_438 = arith.constant 0 : i32
    %dma_start3A_439 = tpu.memref_slice %arg7[%mul3A_435, %dma_start3A_438] : memref<1000000x64xf32, #tpu.memory_space<hbm>> -> memref<400x64xf32, #tpu.memory_space<hbm>>
    tpu.enqueue_dma source(%arg8 : memref<400x64xf32, #tpu.memory_space<vmem>>) target(%dma_start3A_439 : memref<400x64xf32, #tpu.memory_space<hbm>>) target_semaphore(%arg13 : memref<!tpu.dma_semaphore, #tpu.memory_space<semaphore_mem>>)
    %add3A_440 = arith.constant 416 : i32
    %add3A_441 = arith.addi %add3A_440, %add3A : i32
    %mul3A_442 = arith.constant 400 : i32
    %mul3A_443 = arith.muli %add3A_441, %mul3A_442 : i32
    %dma_start3A_444 = arith.constant 0 : i32
    %dma_start3A_445 = tpu.memref_slice %arg7[%mul3A_443, %dma_start3A_444] : memref<1000000x64xf32, #tpu.memory_space<hbm>> -> memref<400x64xf32, #tpu.memory_space<hbm>>
    %dma_start3A_446 = arith.constant 0 : i32
    %dma_start3A_447 = tpu.memref_slice %arg7[%mul3A_443, %dma_start3A_446] : memref<1000000x64xf32, #tpu.memory_space<hbm>> -> memref<400x64xf32, #tpu.memory_space<hbm>>
    tpu.enqueue_dma source(%arg8 : memref<400x64xf32, #tpu.memory_space<vmem>>) target(%dma_start3A_447 : memref<400x64xf32, #tpu.memory_space<hbm>>) target_semaphore(%arg13 : memref<!tpu.dma_semaphore, #tpu.memory_space<semaphore_mem>>)
    %add3A_448 = arith.constant 448 : i32
    %add3A_449 = arith.addi %add3A_448, %add3A : i32
    %mul3A_450 = arith.constant 400 : i32
    %mul3A_451 = arith.muli %add3A_449, %mul3A_450 : i32
    %dma_start3A_452 = arith.constant 0 : i32
    %dma_start3A_453 = tpu.memref_slice %arg7[%mul3A_451, %dma_start3A_452] : memref<1000000x64xf32, #tpu.memory_space<hbm>> -> memref<400x64xf32, #tpu.memory_space<hbm>>
    %dma_start3A_454 = arith.constant 0 : i32
    %dma_start3A_455 = tpu.memref_slice %arg7[%mul3A_451, %dma_start3A_454] : memref<1000000x64xf32, #tpu.memory_space<hbm>> -> memref<400x64xf32, #tpu.memory_space<hbm>>
    tpu.enqueue_dma source(%arg8 : memref<400x64xf32, #tpu.memory_space<vmem>>) target(%dma_start3A_455 : memref<400x64xf32, #tpu.memory_space<hbm>>) target_semaphore(%arg13 : memref<!tpu.dma_semaphore, #tpu.memory_space<semaphore_mem>>)
    %add3A_456 = arith.constant 480 : i32
    %add3A_457 = arith.addi %add3A_456, %add3A : i32
    %mul3A_458 = arith.constant 400 : i32
    %mul3A_459 = arith.muli %add3A_457, %mul3A_458 : i32
    %dma_start3A_460 = arith.constant 0 : i32
    %dma_start3A_461 = tpu.memref_slice %arg7[%mul3A_459, %dma_start3A_460] : memref<1000000x64xf32, #tpu.memory_space<hbm>> -> memref<400x64xf32, #tpu.memory_space<hbm>>
    %dma_start3A_462 = arith.constant 0 : i32
    %dma_start3A_463 = tpu.memref_slice %arg7[%mul3A_459, %dma_start3A_462] : memref<1000000x64xf32, #tpu.memory_space<hbm>> -> memref<400x64xf32, #tpu.memory_space<hbm>>
    tpu.enqueue_dma source(%arg8 : memref<400x64xf32, #tpu.memory_space<vmem>>) target(%dma_start3A_463 : memref<400x64xf32, #tpu.memory_space<hbm>>) target_semaphore(%arg13 : memref<!tpu.dma_semaphore, #tpu.memory_space<semaphore_mem>>)
    %add3A_464 = arith.constant 512 : i32
    %add3A_465 = arith.addi %add3A_464, %add3A : i32
    %mul3A_466 = arith.constant 400 : i32
    %mul3A_467 = arith.muli %add3A_465, %mul3A_466 : i32
    %dma_start3A_468 = arith.constant 0 : i32
    %dma_start3A_469 = tpu.memref_slice %arg7[%mul3A_467, %dma_start3A_468] : memref<1000000x64xf32, #tpu.memory_space<hbm>> -> memref<400x64xf32, #tpu.memory_space<hbm>>
    %dma_start3A_470 = arith.constant 0 : i32
    %dma_start3A_471 = tpu.memref_slice %arg7[%mul3A_467, %dma_start3A_470] : memref<1000000x64xf32, #tpu.memory_space<hbm>> -> memref<400x64xf32, #tpu.memory_space<hbm>>
    tpu.enqueue_dma source(%arg8 : memref<400x64xf32, #tpu.memory_space<vmem>>) target(%dma_start3A_471 : memref<400x64xf32, #tpu.memory_space<hbm>>) target_semaphore(%arg13 : memref<!tpu.dma_semaphore, #tpu.memory_space<semaphore_mem>>)
    %add3A_472 = arith.constant 544 : i32
    %add3A_473 = arith.addi %add3A_472, %add3A : i32
    %mul3A_474 = arith.constant 400 : i32
    %mul3A_475 = arith.muli %add3A_473, %mul3A_474 : i32
    %dma_start3A_476 = arith.constant 0 : i32
    %dma_start3A_477 = tpu.memref_slice %arg7[%mul3A_475, %dma_start3A_476] : memref<1000000x64xf32, #tpu.memory_space<hbm>> -> memref<400x64xf32, #tpu.memory_space<hbm>>
    %dma_start3A_478 = arith.constant 0 : i32
    %dma_start3A_479 = tpu.memref_slice %arg7[%mul3A_475, %dma_start3A_478] : memref<1000000x64xf32, #tpu.memory_space<hbm>> -> memref<400x64xf32, #tpu.memory_space<hbm>>
    tpu.enqueue_dma source(%arg8 : memref<400x64xf32, #tpu.memory_space<vmem>>) target(%dma_start3A_479 : memref<400x64xf32, #tpu.memory_space<hbm>>) target_semaphore(%arg13 : memref<!tpu.dma_semaphore, #tpu.memory_space<semaphore_mem>>)
    %add3A_480 = arith.constant 576 : i32
    %add3A_481 = arith.addi %add3A_480, %add3A : i32
    %mul3A_482 = arith.constant 400 : i32
    %mul3A_483 = arith.muli %add3A_481, %mul3A_482 : i32
    %dma_start3A_484 = arith.constant 0 : i32
    %dma_start3A_485 = tpu.memref_slice %arg7[%mul3A_483, %dma_start3A_484] : memref<1000000x64xf32, #tpu.memory_space<hbm>> -> memref<400x64xf32, #tpu.memory_space<hbm>>
    %dma_start3A_486 = arith.constant 0 : i32
    %dma_start3A_487 = tpu.memref_slice %arg7[%mul3A_483, %dma_start3A_486] : memref<1000000x64xf32, #tpu.memory_space<hbm>> -> memref<400x64xf32, #tpu.memory_space<hbm>>
    tpu.enqueue_dma source(%arg8 : memref<400x64xf32, #tpu.memory_space<vmem>>) target(%dma_start3A_487 : memref<400x64xf32, #tpu.memory_space<hbm>>) target_semaphore(%arg13 : memref<!tpu.dma_semaphore, #tpu.memory_space<semaphore_mem>>)
    %add3A_488 = arith.constant 608 : i32
    %add3A_489 = arith.addi %add3A_488, %add3A : i32
    %mul3A_490 = arith.constant 400 : i32
    %mul3A_491 = arith.muli %add3A_489, %mul3A_490 : i32
    %dma_start3A_492 = arith.constant 0 : i32
    %dma_start3A_493 = tpu.memref_slice %arg7[%mul3A_491, %dma_start3A_492] : memref<1000000x64xf32, #tpu.memory_space<hbm>> -> memref<400x64xf32, #tpu.memory_space<hbm>>
    %dma_start3A_494 = arith.constant 0 : i32
    %dma_start3A_495 = tpu.memref_slice %arg7[%mul3A_491, %dma_start3A_494] : memref<1000000x64xf32, #tpu.memory_space<hbm>> -> memref<400x64xf32, #tpu.memory_space<hbm>>
    tpu.enqueue_dma source(%arg8 : memref<400x64xf32, #tpu.memory_space<vmem>>) target(%dma_start3A_495 : memref<400x64xf32, #tpu.memory_space<hbm>>) target_semaphore(%arg13 : memref<!tpu.dma_semaphore, #tpu.memory_space<semaphore_mem>>)
    %add3A_496 = arith.constant 640 : i32
    %add3A_497 = arith.addi %add3A_496, %add3A : i32
    %mul3A_498 = arith.constant 400 : i32
    %mul3A_499 = arith.muli %add3A_497, %mul3A_498 : i32
    %dma_start3A_500 = arith.constant 0 : i32
    %dma_start3A_501 = tpu.memref_slice %arg7[%mul3A_499, %dma_start3A_500] : memref<1000000x64xf32, #tpu.memory_space<hbm>> -> memref<400x64xf32, #tpu.memory_space<hbm>>
    %dma_start3A_502 = arith.constant 0 : i32
    %dma_start3A_503 = tpu.memref_slice %arg7[%mul3A_499, %dma_start3A_502] : memref<1000000x64xf32, #tpu.memory_space<hbm>> -> memref<400x64xf32, #tpu.memory_space<hbm>>
    tpu.enqueue_dma source(%arg8 : memref<400x64xf32, #tpu.memory_space<vmem>>) target(%dma_start3A_503 : memref<400x64xf32, #tpu.memory_space<hbm>>) target_semaphore(%arg13 : memref<!tpu.dma_semaphore, #tpu.memory_space<semaphore_mem>>)
    %add3A_504 = arith.constant 672 : i32
    %add3A_505 = arith.addi %add3A_504, %add3A : i32
    %mul3A_506 = arith.constant 400 : i32
    %mul3A_507 = arith.muli %add3A_505, %mul3A_506 : i32
    %dma_start3A_508 = arith.constant 0 : i32
    %dma_start3A_509 = tpu.memref_slice %arg7[%mul3A_507, %dma_start3A_508] : memref<1000000x64xf32, #tpu.memory_space<hbm>> -> memref<400x64xf32, #tpu.memory_space<hbm>>
    %dma_start3A_510 = arith.constant 0 : i32
    %dma_start3A_511 = tpu.memref_slice %arg7[%mul3A_507, %dma_start3A_510] : memref<1000000x64xf32, #tpu.memory_space<hbm>> -> memref<400x64xf32, #tpu.memory_space<hbm>>
    tpu.enqueue_dma source(%arg8 : memref<400x64xf32, #tpu.memory_space<vmem>>) target(%dma_start3A_511 : memref<400x64xf32, #tpu.memory_space<hbm>>) target_semaphore(%arg13 : memref<!tpu.dma_semaphore, #tpu.memory_space<semaphore_mem>>)
    %add3A_512 = arith.constant 704 : i32
    %add3A_513 = arith.addi %add3A_512, %add3A : i32
    %mul3A_514 = arith.constant 400 : i32
    %mul3A_515 = arith.muli %add3A_513, %mul3A_514 : i32
    %dma_start3A_516 = arith.constant 0 : i32
    %dma_start3A_517 = tpu.memref_slice %arg7[%mul3A_515, %dma_start3A_516] : memref<1000000x64xf32, #tpu.memory_space<hbm>> -> memref<400x64xf32, #tpu.memory_space<hbm>>
    %dma_start3A_518 = arith.constant 0 : i32
    %dma_start3A_519 = tpu.memref_slice %arg7[%mul3A_515, %dma_start3A_518] : memref<1000000x64xf32, #tpu.memory_space<hbm>> -> memref<400x64xf32, #tpu.memory_space<hbm>>
    tpu.enqueue_dma source(%arg8 : memref<400x64xf32, #tpu.memory_space<vmem>>) target(%dma_start3A_519 : memref<400x64xf32, #tpu.memory_space<hbm>>) target_semaphore(%arg13 : memref<!tpu.dma_semaphore, #tpu.memory_space<semaphore_mem>>)
    %add3A_520 = arith.constant 736 : i32
    %add3A_521 = arith.addi %add3A_520, %add3A : i32
    %mul3A_522 = arith.constant 400 : i32
    %mul3A_523 = arith.muli %add3A_521, %mul3A_522 : i32
    %dma_start3A_524 = arith.constant 0 : i32
    %dma_start3A_525 = tpu.memref_slice %arg7[%mul3A_523, %dma_start3A_524] : memref<1000000x64xf32, #tpu.memory_space<hbm>> -> memref<400x64xf32, #tpu.memory_space<hbm>>
    %dma_start3A_526 = arith.constant 0 : i32
    %dma_start3A_527 = tpu.memref_slice %arg7[%mul3A_523, %dma_start3A_526] : memref<1000000x64xf32, #tpu.memory_space<hbm>> -> memref<400x64xf32, #tpu.memory_space<hbm>>
    tpu.enqueue_dma source(%arg8 : memref<400x64xf32, #tpu.memory_space<vmem>>) target(%dma_start3A_527 : memref<400x64xf32, #tpu.memory_space<hbm>>) target_semaphore(%arg13 : memref<!tpu.dma_semaphore, #tpu.memory_space<semaphore_mem>>)
    %add3A_528 = arith.constant 768 : i32
    %add3A_529 = arith.addi %add3A_528, %add3A : i32
    %mul3A_530 = arith.constant 400 : i32
    %mul3A_531 = arith.muli %add3A_529, %mul3A_530 : i32
    %dma_start3A_532 = arith.constant 0 : i32
    %dma_start3A_533 = tpu.memref_slice %arg7[%mul3A_531, %dma_start3A_532] : memref<1000000x64xf32, #tpu.memory_space<hbm>> -> memref<400x64xf32, #tpu.memory_space<hbm>>
    %dma_start3A_534 = arith.constant 0 : i32
    %dma_start3A_535 = tpu.memref_slice %arg7[%mul3A_531, %dma_start3A_534] : memref<1000000x64xf32, #tpu.memory_space<hbm>> -> memref<400x64xf32, #tpu.memory_space<hbm>>
    tpu.enqueue_dma source(%arg8 : memref<400x64xf32, #tpu.memory_space<vmem>>) target(%dma_start3A_535 : memref<400x64xf32, #tpu.memory_space<hbm>>) target_semaphore(%arg13 : memref<!tpu.dma_semaphore, #tpu.memory_space<semaphore_mem>>)
    %add3A_536 = arith.constant 800 : i32
    %add3A_537 = arith.addi %add3A_536, %add3A : i32
    %mul3A_538 = arith.constant 400 : i32
    %mul3A_539 = arith.muli %add3A_537, %mul3A_538 : i32
    %dma_start3A_540 = arith.constant 0 : i32
    %dma_start3A_541 = tpu.memref_slice %arg7[%mul3A_539, %dma_start3A_540] : memref<1000000x64xf32, #tpu.memory_space<hbm>> -> memref<400x64xf32, #tpu.memory_space<hbm>>
    %dma_start3A_542 = arith.constant 0 : i32
    %dma_start3A_543 = tpu.memref_slice %arg7[%mul3A_539, %dma_start3A_542] : memref<1000000x64xf32, #tpu.memory_space<hbm>> -> memref<400x64xf32, #tpu.memory_space<hbm>>
    tpu.enqueue_dma source(%arg8 : memref<400x64xf32, #tpu.memory_space<vmem>>) target(%dma_start3A_543 : memref<400x64xf32, #tpu.memory_space<hbm>>) target_semaphore(%arg13 : memref<!tpu.dma_semaphore, #tpu.memory_space<semaphore_mem>>)
    %add3A_544 = arith.constant 832 : i32
    %add3A_545 = arith.addi %add3A_544, %add3A : i32
    %mul3A_546 = arith.constant 400 : i32
    %mul3A_547 = arith.muli %add3A_545, %mul3A_546 : i32
    %dma_start3A_548 = arith.constant 0 : i32
    %dma_start3A_549 = tpu.memref_slice %arg7[%mul3A_547, %dma_start3A_548] : memref<1000000x64xf32, #tpu.memory_space<hbm>> -> memref<400x64xf32, #tpu.memory_space<hbm>>
    %dma_start3A_550 = arith.constant 0 : i32
    %dma_start3A_551 = tpu.memref_slice %arg7[%mul3A_547, %dma_start3A_550] : memref<1000000x64xf32, #tpu.memory_space<hbm>> -> memref<400x64xf32, #tpu.memory_space<hbm>>
    tpu.enqueue_dma source(%arg8 : memref<400x64xf32, #tpu.memory_space<vmem>>) target(%dma_start3A_551 : memref<400x64xf32, #tpu.memory_space<hbm>>) target_semaphore(%arg13 : memref<!tpu.dma_semaphore, #tpu.memory_space<semaphore_mem>>)
    %add3A_552 = arith.constant 864 : i32
    %add3A_553 = arith.addi %add3A_552, %add3A : i32
    %mul3A_554 = arith.constant 400 : i32
    %mul3A_555 = arith.muli %add3A_553, %mul3A_554 : i32
    %dma_start3A_556 = arith.constant 0 : i32
    %dma_start3A_557 = tpu.memref_slice %arg7[%mul3A_555, %dma_start3A_556] : memref<1000000x64xf32, #tpu.memory_space<hbm>> -> memref<400x64xf32, #tpu.memory_space<hbm>>
    %dma_start3A_558 = arith.constant 0 : i32
    %dma_start3A_559 = tpu.memref_slice %arg7[%mul3A_555, %dma_start3A_558] : memref<1000000x64xf32, #tpu.memory_space<hbm>> -> memref<400x64xf32, #tpu.memory_space<hbm>>
    tpu.enqueue_dma source(%arg8 : memref<400x64xf32, #tpu.memory_space<vmem>>) target(%dma_start3A_559 : memref<400x64xf32, #tpu.memory_space<hbm>>) target_semaphore(%arg13 : memref<!tpu.dma_semaphore, #tpu.memory_space<semaphore_mem>>)
    %add3A_560 = arith.constant 896 : i32
    %add3A_561 = arith.addi %add3A_560, %add3A : i32
    %mul3A_562 = arith.constant 400 : i32
    %mul3A_563 = arith.muli %add3A_561, %mul3A_562 : i32
    %dma_start3A_564 = arith.constant 0 : i32
    %dma_start3A_565 = tpu.memref_slice %arg7[%mul3A_563, %dma_start3A_564] : memref<1000000x64xf32, #tpu.memory_space<hbm>> -> memref<400x64xf32, #tpu.memory_space<hbm>>
    %dma_start3A_566 = arith.constant 0 : i32
    %dma_start3A_567 = tpu.memref_slice %arg7[%mul3A_563, %dma_start3A_566] : memref<1000000x64xf32, #tpu.memory_space<hbm>> -> memref<400x64xf32, #tpu.memory_space<hbm>>
    tpu.enqueue_dma source(%arg8 : memref<400x64xf32, #tpu.memory_space<vmem>>) target(%dma_start3A_567 : memref<400x64xf32, #tpu.memory_space<hbm>>) target_semaphore(%arg13 : memref<!tpu.dma_semaphore, #tpu.memory_space<semaphore_mem>>)
    %add3A_568 = arith.constant 928 : i32
    %add3A_569 = arith.addi %add3A_568, %add3A : i32
    %mul3A_570 = arith.constant 400 : i32
    %mul3A_571 = arith.muli %add3A_569, %mul3A_570 : i32
    %dma_start3A_572 = arith.constant 0 : i32
    %dma_start3A_573 = tpu.memref_slice %arg7[%mul3A_571, %dma_start3A_572] : memref<1000000x64xf32, #tpu.memory_space<hbm>> -> memref<400x64xf32, #tpu.memory_space<hbm>>
    %dma_start3A_574 = arith.constant 0 : i32
    %dma_start3A_575 = tpu.memref_slice %arg7[%mul3A_571, %dma_start3A_574] : memref<1000000x64xf32, #tpu.memory_space<hbm>> -> memref<400x64xf32, #tpu.memory_space<hbm>>
    tpu.enqueue_dma source(%arg8 : memref<400x64xf32, #tpu.memory_space<vmem>>) target(%dma_start3A_575 : memref<400x64xf32, #tpu.memory_space<hbm>>) target_semaphore(%arg13 : memref<!tpu.dma_semaphore, #tpu.memory_space<semaphore_mem>>)
    %add3A_576 = arith.constant 960 : i32
    %add3A_577 = arith.addi %add3A_576, %add3A : i32
    %mul3A_578 = arith.constant 400 : i32
    %mul3A_579 = arith.muli %add3A_577, %mul3A_578 : i32
    %dma_start3A_580 = arith.constant 0 : i32
    %dma_start3A_581 = tpu.memref_slice %arg7[%mul3A_579, %dma_start3A_580] : memref<1000000x64xf32, #tpu.memory_space<hbm>> -> memref<400x64xf32, #tpu.memory_space<hbm>>
    %dma_start3A_582 = arith.constant 0 : i32
    %dma_start3A_583 = tpu.memref_slice %arg7[%mul3A_579, %dma_start3A_582] : memref<1000000x64xf32, #tpu.memory_space<hbm>> -> memref<400x64xf32, #tpu.memory_space<hbm>>
    tpu.enqueue_dma source(%arg8 : memref<400x64xf32, #tpu.memory_space<vmem>>) target(%dma_start3A_583 : memref<400x64xf32, #tpu.memory_space<hbm>>) target_semaphore(%arg13 : memref<!tpu.dma_semaphore, #tpu.memory_space<semaphore_mem>>)
    %add3A_584 = arith.constant 992 : i32
    %add3A_585 = arith.addi %add3A_584, %add3A : i32
    %mul3A_586 = arith.constant 400 : i32
    %mul3A_587 = arith.muli %add3A_585, %mul3A_586 : i32
    %dma_start3A_588 = arith.constant 0 : i32
    %dma_start3A_589 = tpu.memref_slice %arg7[%mul3A_587, %dma_start3A_588] : memref<1000000x64xf32, #tpu.memory_space<hbm>> -> memref<400x64xf32, #tpu.memory_space<hbm>>
    %dma_start3A_590 = arith.constant 0 : i32
    %dma_start3A_591 = tpu.memref_slice %arg7[%mul3A_587, %dma_start3A_590] : memref<1000000x64xf32, #tpu.memory_space<hbm>> -> memref<400x64xf32, #tpu.memory_space<hbm>>
    tpu.enqueue_dma source(%arg8 : memref<400x64xf32, #tpu.memory_space<vmem>>) target(%dma_start3A_591 : memref<400x64xf32, #tpu.memory_space<hbm>>) target_semaphore(%arg13 : memref<!tpu.dma_semaphore, #tpu.memory_space<semaphore_mem>>)
    %add3A_592 = arith.constant 1024 : i32
    %add3A_593 = arith.addi %add3A_592, %add3A : i32
    %mul3A_594 = arith.constant 400 : i32
    %mul3A_595 = arith.muli %add3A_593, %mul3A_594 : i32
    %dma_start3A_596 = arith.constant 0 : i32
    %dma_start3A_597 = tpu.memref_slice %arg7[%mul3A_595, %dma_start3A_596] : memref<1000000x64xf32, #tpu.memory_space<hbm>> -> memref<400x64xf32, #tpu.memory_space<hbm>>
    %dma_start3A_598 = arith.constant 0 : i32
    %dma_start3A_599 = tpu.memref_slice %arg7[%mul3A_595, %dma_start3A_598] : memref<1000000x64xf32, #tpu.memory_space<hbm>> -> memref<400x64xf32, #tpu.memory_space<hbm>>
    tpu.enqueue_dma source(%arg8 : memref<400x64xf32, #tpu.memory_space<vmem>>) target(%dma_start3A_599 : memref<400x64xf32, #tpu.memory_space<hbm>>) target_semaphore(%arg13 : memref<!tpu.dma_semaphore, #tpu.memory_space<semaphore_mem>>)
    %add3A_600 = arith.constant 1056 : i32
    %add3A_601 = arith.addi %add3A_600, %add3A : i32
    %mul3A_602 = arith.constant 400 : i32
    %mul3A_603 = arith.muli %add3A_601, %mul3A_602 : i32
    %dma_start3A_604 = arith.constant 0 : i32
    %dma_start3A_605 = tpu.memref_slice %arg7[%mul3A_603, %dma_start3A_604] : memref<1000000x64xf32, #tpu.memory_space<hbm>> -> memref<400x64xf32, #tpu.memory_space<hbm>>
    %dma_start3A_606 = arith.constant 0 : i32
    %dma_start3A_607 = tpu.memref_slice %arg7[%mul3A_603, %dma_start3A_606] : memref<1000000x64xf32, #tpu.memory_space<hbm>> -> memref<400x64xf32, #tpu.memory_space<hbm>>
    tpu.enqueue_dma source(%arg8 : memref<400x64xf32, #tpu.memory_space<vmem>>) target(%dma_start3A_607 : memref<400x64xf32, #tpu.memory_space<hbm>>) target_semaphore(%arg13 : memref<!tpu.dma_semaphore, #tpu.memory_space<semaphore_mem>>)
    %add3A_608 = arith.constant 1088 : i32
    %add3A_609 = arith.addi %add3A_608, %add3A : i32
    %mul3A_610 = arith.constant 400 : i32
    %mul3A_611 = arith.muli %add3A_609, %mul3A_610 : i32
    %dma_start3A_612 = arith.constant 0 : i32
    %dma_start3A_613 = tpu.memref_slice %arg7[%mul3A_611, %dma_start3A_612] : memref<1000000x64xf32, #tpu.memory_space<hbm>> -> memref<400x64xf32, #tpu.memory_space<hbm>>
    %dma_start3A_614 = arith.constant 0 : i32
    %dma_start3A_615 = tpu.memref_slice %arg7[%mul3A_611, %dma_start3A_614] : memref<1000000x64xf32, #tpu.memory_space<hbm>> -> memref<400x64xf32, #tpu.memory_space<hbm>>
    tpu.enqueue_dma source(%arg8 : memref<400x64xf32, #tpu.memory_space<vmem>>) target(%dma_start3A_615 : memref<400x64xf32, #tpu.memory_space<hbm>>) target_semaphore(%arg13 : memref<!tpu.dma_semaphore, #tpu.memory_space<semaphore_mem>>)
    %add3A_616 = arith.constant 1120 : i32
    %add3A_617 = arith.addi %add3A_616, %add3A : i32
    %mul3A_618 = arith.constant 400 : i32
    %mul3A_619 = arith.muli %add3A_617, %mul3A_618 : i32
    %dma_start3A_620 = arith.constant 0 : i32
    %dma_start3A_621 = tpu.memref_slice %arg7[%mul3A_619, %dma_start3A_620] : memref<1000000x64xf32, #tpu.memory_space<hbm>> -> memref<400x64xf32, #tpu.memory_space<hbm>>
    %dma_start3A_622 = arith.constant 0 : i32
    %dma_start3A_623 = tpu.memref_slice %arg7[%mul3A_619, %dma_start3A_622] : memref<1000000x64xf32, #tpu.memory_space<hbm>> -> memref<400x64xf32, #tpu.memory_space<hbm>>
    tpu.enqueue_dma source(%arg8 : memref<400x64xf32, #tpu.memory_space<vmem>>) target(%dma_start3A_623 : memref<400x64xf32, #tpu.memory_space<hbm>>) target_semaphore(%arg13 : memref<!tpu.dma_semaphore, #tpu.memory_space<semaphore_mem>>)
    %add3A_624 = arith.constant 1152 : i32
    %add3A_625 = arith.addi %add3A_624, %add3A : i32
    %mul3A_626 = arith.constant 400 : i32
    %mul3A_627 = arith.muli %add3A_625, %mul3A_626 : i32
    %dma_start3A_628 = arith.constant 0 : i32
    %dma_start3A_629 = tpu.memref_slice %arg7[%mul3A_627, %dma_start3A_628] : memref<1000000x64xf32, #tpu.memory_space<hbm>> -> memref<400x64xf32, #tpu.memory_space<hbm>>
    %dma_start3A_630 = arith.constant 0 : i32
    %dma_start3A_631 = tpu.memref_slice %arg7[%mul3A_627, %dma_start3A_630] : memref<1000000x64xf32, #tpu.memory_space<hbm>> -> memref<400x64xf32, #tpu.memory_space<hbm>>
    tpu.enqueue_dma source(%arg8 : memref<400x64xf32, #tpu.memory_space<vmem>>) target(%dma_start3A_631 : memref<400x64xf32, #tpu.memory_space<hbm>>) target_semaphore(%arg13 : memref<!tpu.dma_semaphore, #tpu.memory_space<semaphore_mem>>)
    %add3A_632 = arith.constant 1184 : i32
    %add3A_633 = arith.addi %add3A_632, %add3A : i32
    %mul3A_634 = arith.constant 400 : i32
    %mul3A_635 = arith.muli %add3A_633, %mul3A_634 : i32
    %dma_start3A_636 = arith.constant 0 : i32
    %dma_start3A_637 = tpu.memref_slice %arg7[%mul3A_635, %dma_start3A_636] : memref<1000000x64xf32, #tpu.memory_space<hbm>> -> memref<400x64xf32, #tpu.memory_space<hbm>>
    %dma_start3A_638 = arith.constant 0 : i32
    %dma_start3A_639 = tpu.memref_slice %arg7[%mul3A_635, %dma_start3A_638] : memref<1000000x64xf32, #tpu.memory_space<hbm>> -> memref<400x64xf32, #tpu.memory_space<hbm>>
    tpu.enqueue_dma source(%arg8 : memref<400x64xf32, #tpu.memory_space<vmem>>) target(%dma_start3A_639 : memref<400x64xf32, #tpu.memory_space<hbm>>) target_semaphore(%arg13 : memref<!tpu.dma_semaphore, #tpu.memory_space<semaphore_mem>>)
    %add3A_640 = arith.constant 1216 : i32
    %add3A_641 = arith.addi %add3A_640, %add3A : i32
    %mul3A_642 = arith.constant 400 : i32
    %mul3A_643 = arith.muli %add3A_641, %mul3A_642 : i32
    %dma_start3A_644 = arith.constant 0 : i32
    %dma_start3A_645 = tpu.memref_slice %arg7[%mul3A_643, %dma_start3A_644] : memref<1000000x64xf32, #tpu.memory_space<hbm>> -> memref<400x64xf32, #tpu.memory_space<hbm>>
    %dma_start3A_646 = arith.constant 0 : i32
    %dma_start3A_647 = tpu.memref_slice %arg7[%mul3A_643, %dma_start3A_646] : memref<1000000x64xf32, #tpu.memory_space<hbm>> -> memref<400x64xf32, #tpu.memory_space<hbm>>
    tpu.enqueue_dma source(%arg8 : memref<400x64xf32, #tpu.memory_space<vmem>>) target(%dma_start3A_647 : memref<400x64xf32, #tpu.memory_space<hbm>>) target_semaphore(%arg13 : memref<!tpu.dma_semaphore, #tpu.memory_space<semaphore_mem>>)
    %add3A_648 = arith.constant 1248 : i32
    %add3A_649 = arith.addi %add3A_648, %add3A : i32
    %mul3A_650 = arith.constant 400 : i32
    %mul3A_651 = arith.muli %add3A_649, %mul3A_650 : i32
    %dma_start3A_652 = arith.constant 0 : i32
    %dma_start3A_653 = tpu.memref_slice %arg7[%mul3A_651, %dma_start3A_652] : memref<1000000x64xf32, #tpu.memory_space<hbm>> -> memref<400x64xf32, #tpu.memory_space<hbm>>
    %dma_start3A_654 = arith.constant 0 : i32
    %dma_start3A_655 = tpu.memref_slice %arg7[%mul3A_651, %dma_start3A_654] : memref<1000000x64xf32, #tpu.memory_space<hbm>> -> memref<400x64xf32, #tpu.memory_space<hbm>>
    tpu.enqueue_dma source(%arg8 : memref<400x64xf32, #tpu.memory_space<vmem>>) target(%dma_start3A_655 : memref<400x64xf32, #tpu.memory_space<hbm>>) target_semaphore(%arg13 : memref<!tpu.dma_semaphore, #tpu.memory_space<semaphore_mem>>)
    %add3A_656 = arith.constant 1280 : i32
    %add3A_657 = arith.addi %add3A_656, %add3A : i32
    %mul3A_658 = arith.constant 400 : i32
    %mul3A_659 = arith.muli %add3A_657, %mul3A_658 : i32
    %dma_start3A_660 = arith.constant 0 : i32
    %dma_start3A_661 = tpu.memref_slice %arg7[%mul3A_659, %dma_start3A_660] : memref<1000000x64xf32, #tpu.memory_space<hbm>> -> memref<400x64xf32, #tpu.memory_space<hbm>>
    %dma_start3A_662 = arith.constant 0 : i32
    %dma_start3A_663 = tpu.memref_slice %arg7[%mul3A_659, %dma_start3A_662] : memref<1000000x64xf32, #tpu.memory_space<hbm>> -> memref<400x64xf32, #tpu.memory_space<hbm>>
    tpu.enqueue_dma source(%arg8 : memref<400x64xf32, #tpu.memory_space<vmem>>) target(%dma_start3A_663 : memref<400x64xf32, #tpu.memory_space<hbm>>) target_semaphore(%arg13 : memref<!tpu.dma_semaphore, #tpu.memory_space<semaphore_mem>>)
    %add3A_664 = arith.constant 1312 : i32
    %add3A_665 = arith.addi %add3A_664, %add3A : i32
    %mul3A_666 = arith.constant 400 : i32
    %mul3A_667 = arith.muli %add3A_665, %mul3A_666 : i32
    %dma_start3A_668 = arith.constant 0 : i32
    %dma_start3A_669 = tpu.memref_slice %arg7[%mul3A_667, %dma_start3A_668] : memref<1000000x64xf32, #tpu.memory_space<hbm>> -> memref<400x64xf32, #tpu.memory_space<hbm>>
    %dma_start3A_670 = arith.constant 0 : i32
    %dma_start3A_671 = tpu.memref_slice %arg7[%mul3A_667, %dma_start3A_670] : memref<1000000x64xf32, #tpu.memory_space<hbm>> -> memref<400x64xf32, #tpu.memory_space<hbm>>
    tpu.enqueue_dma source(%arg8 : memref<400x64xf32, #tpu.memory_space<vmem>>) target(%dma_start3A_671 : memref<400x64xf32, #tpu.memory_space<hbm>>) target_semaphore(%arg13 : memref<!tpu.dma_semaphore, #tpu.memory_space<semaphore_mem>>)
    %add3A_672 = arith.constant 1344 : i32
    %add3A_673 = arith.addi %add3A_672, %add3A : i32
    %mul3A_674 = arith.constant 400 : i32
    %mul3A_675 = arith.muli %add3A_673, %mul3A_674 : i32
    %dma_start3A_676 = arith.constant 0 : i32
    %dma_start3A_677 = tpu.memref_slice %arg7[%mul3A_675, %dma_start3A_676] : memref<1000000x64xf32, #tpu.memory_space<hbm>> -> memref<400x64xf32, #tpu.memory_space<hbm>>
    %dma_start3A_678 = arith.constant 0 : i32
    %dma_start3A_679 = tpu.memref_slice %arg7[%mul3A_675, %dma_start3A_678] : memref<1000000x64xf32, #tpu.memory_space<hbm>> -> memref<400x64xf32, #tpu.memory_space<hbm>>
    tpu.enqueue_dma source(%arg8 : memref<400x64xf32, #tpu.memory_space<vmem>>) target(%dma_start3A_679 : memref<400x64xf32, #tpu.memory_space<hbm>>) target_semaphore(%arg13 : memref<!tpu.dma_semaphore, #tpu.memory_space<semaphore_mem>>)
    %add3A_680 = arith.constant 1376 : i32
    %add3A_681 = arith.addi %add3A_680, %add3A : i32
    %mul3A_682 = arith.constant 400 : i32
    %mul3A_683 = arith.muli %add3A_681, %mul3A_682 : i32
    %dma_start3A_684 = arith.constant 0 : i32
    %dma_start3A_685 = tpu.memref_slice %arg7[%mul3A_683, %dma_start3A_684] : memref<1000000x64xf32, #tpu.memory_space<hbm>> -> memref<400x64xf32, #tpu.memory_space<hbm>>
    %dma_start3A_686 = arith.constant 0 : i32
    %dma_start3A_687 = tpu.memref_slice %arg7[%mul3A_683, %dma_start3A_686] : memref<1000000x64xf32, #tpu.memory_space<hbm>> -> memref<400x64xf32, #tpu.memory_space<hbm>>
    tpu.enqueue_dma source(%arg8 : memref<400x64xf32, #tpu.memory_space<vmem>>) target(%dma_start3A_687 : memref<400x64xf32, #tpu.memory_space<hbm>>) target_semaphore(%arg13 : memref<!tpu.dma_semaphore, #tpu.memory_space<semaphore_mem>>)
    %add3A_688 = arith.constant 1408 : i32
    %add3A_689 = arith.addi %add3A_688, %add3A : i32
    %mul3A_690 = arith.constant 400 : i32
    %mul3A_691 = arith.muli %add3A_689, %mul3A_690 : i32
    %dma_start3A_692 = arith.constant 0 : i32
    %dma_start3A_693 = tpu.memref_slice %arg7[%mul3A_691, %dma_start3A_692] : memref<1000000x64xf32, #tpu.memory_space<hbm>> -> memref<400x64xf32, #tpu.memory_space<hbm>>
    %dma_start3A_694 = arith.constant 0 : i32
    %dma_start3A_695 = tpu.memref_slice %arg7[%mul3A_691, %dma_start3A_694] : memref<1000000x64xf32, #tpu.memory_space<hbm>> -> memref<400x64xf32, #tpu.memory_space<hbm>>
    tpu.enqueue_dma source(%arg8 : memref<400x64xf32, #tpu.memory_space<vmem>>) target(%dma_start3A_695 : memref<400x64xf32, #tpu.memory_space<hbm>>) target_semaphore(%arg13 : memref<!tpu.dma_semaphore, #tpu.memory_space<semaphore_mem>>)
    %add3A_696 = arith.constant 1440 : i32
    %add3A_697 = arith.addi %add3A_696, %add3A : i32
    %mul3A_698 = arith.constant 400 : i32
    %mul3A_699 = arith.muli %add3A_697, %mul3A_698 : i32
    %dma_start3A_700 = arith.constant 0 : i32
    %dma_start3A_701 = tpu.memref_slice %arg7[%mul3A_699, %dma_start3A_700] : memref<1000000x64xf32, #tpu.memory_space<hbm>> -> memref<400x64xf32, #tpu.memory_space<hbm>>
    %dma_start3A_702 = arith.constant 0 : i32
    %dma_start3A_703 = tpu.memref_slice %arg7[%mul3A_699, %dma_start3A_702] : memref<1000000x64xf32, #tpu.memory_space<hbm>> -> memref<400x64xf32, #tpu.memory_space<hbm>>
    tpu.enqueue_dma source(%arg8 : memref<400x64xf32, #tpu.memory_space<vmem>>) target(%dma_start3A_703 : memref<400x64xf32, #tpu.memory_space<hbm>>) target_semaphore(%arg13 : memref<!tpu.dma_semaphore, #tpu.memory_space<semaphore_mem>>)
    %add3A_704 = arith.constant 1472 : i32
    %add3A_705 = arith.addi %add3A_704, %add3A : i32
    %mul3A_706 = arith.constant 400 : i32
    %mul3A_707 = arith.muli %add3A_705, %mul3A_706 : i32
    %dma_start3A_708 = arith.constant 0 : i32
    %dma_start3A_709 = tpu.memref_slice %arg7[%mul3A_707, %dma_start3A_708] : memref<1000000x64xf32, #tpu.memory_space<hbm>> -> memref<400x64xf32, #tpu.memory_space<hbm>>
    %dma_start3A_710 = arith.constant 0 : i32
    %dma_start3A_711 = tpu.memref_slice %arg7[%mul3A_707, %dma_start3A_710] : memref<1000000x64xf32, #tpu.memory_space<hbm>> -> memref<400x64xf32, #tpu.memory_space<hbm>>
    tpu.enqueue_dma source(%arg8 : memref<400x64xf32, #tpu.memory_space<vmem>>) target(%dma_start3A_711 : memref<400x64xf32, #tpu.memory_space<hbm>>) target_semaphore(%arg13 : memref<!tpu.dma_semaphore, #tpu.memory_space<semaphore_mem>>)
    %add3A_712 = arith.constant 1504 : i32
    %add3A_713 = arith.addi %add3A_712, %add3A : i32
    %mul3A_714 = arith.constant 400 : i32
    %mul3A_715 = arith.muli %add3A_713, %mul3A_714 : i32
    %dma_start3A_716 = arith.constant 0 : i32
    %dma_start3A_717 = tpu.memref_slice %arg7[%mul3A_715, %dma_start3A_716] : memref<1000000x64xf32, #tpu.memory_space<hbm>> -> memref<400x64xf32, #tpu.memory_space<hbm>>
    %dma_start3A_718 = arith.constant 0 : i32
    %dma_start3A_719 = tpu.memref_slice %arg7[%mul3A_715, %dma_start3A_718] : memref<1000000x64xf32, #tpu.memory_space<hbm>> -> memref<400x64xf32, #tpu.memory_space<hbm>>
    tpu.enqueue_dma source(%arg8 : memref<400x64xf32, #tpu.memory_space<vmem>>) target(%dma_start3A_719 : memref<400x64xf32, #tpu.memory_space<hbm>>) target_semaphore(%arg13 : memref<!tpu.dma_semaphore, #tpu.memory_space<semaphore_mem>>)
    %add3A_720 = arith.constant 1536 : i32
    %add3A_721 = arith.addi %add3A_720, %add3A : i32
    %mul3A_722 = arith.constant 400 : i32
    %mul3A_723 = arith.muli %add3A_721, %mul3A_722 : i32
    %dma_start3A_724 = arith.constant 0 : i32
    %dma_start3A_725 = tpu.memref_slice %arg7[%mul3A_723, %dma_start3A_724] : memref<1000000x64xf32, #tpu.memory_space<hbm>> -> memref<400x64xf32, #tpu.memory_space<hbm>>
    %dma_start3A_726 = arith.constant 0 : i32
    %dma_start3A_727 = tpu.memref_slice %arg7[%mul3A_723, %dma_start3A_726] : memref<1000000x64xf32, #tpu.memory_space<hbm>> -> memref<400x64xf32, #tpu.memory_space<hbm>>
    tpu.enqueue_dma source(%arg8 : memref<400x64xf32, #tpu.memory_space<vmem>>) target(%dma_start3A_727 : memref<400x64xf32, #tpu.memory_space<hbm>>) target_semaphore(%arg13 : memref<!tpu.dma_semaphore, #tpu.memory_space<semaphore_mem>>)
    %add3A_728 = arith.constant 1568 : i32
    %add3A_729 = arith.addi %add3A_728, %add3A : i32
    %mul3A_730 = arith.constant 400 : i32
    %mul3A_731 = arith.muli %add3A_729, %mul3A_730 : i32
    %dma_start3A_732 = arith.constant 0 : i32
    %dma_start3A_733 = tpu.memref_slice %arg7[%mul3A_731, %dma_start3A_732] : memref<1000000x64xf32, #tpu.memory_space<hbm>> -> memref<400x64xf32, #tpu.memory_space<hbm>>
    %dma_start3A_734 = arith.constant 0 : i32
    %dma_start3A_735 = tpu.memref_slice %arg7[%mul3A_731, %dma_start3A_734] : memref<1000000x64xf32, #tpu.memory_space<hbm>> -> memref<400x64xf32, #tpu.memory_space<hbm>>
    tpu.enqueue_dma source(%arg8 : memref<400x64xf32, #tpu.memory_space<vmem>>) target(%dma_start3A_735 : memref<400x64xf32, #tpu.memory_space<hbm>>) target_semaphore(%arg13 : memref<!tpu.dma_semaphore, #tpu.memory_space<semaphore_mem>>)
    %add3A_736 = arith.constant 1600 : i32
    %add3A_737 = arith.addi %add3A_736, %add3A : i32
    %mul3A_738 = arith.constant 400 : i32
    %mul3A_739 = arith.muli %add3A_737, %mul3A_738 : i32
    %dma_start3A_740 = arith.constant 0 : i32
    %dma_start3A_741 = tpu.memref_slice %arg7[%mul3A_739, %dma_start3A_740] : memref<1000000x64xf32, #tpu.memory_space<hbm>> -> memref<400x64xf32, #tpu.memory_space<hbm>>
    %dma_start3A_742 = arith.constant 0 : i32
    %dma_start3A_743 = tpu.memref_slice %arg7[%mul3A_739, %dma_start3A_742] : memref<1000000x64xf32, #tpu.memory_space<hbm>> -> memref<400x64xf32, #tpu.memory_space<hbm>>
    tpu.enqueue_dma source(%arg8 : memref<400x64xf32, #tpu.memory_space<vmem>>) target(%dma_start3A_743 : memref<400x64xf32, #tpu.memory_space<hbm>>) target_semaphore(%arg13 : memref<!tpu.dma_semaphore, #tpu.memory_space<semaphore_mem>>)
    %add3A_744 = arith.constant 1632 : i32
    %add3A_745 = arith.addi %add3A_744, %add3A : i32
    %mul3A_746 = arith.constant 400 : i32
    %mul3A_747 = arith.muli %add3A_745, %mul3A_746 : i32
    %dma_start3A_748 = arith.constant 0 : i32
    %dma_start3A_749 = tpu.memref_slice %arg7[%mul3A_747, %dma_start3A_748] : memref<1000000x64xf32, #tpu.memory_space<hbm>> -> memref<400x64xf32, #tpu.memory_space<hbm>>
    %dma_start3A_750 = arith.constant 0 : i32
    %dma_start3A_751 = tpu.memref_slice %arg7[%mul3A_747, %dma_start3A_750] : memref<1000000x64xf32, #tpu.memory_space<hbm>> -> memref<400x64xf32, #tpu.memory_space<hbm>>
    tpu.enqueue_dma source(%arg8 : memref<400x64xf32, #tpu.memory_space<vmem>>) target(%dma_start3A_751 : memref<400x64xf32, #tpu.memory_space<hbm>>) target_semaphore(%arg13 : memref<!tpu.dma_semaphore, #tpu.memory_space<semaphore_mem>>)
    %add3A_752 = arith.constant 1664 : i32
    %add3A_753 = arith.addi %add3A_752, %add3A : i32
    %mul3A_754 = arith.constant 400 : i32
    %mul3A_755 = arith.muli %add3A_753, %mul3A_754 : i32
    %dma_start3A_756 = arith.constant 0 : i32
    %dma_start3A_757 = tpu.memref_slice %arg7[%mul3A_755, %dma_start3A_756] : memref<1000000x64xf32, #tpu.memory_space<hbm>> -> memref<400x64xf32, #tpu.memory_space<hbm>>
    %dma_start3A_758 = arith.constant 0 : i32
    %dma_start3A_759 = tpu.memref_slice %arg7[%mul3A_755, %dma_start3A_758] : memref<1000000x64xf32, #tpu.memory_space<hbm>> -> memref<400x64xf32, #tpu.memory_space<hbm>>
    tpu.enqueue_dma source(%arg8 : memref<400x64xf32, #tpu.memory_space<vmem>>) target(%dma_start3A_759 : memref<400x64xf32, #tpu.memory_space<hbm>>) target_semaphore(%arg13 : memref<!tpu.dma_semaphore, #tpu.memory_space<semaphore_mem>>)
    %add3A_760 = arith.constant 1696 : i32
    %add3A_761 = arith.addi %add3A_760, %add3A : i32
    %mul3A_762 = arith.constant 400 : i32
    %mul3A_763 = arith.muli %add3A_761, %mul3A_762 : i32
    %dma_start3A_764 = arith.constant 0 : i32
    %dma_start3A_765 = tpu.memref_slice %arg7[%mul3A_763, %dma_start3A_764] : memref<1000000x64xf32, #tpu.memory_space<hbm>> -> memref<400x64xf32, #tpu.memory_space<hbm>>
    %dma_start3A_766 = arith.constant 0 : i32
    %dma_start3A_767 = tpu.memref_slice %arg7[%mul3A_763, %dma_start3A_766] : memref<1000000x64xf32, #tpu.memory_space<hbm>> -> memref<400x64xf32, #tpu.memory_space<hbm>>
    tpu.enqueue_dma source(%arg8 : memref<400x64xf32, #tpu.memory_space<vmem>>) target(%dma_start3A_767 : memref<400x64xf32, #tpu.memory_space<hbm>>) target_semaphore(%arg13 : memref<!tpu.dma_semaphore, #tpu.memory_space<semaphore_mem>>)
    %add3A_768 = arith.constant 1728 : i32
    %add3A_769 = arith.addi %add3A_768, %add3A : i32
    %mul3A_770 = arith.constant 400 : i32
    %mul3A_771 = arith.muli %add3A_769, %mul3A_770 : i32
    %dma_start3A_772 = arith.constant 0 : i32
    %dma_start3A_773 = tpu.memref_slice %arg7[%mul3A_771, %dma_start3A_772] : memref<1000000x64xf32, #tpu.memory_space<hbm>> -> memref<400x64xf32, #tpu.memory_space<hbm>>
    %dma_start3A_774 = arith.constant 0 : i32
    %dma_start3A_775 = tpu.memref_slice %arg7[%mul3A_771, %dma_start3A_774] : memref<1000000x64xf32, #tpu.memory_space<hbm>> -> memref<400x64xf32, #tpu.memory_space<hbm>>
    tpu.enqueue_dma source(%arg8 : memref<400x64xf32, #tpu.memory_space<vmem>>) target(%dma_start3A_775 : memref<400x64xf32, #tpu.memory_space<hbm>>) target_semaphore(%arg13 : memref<!tpu.dma_semaphore, #tpu.memory_space<semaphore_mem>>)
    %add3A_776 = arith.constant 1760 : i32
    %add3A_777 = arith.addi %add3A_776, %add3A : i32
    %mul3A_778 = arith.constant 400 : i32
    %mul3A_779 = arith.muli %add3A_777, %mul3A_778 : i32
    %dma_start3A_780 = arith.constant 0 : i32
    %dma_start3A_781 = tpu.memref_slice %arg7[%mul3A_779, %dma_start3A_780] : memref<1000000x64xf32, #tpu.memory_space<hbm>> -> memref<400x64xf32, #tpu.memory_space<hbm>>
    %dma_start3A_782 = arith.constant 0 : i32
    %dma_start3A_783 = tpu.memref_slice %arg7[%mul3A_779, %dma_start3A_782] : memref<1000000x64xf32, #tpu.memory_space<hbm>> -> memref<400x64xf32, #tpu.memory_space<hbm>>
    tpu.enqueue_dma source(%arg8 : memref<400x64xf32, #tpu.memory_space<vmem>>) target(%dma_start3A_783 : memref<400x64xf32, #tpu.memory_space<hbm>>) target_semaphore(%arg13 : memref<!tpu.dma_semaphore, #tpu.memory_space<semaphore_mem>>)
    %add3A_784 = arith.constant 1792 : i32
    %add3A_785 = arith.addi %add3A_784, %add3A : i32
    %mul3A_786 = arith.constant 400 : i32
    %mul3A_787 = arith.muli %add3A_785, %mul3A_786 : i32
    %dma_start3A_788 = arith.constant 0 : i32
    %dma_start3A_789 = tpu.memref_slice %arg7[%mul3A_787, %dma_start3A_788] : memref<1000000x64xf32, #tpu.memory_space<hbm>> -> memref<400x64xf32, #tpu.memory_space<hbm>>
    %dma_start3A_790 = arith.constant 0 : i32
    %dma_start3A_791 = tpu.memref_slice %arg7[%mul3A_787, %dma_start3A_790] : memref<1000000x64xf32, #tpu.memory_space<hbm>> -> memref<400x64xf32, #tpu.memory_space<hbm>>
    tpu.enqueue_dma source(%arg8 : memref<400x64xf32, #tpu.memory_space<vmem>>) target(%dma_start3A_791 : memref<400x64xf32, #tpu.memory_space<hbm>>) target_semaphore(%arg13 : memref<!tpu.dma_semaphore, #tpu.memory_space<semaphore_mem>>)
    %add3A_792 = arith.constant 1824 : i32
    %add3A_793 = arith.addi %add3A_792, %add3A : i32
    %mul3A_794 = arith.constant 400 : i32
    %mul3A_795 = arith.muli %add3A_793, %mul3A_794 : i32
    %dma_start3A_796 = arith.constant 0 : i32
    %dma_start3A_797 = tpu.memref_slice %arg7[%mul3A_795, %dma_start3A_796] : memref<1000000x64xf32, #tpu.memory_space<hbm>> -> memref<400x64xf32, #tpu.memory_space<hbm>>
    %dma_start3A_798 = arith.constant 0 : i32
    %dma_start3A_799 = tpu.memref_slice %arg7[%mul3A_795, %dma_start3A_798] : memref<1000000x64xf32, #tpu.memory_space<hbm>> -> memref<400x64xf32, #tpu.memory_space<hbm>>
    tpu.enqueue_dma source(%arg8 : memref<400x64xf32, #tpu.memory_space<vmem>>) target(%dma_start3A_799 : memref<400x64xf32, #tpu.memory_space<hbm>>) target_semaphore(%arg13 : memref<!tpu.dma_semaphore, #tpu.memory_space<semaphore_mem>>)
    %add3A_800 = arith.constant 1856 : i32
    %add3A_801 = arith.addi %add3A_800, %add3A : i32
    %mul3A_802 = arith.constant 400 : i32
    %mul3A_803 = arith.muli %add3A_801, %mul3A_802 : i32
    %dma_start3A_804 = arith.constant 0 : i32
    %dma_start3A_805 = tpu.memref_slice %arg7[%mul3A_803, %dma_start3A_804] : memref<1000000x64xf32, #tpu.memory_space<hbm>> -> memref<400x64xf32, #tpu.memory_space<hbm>>
    %dma_start3A_806 = arith.constant 0 : i32
    %dma_start3A_807 = tpu.memref_slice %arg7[%mul3A_803, %dma_start3A_806] : memref<1000000x64xf32, #tpu.memory_space<hbm>> -> memref<400x64xf32, #tpu.memory_space<hbm>>
    tpu.enqueue_dma source(%arg8 : memref<400x64xf32, #tpu.memory_space<vmem>>) target(%dma_start3A_807 : memref<400x64xf32, #tpu.memory_space<hbm>>) target_semaphore(%arg13 : memref<!tpu.dma_semaphore, #tpu.memory_space<semaphore_mem>>)
    %add3A_808 = arith.constant 1888 : i32
    %add3A_809 = arith.addi %add3A_808, %add3A : i32
    %mul3A_810 = arith.constant 400 : i32
    %mul3A_811 = arith.muli %add3A_809, %mul3A_810 : i32
    %dma_start3A_812 = arith.constant 0 : i32
    %dma_start3A_813 = tpu.memref_slice %arg7[%mul3A_811, %dma_start3A_812] : memref<1000000x64xf32, #tpu.memory_space<hbm>> -> memref<400x64xf32, #tpu.memory_space<hbm>>
    %dma_start3A_814 = arith.constant 0 : i32
    %dma_start3A_815 = tpu.memref_slice %arg7[%mul3A_811, %dma_start3A_814] : memref<1000000x64xf32, #tpu.memory_space<hbm>> -> memref<400x64xf32, #tpu.memory_space<hbm>>
    tpu.enqueue_dma source(%arg8 : memref<400x64xf32, #tpu.memory_space<vmem>>) target(%dma_start3A_815 : memref<400x64xf32, #tpu.memory_space<hbm>>) target_semaphore(%arg13 : memref<!tpu.dma_semaphore, #tpu.memory_space<semaphore_mem>>)
    %add3A_816 = arith.constant 1920 : i32
    %add3A_817 = arith.addi %add3A_816, %add3A : i32
    %mul3A_818 = arith.constant 400 : i32
    %mul3A_819 = arith.muli %add3A_817, %mul3A_818 : i32
    %dma_start3A_820 = arith.constant 0 : i32
    %dma_start3A_821 = tpu.memref_slice %arg7[%mul3A_819, %dma_start3A_820] : memref<1000000x64xf32, #tpu.memory_space<hbm>> -> memref<400x64xf32, #tpu.memory_space<hbm>>
    %dma_start3A_822 = arith.constant 0 : i32
    %dma_start3A_823 = tpu.memref_slice %arg7[%mul3A_819, %dma_start3A_822] : memref<1000000x64xf32, #tpu.memory_space<hbm>> -> memref<400x64xf32, #tpu.memory_space<hbm>>
    tpu.enqueue_dma source(%arg8 : memref<400x64xf32, #tpu.memory_space<vmem>>) target(%dma_start3A_823 : memref<400x64xf32, #tpu.memory_space<hbm>>) target_semaphore(%arg13 : memref<!tpu.dma_semaphore, #tpu.memory_space<semaphore_mem>>)
    %add3A_824 = arith.constant 1952 : i32
    %add3A_825 = arith.addi %add3A_824, %add3A : i32
    %mul3A_826 = arith.constant 400 : i32
    %mul3A_827 = arith.muli %add3A_825, %mul3A_826 : i32
    %dma_start3A_828 = arith.constant 0 : i32
    %dma_start3A_829 = tpu.memref_slice %arg7[%mul3A_827, %dma_start3A_828] : memref<1000000x64xf32, #tpu.memory_space<hbm>> -> memref<400x64xf32, #tpu.memory_space<hbm>>
    %dma_start3A_830 = arith.constant 0 : i32
    %dma_start3A_831 = tpu.memref_slice %arg7[%mul3A_827, %dma_start3A_830] : memref<1000000x64xf32, #tpu.memory_space<hbm>> -> memref<400x64xf32, #tpu.memory_space<hbm>>
    tpu.enqueue_dma source(%arg8 : memref<400x64xf32, #tpu.memory_space<vmem>>) target(%dma_start3A_831 : memref<400x64xf32, #tpu.memory_space<hbm>>) target_semaphore(%arg13 : memref<!tpu.dma_semaphore, #tpu.memory_space<semaphore_mem>>)
    %add3A_832 = arith.constant 1984 : i32
    %add3A_833 = arith.addi %add3A_832, %add3A : i32
    %mul3A_834 = arith.constant 400 : i32
    %mul3A_835 = arith.muli %add3A_833, %mul3A_834 : i32
    %dma_start3A_836 = arith.constant 0 : i32
    %dma_start3A_837 = tpu.memref_slice %arg7[%mul3A_835, %dma_start3A_836] : memref<1000000x64xf32, #tpu.memory_space<hbm>> -> memref<400x64xf32, #tpu.memory_space<hbm>>
    %dma_start3A_838 = arith.constant 0 : i32
    %dma_start3A_839 = tpu.memref_slice %arg7[%mul3A_835, %dma_start3A_838] : memref<1000000x64xf32, #tpu.memory_space<hbm>> -> memref<400x64xf32, #tpu.memory_space<hbm>>
    tpu.enqueue_dma source(%arg8 : memref<400x64xf32, #tpu.memory_space<vmem>>) target(%dma_start3A_839 : memref<400x64xf32, #tpu.memory_space<hbm>>) target_semaphore(%arg13 : memref<!tpu.dma_semaphore, #tpu.memory_space<semaphore_mem>>)
    %add3A_840 = arith.constant 2016 : i32
    %add3A_841 = arith.addi %add3A_840, %add3A : i32
    %mul3A_842 = arith.constant 400 : i32
    %mul3A_843 = arith.muli %add3A_841, %mul3A_842 : i32
    %dma_start3A_844 = arith.constant 0 : i32
    %dma_start3A_845 = tpu.memref_slice %arg7[%mul3A_843, %dma_start3A_844] : memref<1000000x64xf32, #tpu.memory_space<hbm>> -> memref<400x64xf32, #tpu.memory_space<hbm>>
    %dma_start3A_846 = arith.constant 0 : i32
    %dma_start3A_847 = tpu.memref_slice %arg7[%mul3A_843, %dma_start3A_846] : memref<1000000x64xf32, #tpu.memory_space<hbm>> -> memref<400x64xf32, #tpu.memory_space<hbm>>
    tpu.enqueue_dma source(%arg8 : memref<400x64xf32, #tpu.memory_space<vmem>>) target(%dma_start3A_847 : memref<400x64xf32, #tpu.memory_space<hbm>>) target_semaphore(%arg13 : memref<!tpu.dma_semaphore, #tpu.memory_space<semaphore_mem>>)
    %add3A_848 = arith.constant 2048 : i32
    %add3A_849 = arith.addi %add3A_848, %add3A : i32
    %mul3A_850 = arith.constant 400 : i32
    %mul3A_851 = arith.muli %add3A_849, %mul3A_850 : i32
    %dma_start3A_852 = arith.constant 0 : i32
    %dma_start3A_853 = tpu.memref_slice %arg7[%mul3A_851, %dma_start3A_852] : memref<1000000x64xf32, #tpu.memory_space<hbm>> -> memref<400x64xf32, #tpu.memory_space<hbm>>
    %dma_start3A_854 = arith.constant 0 : i32
    %dma_start3A_855 = tpu.memref_slice %arg7[%mul3A_851, %dma_start3A_854] : memref<1000000x64xf32, #tpu.memory_space<hbm>> -> memref<400x64xf32, #tpu.memory_space<hbm>>
    tpu.enqueue_dma source(%arg8 : memref<400x64xf32, #tpu.memory_space<vmem>>) target(%dma_start3A_855 : memref<400x64xf32, #tpu.memory_space<hbm>>) target_semaphore(%arg13 : memref<!tpu.dma_semaphore, #tpu.memory_space<semaphore_mem>>)
    %add3A_856 = arith.constant 2080 : i32
    %add3A_857 = arith.addi %add3A_856, %add3A : i32
    %mul3A_858 = arith.constant 400 : i32
    %mul3A_859 = arith.muli %add3A_857, %mul3A_858 : i32
    %dma_start3A_860 = arith.constant 0 : i32
    %dma_start3A_861 = tpu.memref_slice %arg7[%mul3A_859, %dma_start3A_860] : memref<1000000x64xf32, #tpu.memory_space<hbm>> -> memref<400x64xf32, #tpu.memory_space<hbm>>
    %dma_start3A_862 = arith.constant 0 : i32
    %dma_start3A_863 = tpu.memref_slice %arg7[%mul3A_859, %dma_start3A_862] : memref<1000000x64xf32, #tpu.memory_space<hbm>> -> memref<400x64xf32, #tpu.memory_space<hbm>>
    tpu.enqueue_dma source(%arg8 : memref<400x64xf32, #tpu.memory_space<vmem>>) target(%dma_start3A_863 : memref<400x64xf32, #tpu.memory_space<hbm>>) target_semaphore(%arg13 : memref<!tpu.dma_semaphore, #tpu.memory_space<semaphore_mem>>)
    %add3A_864 = arith.constant 2112 : i32
    %add3A_865 = arith.addi %add3A_864, %add3A : i32
    %mul3A_866 = arith.constant 400 : i32
    %mul3A_867 = arith.muli %add3A_865, %mul3A_866 : i32
    %dma_start3A_868 = arith.constant 0 : i32
    %dma_start3A_869 = tpu.memref_slice %arg7[%mul3A_867, %dma_start3A_868] : memref<1000000x64xf32, #tpu.memory_space<hbm>> -> memref<400x64xf32, #tpu.memory_space<hbm>>
    %dma_start3A_870 = arith.constant 0 : i32
    %dma_start3A_871 = tpu.memref_slice %arg7[%mul3A_867, %dma_start3A_870] : memref<1000000x64xf32, #tpu.memory_space<hbm>> -> memref<400x64xf32, #tpu.memory_space<hbm>>
    tpu.enqueue_dma source(%arg8 : memref<400x64xf32, #tpu.memory_space<vmem>>) target(%dma_start3A_871 : memref<400x64xf32, #tpu.memory_space<hbm>>) target_semaphore(%arg13 : memref<!tpu.dma_semaphore, #tpu.memory_space<semaphore_mem>>)
    %add3A_872 = arith.constant 2144 : i32
    %add3A_873 = arith.addi %add3A_872, %add3A : i32
    %mul3A_874 = arith.constant 400 : i32
    %mul3A_875 = arith.muli %add3A_873, %mul3A_874 : i32
    %dma_start3A_876 = arith.constant 0 : i32
    %dma_start3A_877 = tpu.memref_slice %arg7[%mul3A_875, %dma_start3A_876] : memref<1000000x64xf32, #tpu.memory_space<hbm>> -> memref<400x64xf32, #tpu.memory_space<hbm>>
    %dma_start3A_878 = arith.constant 0 : i32
    %dma_start3A_879 = tpu.memref_slice %arg7[%mul3A_875, %dma_start3A_878] : memref<1000000x64xf32, #tpu.memory_space<hbm>> -> memref<400x64xf32, #tpu.memory_space<hbm>>
    tpu.enqueue_dma source(%arg8 : memref<400x64xf32, #tpu.memory_space<vmem>>) target(%dma_start3A_879 : memref<400x64xf32, #tpu.memory_space<hbm>>) target_semaphore(%arg13 : memref<!tpu.dma_semaphore, #tpu.memory_space<semaphore_mem>>)
    %add3A_880 = arith.constant 2176 : i32
    %add3A_881 = arith.addi %add3A_880, %add3A : i32
    %mul3A_882 = arith.constant 400 : i32
    %mul3A_883 = arith.muli %add3A_881, %mul3A_882 : i32
    %dma_start3A_884 = arith.constant 0 : i32
    %dma_start3A_885 = tpu.memref_slice %arg7[%mul3A_883, %dma_start3A_884] : memref<1000000x64xf32, #tpu.memory_space<hbm>> -> memref<400x64xf32, #tpu.memory_space<hbm>>
    %dma_start3A_886 = arith.constant 0 : i32
    %dma_start3A_887 = tpu.memref_slice %arg7[%mul3A_883, %dma_start3A_886] : memref<1000000x64xf32, #tpu.memory_space<hbm>> -> memref<400x64xf32, #tpu.memory_space<hbm>>
    tpu.enqueue_dma source(%arg8 : memref<400x64xf32, #tpu.memory_space<vmem>>) target(%dma_start3A_887 : memref<400x64xf32, #tpu.memory_space<hbm>>) target_semaphore(%arg13 : memref<!tpu.dma_semaphore, #tpu.memory_space<semaphore_mem>>)
    %add3A_888 = arith.constant 2208 : i32
    %add3A_889 = arith.addi %add3A_888, %add3A : i32
    %mul3A_890 = arith.constant 400 : i32
    %mul3A_891 = arith.muli %add3A_889, %mul3A_890 : i32
    %dma_start3A_892 = arith.constant 0 : i32
    %dma_start3A_893 = tpu.memref_slice %arg7[%mul3A_891, %dma_start3A_892] : memref<1000000x64xf32, #tpu.memory_space<hbm>> -> memref<400x64xf32, #tpu.memory_space<hbm>>
    %dma_start3A_894 = arith.constant 0 : i32
    %dma_start3A_895 = tpu.memref_slice %arg7[%mul3A_891, %dma_start3A_894] : memref<1000000x64xf32, #tpu.memory_space<hbm>> -> memref<400x64xf32, #tpu.memory_space<hbm>>
    tpu.enqueue_dma source(%arg8 : memref<400x64xf32, #tpu.memory_space<vmem>>) target(%dma_start3A_895 : memref<400x64xf32, #tpu.memory_space<hbm>>) target_semaphore(%arg13 : memref<!tpu.dma_semaphore, #tpu.memory_space<semaphore_mem>>)
    %add3A_896 = arith.constant 2240 : i32
    %add3A_897 = arith.addi %add3A_896, %add3A : i32
    %mul3A_898 = arith.constant 400 : i32
    %mul3A_899 = arith.muli %add3A_897, %mul3A_898 : i32
    %dma_start3A_900 = arith.constant 0 : i32
    %dma_start3A_901 = tpu.memref_slice %arg7[%mul3A_899, %dma_start3A_900] : memref<1000000x64xf32, #tpu.memory_space<hbm>> -> memref<400x64xf32, #tpu.memory_space<hbm>>
    %dma_start3A_902 = arith.constant 0 : i32
    %dma_start3A_903 = tpu.memref_slice %arg7[%mul3A_899, %dma_start3A_902] : memref<1000000x64xf32, #tpu.memory_space<hbm>> -> memref<400x64xf32, #tpu.memory_space<hbm>>
    tpu.enqueue_dma source(%arg8 : memref<400x64xf32, #tpu.memory_space<vmem>>) target(%dma_start3A_903 : memref<400x64xf32, #tpu.memory_space<hbm>>) target_semaphore(%arg13 : memref<!tpu.dma_semaphore, #tpu.memory_space<semaphore_mem>>)
    %add3A_904 = arith.constant 2272 : i32
    %add3A_905 = arith.addi %add3A_904, %add3A : i32
    %mul3A_906 = arith.constant 400 : i32
    %mul3A_907 = arith.muli %add3A_905, %mul3A_906 : i32
    %dma_start3A_908 = arith.constant 0 : i32
    %dma_start3A_909 = tpu.memref_slice %arg7[%mul3A_907, %dma_start3A_908] : memref<1000000x64xf32, #tpu.memory_space<hbm>> -> memref<400x64xf32, #tpu.memory_space<hbm>>
    %dma_start3A_910 = arith.constant 0 : i32
    %dma_start3A_911 = tpu.memref_slice %arg7[%mul3A_907, %dma_start3A_910] : memref<1000000x64xf32, #tpu.memory_space<hbm>> -> memref<400x64xf32, #tpu.memory_space<hbm>>
    tpu.enqueue_dma source(%arg8 : memref<400x64xf32, #tpu.memory_space<vmem>>) target(%dma_start3A_911 : memref<400x64xf32, #tpu.memory_space<hbm>>) target_semaphore(%arg13 : memref<!tpu.dma_semaphore, #tpu.memory_space<semaphore_mem>>)
    %add3A_912 = arith.constant 2304 : i32
    %add3A_913 = arith.addi %add3A_912, %add3A : i32
    %mul3A_914 = arith.constant 400 : i32
    %mul3A_915 = arith.muli %add3A_913, %mul3A_914 : i32
    %dma_start3A_916 = arith.constant 0 : i32
    %dma_start3A_917 = tpu.memref_slice %arg7[%mul3A_915, %dma_start3A_916] : memref<1000000x64xf32, #tpu.memory_space<hbm>> -> memref<400x64xf32, #tpu.memory_space<hbm>>
    %dma_start3A_918 = arith.constant 0 : i32
    %dma_start3A_919 = tpu.memref_slice %arg7[%mul3A_915, %dma_start3A_918] : memref<1000000x64xf32, #tpu.memory_space<hbm>> -> memref<400x64xf32, #tpu.memory_space<hbm>>
    tpu.enqueue_dma source(%arg8 : memref<400x64xf32, #tpu.memory_space<vmem>>) target(%dma_start3A_919 : memref<400x64xf32, #tpu.memory_space<hbm>>) target_semaphore(%arg13 : memref<!tpu.dma_semaphore, #tpu.memory_space<semaphore_mem>>)
    %add3A_920 = arith.constant 2336 : i32
    %add3A_921 = arith.addi %add3A_920, %add3A : i32
    %mul3A_922 = arith.constant 400 : i32
    %mul3A_923 = arith.muli %add3A_921, %mul3A_922 : i32
    %dma_start3A_924 = arith.constant 0 : i32
    %dma_start3A_925 = tpu.memref_slice %arg7[%mul3A_923, %dma_start3A_924] : memref<1000000x64xf32, #tpu.memory_space<hbm>> -> memref<400x64xf32, #tpu.memory_space<hbm>>
    %dma_start3A_926 = arith.constant 0 : i32
    %dma_start3A_927 = tpu.memref_slice %arg7[%mul3A_923, %dma_start3A_926] : memref<1000000x64xf32, #tpu.memory_space<hbm>> -> memref<400x64xf32, #tpu.memory_space<hbm>>
    tpu.enqueue_dma source(%arg8 : memref<400x64xf32, #tpu.memory_space<vmem>>) target(%dma_start3A_927 : memref<400x64xf32, #tpu.memory_space<hbm>>) target_semaphore(%arg13 : memref<!tpu.dma_semaphore, #tpu.memory_space<semaphore_mem>>)
    %add3A_928 = arith.constant 2368 : i32
    %add3A_929 = arith.addi %add3A_928, %add3A : i32
    %mul3A_930 = arith.constant 400 : i32
    %mul3A_931 = arith.muli %add3A_929, %mul3A_930 : i32
    %dma_start3A_932 = arith.constant 0 : i32
    %dma_start3A_933 = tpu.memref_slice %arg7[%mul3A_931, %dma_start3A_932] : memref<1000000x64xf32, #tpu.memory_space<hbm>> -> memref<400x64xf32, #tpu.memory_space<hbm>>
    %dma_start3A_934 = arith.constant 0 : i32
    %dma_start3A_935 = tpu.memref_slice %arg7[%mul3A_931, %dma_start3A_934] : memref<1000000x64xf32, #tpu.memory_space<hbm>> -> memref<400x64xf32, #tpu.memory_space<hbm>>
    tpu.enqueue_dma source(%arg8 : memref<400x64xf32, #tpu.memory_space<vmem>>) target(%dma_start3A_935 : memref<400x64xf32, #tpu.memory_space<hbm>>) target_semaphore(%arg13 : memref<!tpu.dma_semaphore, #tpu.memory_space<semaphore_mem>>)
    %add3A_936 = arith.constant 2400 : i32
    %add3A_937 = arith.addi %add3A_936, %add3A : i32
    %mul3A_938 = arith.constant 400 : i32
    %mul3A_939 = arith.muli %add3A_937, %mul3A_938 : i32
    %dma_start3A_940 = arith.constant 0 : i32
    %dma_start3A_941 = tpu.memref_slice %arg7[%mul3A_939, %dma_start3A_940] : memref<1000000x64xf32, #tpu.memory_space<hbm>> -> memref<400x64xf32, #tpu.memory_space<hbm>>
    %dma_start3A_942 = arith.constant 0 : i32
    %dma_start3A_943 = tpu.memref_slice %arg7[%mul3A_939, %dma_start3A_942] : memref<1000000x64xf32, #tpu.memory_space<hbm>> -> memref<400x64xf32, #tpu.memory_space<hbm>>
    tpu.enqueue_dma source(%arg8 : memref<400x64xf32, #tpu.memory_space<vmem>>) target(%dma_start3A_943 : memref<400x64xf32, #tpu.memory_space<hbm>>) target_semaphore(%arg13 : memref<!tpu.dma_semaphore, #tpu.memory_space<semaphore_mem>>)
    %add3A_944 = arith.constant 2432 : i32
    %add3A_945 = arith.addi %add3A_944, %add3A : i32
    %mul3A_946 = arith.constant 400 : i32
    %mul3A_947 = arith.muli %add3A_945, %mul3A_946 : i32
    %dma_start3A_948 = arith.constant 0 : i32
    %dma_start3A_949 = tpu.memref_slice %arg7[%mul3A_947, %dma_start3A_948] : memref<1000000x64xf32, #tpu.memory_space<hbm>> -> memref<400x64xf32, #tpu.memory_space<hbm>>
    %dma_start3A_950 = arith.constant 0 : i32
    %dma_start3A_951 = tpu.memref_slice %arg7[%mul3A_947, %dma_start3A_950] : memref<1000000x64xf32, #tpu.memory_space<hbm>> -> memref<400x64xf32, #tpu.memory_space<hbm>>
    tpu.enqueue_dma source(%arg8 : memref<400x64xf32, #tpu.memory_space<vmem>>) target(%dma_start3A_951 : memref<400x64xf32, #tpu.memory_space<hbm>>) target_semaphore(%arg13 : memref<!tpu.dma_semaphore, #tpu.memory_space<semaphore_mem>>)
    %add3A_952 = arith.constant 2464 : i32
    %add3A_953 = arith.addi %add3A_952, %add3A : i32
    %mul3A_954 = arith.constant 400 : i32
    %mul3A_955 = arith.muli %add3A_953, %mul3A_954 : i32
    %dma_start3A_956 = arith.constant 0 : i32
    %dma_start3A_957 = tpu.memref_slice %arg7[%mul3A_955, %dma_start3A_956] : memref<1000000x64xf32, #tpu.memory_space<hbm>> -> memref<400x64xf32, #tpu.memory_space<hbm>>
    %dma_start3A_958 = arith.constant 0 : i32
    %dma_start3A_959 = tpu.memref_slice %arg7[%mul3A_955, %dma_start3A_958] : memref<1000000x64xf32, #tpu.memory_space<hbm>> -> memref<400x64xf32, #tpu.memory_space<hbm>>
    tpu.enqueue_dma source(%arg8 : memref<400x64xf32, #tpu.memory_space<vmem>>) target(%dma_start3A_959 : memref<400x64xf32, #tpu.memory_space<hbm>>) target_semaphore(%arg13 : memref<!tpu.dma_semaphore, #tpu.memory_space<semaphore_mem>>)
    %add3A_960 = arith.constant 2496 : i32
    %add3A_961 = arith.addi %add3A_960, %add3A : i32
    %mul3A_962 = arith.constant 400 : i32
    %mul3A_963 = arith.muli %add3A_961, %mul3A_962 : i32
    %lt3A_964 = arith.constant 4 : i32
    %lt3A_965 = arith.cmpi slt, %add3A, %lt3A_964 : i32
    %convert_element_type3A_966 = arith.extui %lt3A_965 : i1 to i32
    %cond3A_967 = arith.constant 0 : i32
    %cond3A_968 = arith.cmpi ne, %convert_element_type3A_966, %cond3A_967 : i32
    scf.if %cond3A_968 {
      %dma_start3A_1286 = arith.constant 0 : i32
      %dma_start3A_1287 = tpu.memref_slice %arg7[%mul3A_963, %dma_start3A_1286] : memref<1000000x64xf32, #tpu.memory_space<hbm>> -> memref<400x64xf32, #tpu.memory_space<hbm>>
      %dma_start3A_1288 = arith.constant 0 : i32
      %dma_start3A_1289 = tpu.memref_slice %arg7[%mul3A_963, %dma_start3A_1288] : memref<1000000x64xf32, #tpu.memory_space<hbm>> -> memref<400x64xf32, #tpu.memory_space<hbm>>
      tpu.enqueue_dma source(%arg8 : memref<400x64xf32, #tpu.memory_space<vmem>>) target(%dma_start3A_1289 : memref<400x64xf32, #tpu.memory_space<hbm>>) target_semaphore(%arg13 : memref<!tpu.dma_semaphore, #tpu.memory_space<semaphore_mem>>)
    } else {
    }
    %dma_wait3A_969 = arith.constant 0 : i32
    %dma_wait3A_970 = tpu.memref_slice %arg7[%mul3A_339, %dma_wait3A_969] : memref<1000000x64xf32, #tpu.memory_space<hbm>> -> memref<400x64xf32, #tpu.memory_space<hbm>>
    %dma_wait3A_971 = arith.constant 0 : i32
    %dma_wait3A_972 = tpu.memref_slice %arg7[%mul3A_339, %dma_wait3A_971] : memref<1000000x64xf32, #tpu.memory_space<hbm>> -> memref<400x64xf32, #tpu.memory_space<hbm>>
    tpu.wait_dma2 semaphore(%arg13 : memref<!tpu.dma_semaphore, #tpu.memory_space<semaphore_mem>>) src(%arg8 : memref<400x64xf32, #tpu.memory_space<vmem>>) dst(%dma_wait3A_972 : memref<400x64xf32, #tpu.memory_space<hbm>>)
    %dma_wait3A_973 = arith.constant 0 : i32
    %dma_wait3A_974 = tpu.memref_slice %arg7[%mul3A_347, %dma_wait3A_973] : memref<1000000x64xf32, #tpu.memory_space<hbm>> -> memref<400x64xf32, #tpu.memory_space<hbm>>
    %dma_wait3A_975 = arith.constant 0 : i32
    %dma_wait3A_976 = tpu.memref_slice %arg7[%mul3A_347, %dma_wait3A_975] : memref<1000000x64xf32, #tpu.memory_space<hbm>> -> memref<400x64xf32, #tpu.memory_space<hbm>>
    tpu.wait_dma2 semaphore(%arg13 : memref<!tpu.dma_semaphore, #tpu.memory_space<semaphore_mem>>) src(%arg8 : memref<400x64xf32, #tpu.memory_space<vmem>>) dst(%dma_wait3A_976 : memref<400x64xf32, #tpu.memory_space<hbm>>)
    %dma_wait3A_977 = arith.constant 0 : i32
    %dma_wait3A_978 = tpu.memref_slice %arg7[%mul3A_355, %dma_wait3A_977] : memref<1000000x64xf32, #tpu.memory_space<hbm>> -> memref<400x64xf32, #tpu.memory_space<hbm>>
    %dma_wait3A_979 = arith.constant 0 : i32
    %dma_wait3A_980 = tpu.memref_slice %arg7[%mul3A_355, %dma_wait3A_979] : memref<1000000x64xf32, #tpu.memory_space<hbm>> -> memref<400x64xf32, #tpu.memory_space<hbm>>
    tpu.wait_dma2 semaphore(%arg13 : memref<!tpu.dma_semaphore, #tpu.memory_space<semaphore_mem>>) src(%arg8 : memref<400x64xf32, #tpu.memory_space<vmem>>) dst(%dma_wait3A_980 : memref<400x64xf32, #tpu.memory_space<hbm>>)
    %dma_wait3A_981 = arith.constant 0 : i32
    %dma_wait3A_982 = tpu.memref_slice %arg7[%mul3A_363, %dma_wait3A_981] : memref<1000000x64xf32, #tpu.memory_space<hbm>> -> memref<400x64xf32, #tpu.memory_space<hbm>>
    %dma_wait3A_983 = arith.constant 0 : i32
    %dma_wait3A_984 = tpu.memref_slice %arg7[%mul3A_363, %dma_wait3A_983] : memref<1000000x64xf32, #tpu.memory_space<hbm>> -> memref<400x64xf32, #tpu.memory_space<hbm>>
    tpu.wait_dma2 semaphore(%arg13 : memref<!tpu.dma_semaphore, #tpu.memory_space<semaphore_mem>>) src(%arg8 : memref<400x64xf32, #tpu.memory_space<vmem>>) dst(%dma_wait3A_984 : memref<400x64xf32, #tpu.memory_space<hbm>>)
    %dma_wait3A_985 = arith.constant 0 : i32
    %dma_wait3A_986 = tpu.memref_slice %arg7[%mul3A_371, %dma_wait3A_985] : memref<1000000x64xf32, #tpu.memory_space<hbm>> -> memref<400x64xf32, #tpu.memory_space<hbm>>
    %dma_wait3A_987 = arith.constant 0 : i32
    %dma_wait3A_988 = tpu.memref_slice %arg7[%mul3A_371, %dma_wait3A_987] : memref<1000000x64xf32, #tpu.memory_space<hbm>> -> memref<400x64xf32, #tpu.memory_space<hbm>>
    tpu.wait_dma2 semaphore(%arg13 : memref<!tpu.dma_semaphore, #tpu.memory_space<semaphore_mem>>) src(%arg8 : memref<400x64xf32, #tpu.memory_space<vmem>>) dst(%dma_wait3A_988 : memref<400x64xf32, #tpu.memory_space<hbm>>)
    %dma_wait3A_989 = arith.constant 0 : i32
    %dma_wait3A_990 = tpu.memref_slice %arg7[%mul3A_379, %dma_wait3A_989] : memref<1000000x64xf32, #tpu.memory_space<hbm>> -> memref<400x64xf32, #tpu.memory_space<hbm>>
    %dma_wait3A_991 = arith.constant 0 : i32
    %dma_wait3A_992 = tpu.memref_slice %arg7[%mul3A_379, %dma_wait3A_991] : memref<1000000x64xf32, #tpu.memory_space<hbm>> -> memref<400x64xf32, #tpu.memory_space<hbm>>
    tpu.wait_dma2 semaphore(%arg13 : memref<!tpu.dma_semaphore, #tpu.memory_space<semaphore_mem>>) src(%arg8 : memref<400x64xf32, #tpu.memory_space<vmem>>) dst(%dma_wait3A_992 : memref<400x64xf32, #tpu.memory_space<hbm>>)
    %dma_wait3A_993 = arith.constant 0 : i32
    %dma_wait3A_994 = tpu.memref_slice %arg7[%mul3A_387, %dma_wait3A_993] : memref<1000000x64xf32, #tpu.memory_space<hbm>> -> memref<400x64xf32, #tpu.memory_space<hbm>>
    %dma_wait3A_995 = arith.constant 0 : i32
    %dma_wait3A_996 = tpu.memref_slice %arg7[%mul3A_387, %dma_wait3A_995] : memref<1000000x64xf32, #tpu.memory_space<hbm>> -> memref<400x64xf32, #tpu.memory_space<hbm>>
    tpu.wait_dma2 semaphore(%arg13 : memref<!tpu.dma_semaphore, #tpu.memory_space<semaphore_mem>>) src(%arg8 : memref<400x64xf32, #tpu.memory_space<vmem>>) dst(%dma_wait3A_996 : memref<400x64xf32, #tpu.memory_space<hbm>>)
    %dma_wait3A_997 = arith.constant 0 : i32
    %dma_wait3A_998 = tpu.memref_slice %arg7[%mul3A_395, %dma_wait3A_997] : memref<1000000x64xf32, #tpu.memory_space<hbm>> -> memref<400x64xf32, #tpu.memory_space<hbm>>
    %dma_wait3A_999 = arith.constant 0 : i32
    %dma_wait3A_1000 = tpu.memref_slice %arg7[%mul3A_395, %dma_wait3A_999] : memref<1000000x64xf32, #tpu.memory_space<hbm>> -> memref<400x64xf32, #tpu.memory_space<hbm>>
    tpu.wait_dma2 semaphore(%arg13 : memref<!tpu.dma_semaphore, #tpu.memory_space<semaphore_mem>>) src(%arg8 : memref<400x64xf32, #tpu.memory_space<vmem>>) dst(%dma_wait3A_1000 : memref<400x64xf32, #tpu.memory_space<hbm>>)
    %dma_wait3A_1001 = arith.constant 0 : i32
    %dma_wait3A_1002 = tpu.memref_slice %arg7[%mul3A_403, %dma_wait3A_1001] : memref<1000000x64xf32, #tpu.memory_space<hbm>> -> memref<400x64xf32, #tpu.memory_space<hbm>>
    %dma_wait3A_1003 = arith.constant 0 : i32
    %dma_wait3A_1004 = tpu.memref_slice %arg7[%mul3A_403, %dma_wait3A_1003] : memref<1000000x64xf32, #tpu.memory_space<hbm>> -> memref<400x64xf32, #tpu.memory_space<hbm>>
    tpu.wait_dma2 semaphore(%arg13 : memref<!tpu.dma_semaphore, #tpu.memory_space<semaphore_mem>>) src(%arg8 : memref<400x64xf32, #tpu.memory_space<vmem>>) dst(%dma_wait3A_1004 : memref<400x64xf32, #tpu.memory_space<hbm>>)
    %dma_wait3A_1005 = arith.constant 0 : i32
    %dma_wait3A_1006 = tpu.memref_slice %arg7[%mul3A_411, %dma_wait3A_1005] : memref<1000000x64xf32, #tpu.memory_space<hbm>> -> memref<400x64xf32, #tpu.memory_space<hbm>>
    %dma_wait3A_1007 = arith.constant 0 : i32
    %dma_wait3A_1008 = tpu.memref_slice %arg7[%mul3A_411, %dma_wait3A_1007] : memref<1000000x64xf32, #tpu.memory_space<hbm>> -> memref<400x64xf32, #tpu.memory_space<hbm>>
    tpu.wait_dma2 semaphore(%arg13 : memref<!tpu.dma_semaphore, #tpu.memory_space<semaphore_mem>>) src(%arg8 : memref<400x64xf32, #tpu.memory_space<vmem>>) dst(%dma_wait3A_1008 : memref<400x64xf32, #tpu.memory_space<hbm>>)
    %dma_wait3A_1009 = arith.constant 0 : i32
    %dma_wait3A_1010 = tpu.memref_slice %arg7[%mul3A_419, %dma_wait3A_1009] : memref<1000000x64xf32, #tpu.memory_space<hbm>> -> memref<400x64xf32, #tpu.memory_space<hbm>>
    %dma_wait3A_1011 = arith.constant 0 : i32
    %dma_wait3A_1012 = tpu.memref_slice %arg7[%mul3A_419, %dma_wait3A_1011] : memref<1000000x64xf32, #tpu.memory_space<hbm>> -> memref<400x64xf32, #tpu.memory_space<hbm>>
    tpu.wait_dma2 semaphore(%arg13 : memref<!tpu.dma_semaphore, #tpu.memory_space<semaphore_mem>>) src(%arg8 : memref<400x64xf32, #tpu.memory_space<vmem>>) dst(%dma_wait3A_1012 : memref<400x64xf32, #tpu.memory_space<hbm>>)
    %dma_wait3A_1013 = arith.constant 0 : i32
    %dma_wait3A_1014 = tpu.memref_slice %arg7[%mul3A_427, %dma_wait3A_1013] : memref<1000000x64xf32, #tpu.memory_space<hbm>> -> memref<400x64xf32, #tpu.memory_space<hbm>>
    %dma_wait3A_1015 = arith.constant 0 : i32
    %dma_wait3A_1016 = tpu.memref_slice %arg7[%mul3A_427, %dma_wait3A_1015] : memref<1000000x64xf32, #tpu.memory_space<hbm>> -> memref<400x64xf32, #tpu.memory_space<hbm>>
    tpu.wait_dma2 semaphore(%arg13 : memref<!tpu.dma_semaphore, #tpu.memory_space<semaphore_mem>>) src(%arg8 : memref<400x64xf32, #tpu.memory_space<vmem>>) dst(%dma_wait3A_1016 : memref<400x64xf32, #tpu.memory_space<hbm>>)
    %dma_wait3A_1017 = arith.constant 0 : i32
    %dma_wait3A_1018 = tpu.memref_slice %arg7[%mul3A_435, %dma_wait3A_1017] : memref<1000000x64xf32, #tpu.memory_space<hbm>> -> memref<400x64xf32, #tpu.memory_space<hbm>>
    %dma_wait3A_1019 = arith.constant 0 : i32
    %dma_wait3A_1020 = tpu.memref_slice %arg7[%mul3A_435, %dma_wait3A_1019] : memref<1000000x64xf32, #tpu.memory_space<hbm>> -> memref<400x64xf32, #tpu.memory_space<hbm>>
    tpu.wait_dma2 semaphore(%arg13 : memref<!tpu.dma_semaphore, #tpu.memory_space<semaphore_mem>>) src(%arg8 : memref<400x64xf32, #tpu.memory_space<vmem>>) dst(%dma_wait3A_1020 : memref<400x64xf32, #tpu.memory_space<hbm>>)
    %dma_wait3A_1021 = arith.constant 0 : i32
    %dma_wait3A_1022 = tpu.memref_slice %arg7[%mul3A_443, %dma_wait3A_1021] : memref<1000000x64xf32, #tpu.memory_space<hbm>> -> memref<400x64xf32, #tpu.memory_space<hbm>>
    %dma_wait3A_1023 = arith.constant 0 : i32
    %dma_wait3A_1024 = tpu.memref_slice %arg7[%mul3A_443, %dma_wait3A_1023] : memref<1000000x64xf32, #tpu.memory_space<hbm>> -> memref<400x64xf32, #tpu.memory_space<hbm>>
    tpu.wait_dma2 semaphore(%arg13 : memref<!tpu.dma_semaphore, #tpu.memory_space<semaphore_mem>>) src(%arg8 : memref<400x64xf32, #tpu.memory_space<vmem>>) dst(%dma_wait3A_1024 : memref<400x64xf32, #tpu.memory_space<hbm>>)
    %dma_wait3A_1025 = arith.constant 0 : i32
    %dma_wait3A_1026 = tpu.memref_slice %arg7[%mul3A_451, %dma_wait3A_1025] : memref<1000000x64xf32, #tpu.memory_space<hbm>> -> memref<400x64xf32, #tpu.memory_space<hbm>>
    %dma_wait3A_1027 = arith.constant 0 : i32
    %dma_wait3A_1028 = tpu.memref_slice %arg7[%mul3A_451, %dma_wait3A_1027] : memref<1000000x64xf32, #tpu.memory_space<hbm>> -> memref<400x64xf32, #tpu.memory_space<hbm>>
    tpu.wait_dma2 semaphore(%arg13 : memref<!tpu.dma_semaphore, #tpu.memory_space<semaphore_mem>>) src(%arg8 : memref<400x64xf32, #tpu.memory_space<vmem>>) dst(%dma_wait3A_1028 : memref<400x64xf32, #tpu.memory_space<hbm>>)
    %dma_wait3A_1029 = arith.constant 0 : i32
    %dma_wait3A_1030 = tpu.memref_slice %arg7[%mul3A_459, %dma_wait3A_1029] : memref<1000000x64xf32, #tpu.memory_space<hbm>> -> memref<400x64xf32, #tpu.memory_space<hbm>>
    %dma_wait3A_1031 = arith.constant 0 : i32
    %dma_wait3A_1032 = tpu.memref_slice %arg7[%mul3A_459, %dma_wait3A_1031] : memref<1000000x64xf32, #tpu.memory_space<hbm>> -> memref<400x64xf32, #tpu.memory_space<hbm>>
    tpu.wait_dma2 semaphore(%arg13 : memref<!tpu.dma_semaphore, #tpu.memory_space<semaphore_mem>>) src(%arg8 : memref<400x64xf32, #tpu.memory_space<vmem>>) dst(%dma_wait3A_1032 : memref<400x64xf32, #tpu.memory_space<hbm>>)
    %dma_wait3A_1033 = arith.constant 0 : i32
    %dma_wait3A_1034 = tpu.memref_slice %arg7[%mul3A_467, %dma_wait3A_1033] : memref<1000000x64xf32, #tpu.memory_space<hbm>> -> memref<400x64xf32, #tpu.memory_space<hbm>>
    %dma_wait3A_1035 = arith.constant 0 : i32
    %dma_wait3A_1036 = tpu.memref_slice %arg7[%mul3A_467, %dma_wait3A_1035] : memref<1000000x64xf32, #tpu.memory_space<hbm>> -> memref<400x64xf32, #tpu.memory_space<hbm>>
    tpu.wait_dma2 semaphore(%arg13 : memref<!tpu.dma_semaphore, #tpu.memory_space<semaphore_mem>>) src(%arg8 : memref<400x64xf32, #tpu.memory_space<vmem>>) dst(%dma_wait3A_1036 : memref<400x64xf32, #tpu.memory_space<hbm>>)
    %dma_wait3A_1037 = arith.constant 0 : i32
    %dma_wait3A_1038 = tpu.memref_slice %arg7[%mul3A_475, %dma_wait3A_1037] : memref<1000000x64xf32, #tpu.memory_space<hbm>> -> memref<400x64xf32, #tpu.memory_space<hbm>>
    %dma_wait3A_1039 = arith.constant 0 : i32
    %dma_wait3A_1040 = tpu.memref_slice %arg7[%mul3A_475, %dma_wait3A_1039] : memref<1000000x64xf32, #tpu.memory_space<hbm>> -> memref<400x64xf32, #tpu.memory_space<hbm>>
    tpu.wait_dma2 semaphore(%arg13 : memref<!tpu.dma_semaphore, #tpu.memory_space<semaphore_mem>>) src(%arg8 : memref<400x64xf32, #tpu.memory_space<vmem>>) dst(%dma_wait3A_1040 : memref<400x64xf32, #tpu.memory_space<hbm>>)
    %dma_wait3A_1041 = arith.constant 0 : i32
    %dma_wait3A_1042 = tpu.memref_slice %arg7[%mul3A_483, %dma_wait3A_1041] : memref<1000000x64xf32, #tpu.memory_space<hbm>> -> memref<400x64xf32, #tpu.memory_space<hbm>>
    %dma_wait3A_1043 = arith.constant 0 : i32
    %dma_wait3A_1044 = tpu.memref_slice %arg7[%mul3A_483, %dma_wait3A_1043] : memref<1000000x64xf32, #tpu.memory_space<hbm>> -> memref<400x64xf32, #tpu.memory_space<hbm>>
    tpu.wait_dma2 semaphore(%arg13 : memref<!tpu.dma_semaphore, #tpu.memory_space<semaphore_mem>>) src(%arg8 : memref<400x64xf32, #tpu.memory_space<vmem>>) dst(%dma_wait3A_1044 : memref<400x64xf32, #tpu.memory_space<hbm>>)
    %dma_wait3A_1045 = arith.constant 0 : i32
    %dma_wait3A_1046 = tpu.memref_slice %arg7[%mul3A_491, %dma_wait3A_1045] : memref<1000000x64xf32, #tpu.memory_space<hbm>> -> memref<400x64xf32, #tpu.memory_space<hbm>>
    %dma_wait3A_1047 = arith.constant 0 : i32
    %dma_wait3A_1048 = tpu.memref_slice %arg7[%mul3A_491, %dma_wait3A_1047] : memref<1000000x64xf32, #tpu.memory_space<hbm>> -> memref<400x64xf32, #tpu.memory_space<hbm>>
    tpu.wait_dma2 semaphore(%arg13 : memref<!tpu.dma_semaphore, #tpu.memory_space<semaphore_mem>>) src(%arg8 : memref<400x64xf32, #tpu.memory_space<vmem>>) dst(%dma_wait3A_1048 : memref<400x64xf32, #tpu.memory_space<hbm>>)
    %dma_wait3A_1049 = arith.constant 0 : i32
    %dma_wait3A_1050 = tpu.memref_slice %arg7[%mul3A_499, %dma_wait3A_1049] : memref<1000000x64xf32, #tpu.memory_space<hbm>> -> memref<400x64xf32, #tpu.memory_space<hbm>>
    %dma_wait3A_1051 = arith.constant 0 : i32
    %dma_wait3A_1052 = tpu.memref_slice %arg7[%mul3A_499, %dma_wait3A_1051] : memref<1000000x64xf32, #tpu.memory_space<hbm>> -> memref<400x64xf32, #tpu.memory_space<hbm>>
    tpu.wait_dma2 semaphore(%arg13 : memref<!tpu.dma_semaphore, #tpu.memory_space<semaphore_mem>>) src(%arg8 : memref<400x64xf32, #tpu.memory_space<vmem>>) dst(%dma_wait3A_1052 : memref<400x64xf32, #tpu.memory_space<hbm>>)
    %dma_wait3A_1053 = arith.constant 0 : i32
    %dma_wait3A_1054 = tpu.memref_slice %arg7[%mul3A_507, %dma_wait3A_1053] : memref<1000000x64xf32, #tpu.memory_space<hbm>> -> memref<400x64xf32, #tpu.memory_space<hbm>>
    %dma_wait3A_1055 = arith.constant 0 : i32
    %dma_wait3A_1056 = tpu.memref_slice %arg7[%mul3A_507, %dma_wait3A_1055] : memref<1000000x64xf32, #tpu.memory_space<hbm>> -> memref<400x64xf32, #tpu.memory_space<hbm>>
    tpu.wait_dma2 semaphore(%arg13 : memref<!tpu.dma_semaphore, #tpu.memory_space<semaphore_mem>>) src(%arg8 : memref<400x64xf32, #tpu.memory_space<vmem>>) dst(%dma_wait3A_1056 : memref<400x64xf32, #tpu.memory_space<hbm>>)
    %dma_wait3A_1057 = arith.constant 0 : i32
    %dma_wait3A_1058 = tpu.memref_slice %arg7[%mul3A_515, %dma_wait3A_1057] : memref<1000000x64xf32, #tpu.memory_space<hbm>> -> memref<400x64xf32, #tpu.memory_space<hbm>>
    %dma_wait3A_1059 = arith.constant 0 : i32
    %dma_wait3A_1060 = tpu.memref_slice %arg7[%mul3A_515, %dma_wait3A_1059] : memref<1000000x64xf32, #tpu.memory_space<hbm>> -> memref<400x64xf32, #tpu.memory_space<hbm>>
    tpu.wait_dma2 semaphore(%arg13 : memref<!tpu.dma_semaphore, #tpu.memory_space<semaphore_mem>>) src(%arg8 : memref<400x64xf32, #tpu.memory_space<vmem>>) dst(%dma_wait3A_1060 : memref<400x64xf32, #tpu.memory_space<hbm>>)
    %dma_wait3A_1061 = arith.constant 0 : i32
    %dma_wait3A_1062 = tpu.memref_slice %arg7[%mul3A_523, %dma_wait3A_1061] : memref<1000000x64xf32, #tpu.memory_space<hbm>> -> memref<400x64xf32, #tpu.memory_space<hbm>>
    %dma_wait3A_1063 = arith.constant 0 : i32
    %dma_wait3A_1064 = tpu.memref_slice %arg7[%mul3A_523, %dma_wait3A_1063] : memref<1000000x64xf32, #tpu.memory_space<hbm>> -> memref<400x64xf32, #tpu.memory_space<hbm>>
    tpu.wait_dma2 semaphore(%arg13 : memref<!tpu.dma_semaphore, #tpu.memory_space<semaphore_mem>>) src(%arg8 : memref<400x64xf32, #tpu.memory_space<vmem>>) dst(%dma_wait3A_1064 : memref<400x64xf32, #tpu.memory_space<hbm>>)
    %dma_wait3A_1065 = arith.constant 0 : i32
    %dma_wait3A_1066 = tpu.memref_slice %arg7[%mul3A_531, %dma_wait3A_1065] : memref<1000000x64xf32, #tpu.memory_space<hbm>> -> memref<400x64xf32, #tpu.memory_space<hbm>>
    %dma_wait3A_1067 = arith.constant 0 : i32
    %dma_wait3A_1068 = tpu.memref_slice %arg7[%mul3A_531, %dma_wait3A_1067] : memref<1000000x64xf32, #tpu.memory_space<hbm>> -> memref<400x64xf32, #tpu.memory_space<hbm>>
    tpu.wait_dma2 semaphore(%arg13 : memref<!tpu.dma_semaphore, #tpu.memory_space<semaphore_mem>>) src(%arg8 : memref<400x64xf32, #tpu.memory_space<vmem>>) dst(%dma_wait3A_1068 : memref<400x64xf32, #tpu.memory_space<hbm>>)
    %dma_wait3A_1069 = arith.constant 0 : i32
    %dma_wait3A_1070 = tpu.memref_slice %arg7[%mul3A_539, %dma_wait3A_1069] : memref<1000000x64xf32, #tpu.memory_space<hbm>> -> memref<400x64xf32, #tpu.memory_space<hbm>>
    %dma_wait3A_1071 = arith.constant 0 : i32
    %dma_wait3A_1072 = tpu.memref_slice %arg7[%mul3A_539, %dma_wait3A_1071] : memref<1000000x64xf32, #tpu.memory_space<hbm>> -> memref<400x64xf32, #tpu.memory_space<hbm>>
    tpu.wait_dma2 semaphore(%arg13 : memref<!tpu.dma_semaphore, #tpu.memory_space<semaphore_mem>>) src(%arg8 : memref<400x64xf32, #tpu.memory_space<vmem>>) dst(%dma_wait3A_1072 : memref<400x64xf32, #tpu.memory_space<hbm>>)
    %dma_wait3A_1073 = arith.constant 0 : i32
    %dma_wait3A_1074 = tpu.memref_slice %arg7[%mul3A_547, %dma_wait3A_1073] : memref<1000000x64xf32, #tpu.memory_space<hbm>> -> memref<400x64xf32, #tpu.memory_space<hbm>>
    %dma_wait3A_1075 = arith.constant 0 : i32
    %dma_wait3A_1076 = tpu.memref_slice %arg7[%mul3A_547, %dma_wait3A_1075] : memref<1000000x64xf32, #tpu.memory_space<hbm>> -> memref<400x64xf32, #tpu.memory_space<hbm>>
    tpu.wait_dma2 semaphore(%arg13 : memref<!tpu.dma_semaphore, #tpu.memory_space<semaphore_mem>>) src(%arg8 : memref<400x64xf32, #tpu.memory_space<vmem>>) dst(%dma_wait3A_1076 : memref<400x64xf32, #tpu.memory_space<hbm>>)
    %dma_wait3A_1077 = arith.constant 0 : i32
    %dma_wait3A_1078 = tpu.memref_slice %arg7[%mul3A_555, %dma_wait3A_1077] : memref<1000000x64xf32, #tpu.memory_space<hbm>> -> memref<400x64xf32, #tpu.memory_space<hbm>>
    %dma_wait3A_1079 = arith.constant 0 : i32
    %dma_wait3A_1080 = tpu.memref_slice %arg7[%mul3A_555, %dma_wait3A_1079] : memref<1000000x64xf32, #tpu.memory_space<hbm>> -> memref<400x64xf32, #tpu.memory_space<hbm>>
    tpu.wait_dma2 semaphore(%arg13 : memref<!tpu.dma_semaphore, #tpu.memory_space<semaphore_mem>>) src(%arg8 : memref<400x64xf32, #tpu.memory_space<vmem>>) dst(%dma_wait3A_1080 : memref<400x64xf32, #tpu.memory_space<hbm>>)
    %dma_wait3A_1081 = arith.constant 0 : i32
    %dma_wait3A_1082 = tpu.memref_slice %arg7[%mul3A_563, %dma_wait3A_1081] : memref<1000000x64xf32, #tpu.memory_space<hbm>> -> memref<400x64xf32, #tpu.memory_space<hbm>>
    %dma_wait3A_1083 = arith.constant 0 : i32
    %dma_wait3A_1084 = tpu.memref_slice %arg7[%mul3A_563, %dma_wait3A_1083] : memref<1000000x64xf32, #tpu.memory_space<hbm>> -> memref<400x64xf32, #tpu.memory_space<hbm>>
    tpu.wait_dma2 semaphore(%arg13 : memref<!tpu.dma_semaphore, #tpu.memory_space<semaphore_mem>>) src(%arg8 : memref<400x64xf32, #tpu.memory_space<vmem>>) dst(%dma_wait3A_1084 : memref<400x64xf32, #tpu.memory_space<hbm>>)
    %dma_wait3A_1085 = arith.constant 0 : i32
    %dma_wait3A_1086 = tpu.memref_slice %arg7[%mul3A_571, %dma_wait3A_1085] : memref<1000000x64xf32, #tpu.memory_space<hbm>> -> memref<400x64xf32, #tpu.memory_space<hbm>>
    %dma_wait3A_1087 = arith.constant 0 : i32
    %dma_wait3A_1088 = tpu.memref_slice %arg7[%mul3A_571, %dma_wait3A_1087] : memref<1000000x64xf32, #tpu.memory_space<hbm>> -> memref<400x64xf32, #tpu.memory_space<hbm>>
    tpu.wait_dma2 semaphore(%arg13 : memref<!tpu.dma_semaphore, #tpu.memory_space<semaphore_mem>>) src(%arg8 : memref<400x64xf32, #tpu.memory_space<vmem>>) dst(%dma_wait3A_1088 : memref<400x64xf32, #tpu.memory_space<hbm>>)
    %dma_wait3A_1089 = arith.constant 0 : i32
    %dma_wait3A_1090 = tpu.memref_slice %arg7[%mul3A_579, %dma_wait3A_1089] : memref<1000000x64xf32, #tpu.memory_space<hbm>> -> memref<400x64xf32, #tpu.memory_space<hbm>>
    %dma_wait3A_1091 = arith.constant 0 : i32
    %dma_wait3A_1092 = tpu.memref_slice %arg7[%mul3A_579, %dma_wait3A_1091] : memref<1000000x64xf32, #tpu.memory_space<hbm>> -> memref<400x64xf32, #tpu.memory_space<hbm>>
    tpu.wait_dma2 semaphore(%arg13 : memref<!tpu.dma_semaphore, #tpu.memory_space<semaphore_mem>>) src(%arg8 : memref<400x64xf32, #tpu.memory_space<vmem>>) dst(%dma_wait3A_1092 : memref<400x64xf32, #tpu.memory_space<hbm>>)
    %dma_wait3A_1093 = arith.constant 0 : i32
    %dma_wait3A_1094 = tpu.memref_slice %arg7[%mul3A_587, %dma_wait3A_1093] : memref<1000000x64xf32, #tpu.memory_space<hbm>> -> memref<400x64xf32, #tpu.memory_space<hbm>>
    %dma_wait3A_1095 = arith.constant 0 : i32
    %dma_wait3A_1096 = tpu.memref_slice %arg7[%mul3A_587, %dma_wait3A_1095] : memref<1000000x64xf32, #tpu.memory_space<hbm>> -> memref<400x64xf32, #tpu.memory_space<hbm>>
    tpu.wait_dma2 semaphore(%arg13 : memref<!tpu.dma_semaphore, #tpu.memory_space<semaphore_mem>>) src(%arg8 : memref<400x64xf32, #tpu.memory_space<vmem>>) dst(%dma_wait3A_1096 : memref<400x64xf32, #tpu.memory_space<hbm>>)
    %dma_wait3A_1097 = arith.constant 0 : i32
    %dma_wait3A_1098 = tpu.memref_slice %arg7[%mul3A_595, %dma_wait3A_1097] : memref<1000000x64xf32, #tpu.memory_space<hbm>> -> memref<400x64xf32, #tpu.memory_space<hbm>>
    %dma_wait3A_1099 = arith.constant 0 : i32
    %dma_wait3A_1100 = tpu.memref_slice %arg7[%mul3A_595, %dma_wait3A_1099] : memref<1000000x64xf32, #tpu.memory_space<hbm>> -> memref<400x64xf32, #tpu.memory_space<hbm>>
    tpu.wait_dma2 semaphore(%arg13 : memref<!tpu.dma_semaphore, #tpu.memory_space<semaphore_mem>>) src(%arg8 : memref<400x64xf32, #tpu.memory_space<vmem>>) dst(%dma_wait3A_1100 : memref<400x64xf32, #tpu.memory_space<hbm>>)
    %dma_wait3A_1101 = arith.constant 0 : i32
    %dma_wait3A_1102 = tpu.memref_slice %arg7[%mul3A_603, %dma_wait3A_1101] : memref<1000000x64xf32, #tpu.memory_space<hbm>> -> memref<400x64xf32, #tpu.memory_space<hbm>>
    %dma_wait3A_1103 = arith.constant 0 : i32
    %dma_wait3A_1104 = tpu.memref_slice %arg7[%mul3A_603, %dma_wait3A_1103] : memref<1000000x64xf32, #tpu.memory_space<hbm>> -> memref<400x64xf32, #tpu.memory_space<hbm>>
    tpu.wait_dma2 semaphore(%arg13 : memref<!tpu.dma_semaphore, #tpu.memory_space<semaphore_mem>>) src(%arg8 : memref<400x64xf32, #tpu.memory_space<vmem>>) dst(%dma_wait3A_1104 : memref<400x64xf32, #tpu.memory_space<hbm>>)
    %dma_wait3A_1105 = arith.constant 0 : i32
    %dma_wait3A_1106 = tpu.memref_slice %arg7[%mul3A_611, %dma_wait3A_1105] : memref<1000000x64xf32, #tpu.memory_space<hbm>> -> memref<400x64xf32, #tpu.memory_space<hbm>>
    %dma_wait3A_1107 = arith.constant 0 : i32
    %dma_wait3A_1108 = tpu.memref_slice %arg7[%mul3A_611, %dma_wait3A_1107] : memref<1000000x64xf32, #tpu.memory_space<hbm>> -> memref<400x64xf32, #tpu.memory_space<hbm>>
    tpu.wait_dma2 semaphore(%arg13 : memref<!tpu.dma_semaphore, #tpu.memory_space<semaphore_mem>>) src(%arg8 : memref<400x64xf32, #tpu.memory_space<vmem>>) dst(%dma_wait3A_1108 : memref<400x64xf32, #tpu.memory_space<hbm>>)
    %dma_wait3A_1109 = arith.constant 0 : i32
    %dma_wait3A_1110 = tpu.memref_slice %arg7[%mul3A_619, %dma_wait3A_1109] : memref<1000000x64xf32, #tpu.memory_space<hbm>> -> memref<400x64xf32, #tpu.memory_space<hbm>>
    %dma_wait3A_1111 = arith.constant 0 : i32
    %dma_wait3A_1112 = tpu.memref_slice %arg7[%mul3A_619, %dma_wait3A_1111] : memref<1000000x64xf32, #tpu.memory_space<hbm>> -> memref<400x64xf32, #tpu.memory_space<hbm>>
    tpu.wait_dma2 semaphore(%arg13 : memref<!tpu.dma_semaphore, #tpu.memory_space<semaphore_mem>>) src(%arg8 : memref<400x64xf32, #tpu.memory_space<vmem>>) dst(%dma_wait3A_1112 : memref<400x64xf32, #tpu.memory_space<hbm>>)
    %dma_wait3A_1113 = arith.constant 0 : i32
    %dma_wait3A_1114 = tpu.memref_slice %arg7[%mul3A_627, %dma_wait3A_1113] : memref<1000000x64xf32, #tpu.memory_space<hbm>> -> memref<400x64xf32, #tpu.memory_space<hbm>>
    %dma_wait3A_1115 = arith.constant 0 : i32
    %dma_wait3A_1116 = tpu.memref_slice %arg7[%mul3A_627, %dma_wait3A_1115] : memref<1000000x64xf32, #tpu.memory_space<hbm>> -> memref<400x64xf32, #tpu.memory_space<hbm>>
    tpu.wait_dma2 semaphore(%arg13 : memref<!tpu.dma_semaphore, #tpu.memory_space<semaphore_mem>>) src(%arg8 : memref<400x64xf32, #tpu.memory_space<vmem>>) dst(%dma_wait3A_1116 : memref<400x64xf32, #tpu.memory_space<hbm>>)
    %dma_wait3A_1117 = arith.constant 0 : i32
    %dma_wait3A_1118 = tpu.memref_slice %arg7[%mul3A_635, %dma_wait3A_1117] : memref<1000000x64xf32, #tpu.memory_space<hbm>> -> memref<400x64xf32, #tpu.memory_space<hbm>>
    %dma_wait3A_1119 = arith.constant 0 : i32
    %dma_wait3A_1120 = tpu.memref_slice %arg7[%mul3A_635, %dma_wait3A_1119] : memref<1000000x64xf32, #tpu.memory_space<hbm>> -> memref<400x64xf32, #tpu.memory_space<hbm>>
    tpu.wait_dma2 semaphore(%arg13 : memref<!tpu.dma_semaphore, #tpu.memory_space<semaphore_mem>>) src(%arg8 : memref<400x64xf32, #tpu.memory_space<vmem>>) dst(%dma_wait3A_1120 : memref<400x64xf32, #tpu.memory_space<hbm>>)
    %dma_wait3A_1121 = arith.constant 0 : i32
    %dma_wait3A_1122 = tpu.memref_slice %arg7[%mul3A_643, %dma_wait3A_1121] : memref<1000000x64xf32, #tpu.memory_space<hbm>> -> memref<400x64xf32, #tpu.memory_space<hbm>>
    %dma_wait3A_1123 = arith.constant 0 : i32
    %dma_wait3A_1124 = tpu.memref_slice %arg7[%mul3A_643, %dma_wait3A_1123] : memref<1000000x64xf32, #tpu.memory_space<hbm>> -> memref<400x64xf32, #tpu.memory_space<hbm>>
    tpu.wait_dma2 semaphore(%arg13 : memref<!tpu.dma_semaphore, #tpu.memory_space<semaphore_mem>>) src(%arg8 : memref<400x64xf32, #tpu.memory_space<vmem>>) dst(%dma_wait3A_1124 : memref<400x64xf32, #tpu.memory_space<hbm>>)
    %dma_wait3A_1125 = arith.constant 0 : i32
    %dma_wait3A_1126 = tpu.memref_slice %arg7[%mul3A_651, %dma_wait3A_1125] : memref<1000000x64xf32, #tpu.memory_space<hbm>> -> memref<400x64xf32, #tpu.memory_space<hbm>>
    %dma_wait3A_1127 = arith.constant 0 : i32
    %dma_wait3A_1128 = tpu.memref_slice %arg7[%mul3A_651, %dma_wait3A_1127] : memref<1000000x64xf32, #tpu.memory_space<hbm>> -> memref<400x64xf32, #tpu.memory_space<hbm>>
    tpu.wait_dma2 semaphore(%arg13 : memref<!tpu.dma_semaphore, #tpu.memory_space<semaphore_mem>>) src(%arg8 : memref<400x64xf32, #tpu.memory_space<vmem>>) dst(%dma_wait3A_1128 : memref<400x64xf32, #tpu.memory_space<hbm>>)
    %dma_wait3A_1129 = arith.constant 0 : i32
    %dma_wait3A_1130 = tpu.memref_slice %arg7[%mul3A_659, %dma_wait3A_1129] : memref<1000000x64xf32, #tpu.memory_space<hbm>> -> memref<400x64xf32, #tpu.memory_space<hbm>>
    %dma_wait3A_1131 = arith.constant 0 : i32
    %dma_wait3A_1132 = tpu.memref_slice %arg7[%mul3A_659, %dma_wait3A_1131] : memref<1000000x64xf32, #tpu.memory_space<hbm>> -> memref<400x64xf32, #tpu.memory_space<hbm>>
    tpu.wait_dma2 semaphore(%arg13 : memref<!tpu.dma_semaphore, #tpu.memory_space<semaphore_mem>>) src(%arg8 : memref<400x64xf32, #tpu.memory_space<vmem>>) dst(%dma_wait3A_1132 : memref<400x64xf32, #tpu.memory_space<hbm>>)
    %dma_wait3A_1133 = arith.constant 0 : i32
    %dma_wait3A_1134 = tpu.memref_slice %arg7[%mul3A_667, %dma_wait3A_1133] : memref<1000000x64xf32, #tpu.memory_space<hbm>> -> memref<400x64xf32, #tpu.memory_space<hbm>>
    %dma_wait3A_1135 = arith.constant 0 : i32
    %dma_wait3A_1136 = tpu.memref_slice %arg7[%mul3A_667, %dma_wait3A_1135] : memref<1000000x64xf32, #tpu.memory_space<hbm>> -> memref<400x64xf32, #tpu.memory_space<hbm>>
    tpu.wait_dma2 semaphore(%arg13 : memref<!tpu.dma_semaphore, #tpu.memory_space<semaphore_mem>>) src(%arg8 : memref<400x64xf32, #tpu.memory_space<vmem>>) dst(%dma_wait3A_1136 : memref<400x64xf32, #tpu.memory_space<hbm>>)
    %dma_wait3A_1137 = arith.constant 0 : i32
    %dma_wait3A_1138 = tpu.memref_slice %arg7[%mul3A_675, %dma_wait3A_1137] : memref<1000000x64xf32, #tpu.memory_space<hbm>> -> memref<400x64xf32, #tpu.memory_space<hbm>>
    %dma_wait3A_1139 = arith.constant 0 : i32
    %dma_wait3A_1140 = tpu.memref_slice %arg7[%mul3A_675, %dma_wait3A_1139] : memref<1000000x64xf32, #tpu.memory_space<hbm>> -> memref<400x64xf32, #tpu.memory_space<hbm>>
    tpu.wait_dma2 semaphore(%arg13 : memref<!tpu.dma_semaphore, #tpu.memory_space<semaphore_mem>>) src(%arg8 : memref<400x64xf32, #tpu.memory_space<vmem>>) dst(%dma_wait3A_1140 : memref<400x64xf32, #tpu.memory_space<hbm>>)
    %dma_wait3A_1141 = arith.constant 0 : i32
    %dma_wait3A_1142 = tpu.memref_slice %arg7[%mul3A_683, %dma_wait3A_1141] : memref<1000000x64xf32, #tpu.memory_space<hbm>> -> memref<400x64xf32, #tpu.memory_space<hbm>>
    %dma_wait3A_1143 = arith.constant 0 : i32
    %dma_wait3A_1144 = tpu.memref_slice %arg7[%mul3A_683, %dma_wait3A_1143] : memref<1000000x64xf32, #tpu.memory_space<hbm>> -> memref<400x64xf32, #tpu.memory_space<hbm>>
    tpu.wait_dma2 semaphore(%arg13 : memref<!tpu.dma_semaphore, #tpu.memory_space<semaphore_mem>>) src(%arg8 : memref<400x64xf32, #tpu.memory_space<vmem>>) dst(%dma_wait3A_1144 : memref<400x64xf32, #tpu.memory_space<hbm>>)
    %dma_wait3A_1145 = arith.constant 0 : i32
    %dma_wait3A_1146 = tpu.memref_slice %arg7[%mul3A_691, %dma_wait3A_1145] : memref<1000000x64xf32, #tpu.memory_space<hbm>> -> memref<400x64xf32, #tpu.memory_space<hbm>>
    %dma_wait3A_1147 = arith.constant 0 : i32
    %dma_wait3A_1148 = tpu.memref_slice %arg7[%mul3A_691, %dma_wait3A_1147] : memref<1000000x64xf32, #tpu.memory_space<hbm>> -> memref<400x64xf32, #tpu.memory_space<hbm>>
    tpu.wait_dma2 semaphore(%arg13 : memref<!tpu.dma_semaphore, #tpu.memory_space<semaphore_mem>>) src(%arg8 : memref<400x64xf32, #tpu.memory_space<vmem>>) dst(%dma_wait3A_1148 : memref<400x64xf32, #tpu.memory_space<hbm>>)
    %dma_wait3A_1149 = arith.constant 0 : i32
    %dma_wait3A_1150 = tpu.memref_slice %arg7[%mul3A_699, %dma_wait3A_1149] : memref<1000000x64xf32, #tpu.memory_space<hbm>> -> memref<400x64xf32, #tpu.memory_space<hbm>>
    %dma_wait3A_1151 = arith.constant 0 : i32
    %dma_wait3A_1152 = tpu.memref_slice %arg7[%mul3A_699, %dma_wait3A_1151] : memref<1000000x64xf32, #tpu.memory_space<hbm>> -> memref<400x64xf32, #tpu.memory_space<hbm>>
    tpu.wait_dma2 semaphore(%arg13 : memref<!tpu.dma_semaphore, #tpu.memory_space<semaphore_mem>>) src(%arg8 : memref<400x64xf32, #tpu.memory_space<vmem>>) dst(%dma_wait3A_1152 : memref<400x64xf32, #tpu.memory_space<hbm>>)
    %dma_wait3A_1153 = arith.constant 0 : i32
    %dma_wait3A_1154 = tpu.memref_slice %arg7[%mul3A_707, %dma_wait3A_1153] : memref<1000000x64xf32, #tpu.memory_space<hbm>> -> memref<400x64xf32, #tpu.memory_space<hbm>>
    %dma_wait3A_1155 = arith.constant 0 : i32
    %dma_wait3A_1156 = tpu.memref_slice %arg7[%mul3A_707, %dma_wait3A_1155] : memref<1000000x64xf32, #tpu.memory_space<hbm>> -> memref<400x64xf32, #tpu.memory_space<hbm>>
    tpu.wait_dma2 semaphore(%arg13 : memref<!tpu.dma_semaphore, #tpu.memory_space<semaphore_mem>>) src(%arg8 : memref<400x64xf32, #tpu.memory_space<vmem>>) dst(%dma_wait3A_1156 : memref<400x64xf32, #tpu.memory_space<hbm>>)
    %dma_wait3A_1157 = arith.constant 0 : i32
    %dma_wait3A_1158 = tpu.memref_slice %arg7[%mul3A_715, %dma_wait3A_1157] : memref<1000000x64xf32, #tpu.memory_space<hbm>> -> memref<400x64xf32, #tpu.memory_space<hbm>>
    %dma_wait3A_1159 = arith.constant 0 : i32
    %dma_wait3A_1160 = tpu.memref_slice %arg7[%mul3A_715, %dma_wait3A_1159] : memref<1000000x64xf32, #tpu.memory_space<hbm>> -> memref<400x64xf32, #tpu.memory_space<hbm>>
    tpu.wait_dma2 semaphore(%arg13 : memref<!tpu.dma_semaphore, #tpu.memory_space<semaphore_mem>>) src(%arg8 : memref<400x64xf32, #tpu.memory_space<vmem>>) dst(%dma_wait3A_1160 : memref<400x64xf32, #tpu.memory_space<hbm>>)
    %dma_wait3A_1161 = arith.constant 0 : i32
    %dma_wait3A_1162 = tpu.memref_slice %arg7[%mul3A_723, %dma_wait3A_1161] : memref<1000000x64xf32, #tpu.memory_space<hbm>> -> memref<400x64xf32, #tpu.memory_space<hbm>>
    %dma_wait3A_1163 = arith.constant 0 : i32
    %dma_wait3A_1164 = tpu.memref_slice %arg7[%mul3A_723, %dma_wait3A_1163] : memref<1000000x64xf32, #tpu.memory_space<hbm>> -> memref<400x64xf32, #tpu.memory_space<hbm>>
    tpu.wait_dma2 semaphore(%arg13 : memref<!tpu.dma_semaphore, #tpu.memory_space<semaphore_mem>>) src(%arg8 : memref<400x64xf32, #tpu.memory_space<vmem>>) dst(%dma_wait3A_1164 : memref<400x64xf32, #tpu.memory_space<hbm>>)
    %dma_wait3A_1165 = arith.constant 0 : i32
    %dma_wait3A_1166 = tpu.memref_slice %arg7[%mul3A_731, %dma_wait3A_1165] : memref<1000000x64xf32, #tpu.memory_space<hbm>> -> memref<400x64xf32, #tpu.memory_space<hbm>>
    %dma_wait3A_1167 = arith.constant 0 : i32
    %dma_wait3A_1168 = tpu.memref_slice %arg7[%mul3A_731, %dma_wait3A_1167] : memref<1000000x64xf32, #tpu.memory_space<hbm>> -> memref<400x64xf32, #tpu.memory_space<hbm>>
    tpu.wait_dma2 semaphore(%arg13 : memref<!tpu.dma_semaphore, #tpu.memory_space<semaphore_mem>>) src(%arg8 : memref<400x64xf32, #tpu.memory_space<vmem>>) dst(%dma_wait3A_1168 : memref<400x64xf32, #tpu.memory_space<hbm>>)
    %dma_wait3A_1169 = arith.constant 0 : i32
    %dma_wait3A_1170 = tpu.memref_slice %arg7[%mul3A_739, %dma_wait3A_1169] : memref<1000000x64xf32, #tpu.memory_space<hbm>> -> memref<400x64xf32, #tpu.memory_space<hbm>>
    %dma_wait3A_1171 = arith.constant 0 : i32
    %dma_wait3A_1172 = tpu.memref_slice %arg7[%mul3A_739, %dma_wait3A_1171] : memref<1000000x64xf32, #tpu.memory_space<hbm>> -> memref<400x64xf32, #tpu.memory_space<hbm>>
    tpu.wait_dma2 semaphore(%arg13 : memref<!tpu.dma_semaphore, #tpu.memory_space<semaphore_mem>>) src(%arg8 : memref<400x64xf32, #tpu.memory_space<vmem>>) dst(%dma_wait3A_1172 : memref<400x64xf32, #tpu.memory_space<hbm>>)
    %dma_wait3A_1173 = arith.constant 0 : i32
    %dma_wait3A_1174 = tpu.memref_slice %arg7[%mul3A_747, %dma_wait3A_1173] : memref<1000000x64xf32, #tpu.memory_space<hbm>> -> memref<400x64xf32, #tpu.memory_space<hbm>>
    %dma_wait3A_1175 = arith.constant 0 : i32
    %dma_wait3A_1176 = tpu.memref_slice %arg7[%mul3A_747, %dma_wait3A_1175] : memref<1000000x64xf32, #tpu.memory_space<hbm>> -> memref<400x64xf32, #tpu.memory_space<hbm>>
    tpu.wait_dma2 semaphore(%arg13 : memref<!tpu.dma_semaphore, #tpu.memory_space<semaphore_mem>>) src(%arg8 : memref<400x64xf32, #tpu.memory_space<vmem>>) dst(%dma_wait3A_1176 : memref<400x64xf32, #tpu.memory_space<hbm>>)
    %dma_wait3A_1177 = arith.constant 0 : i32
    %dma_wait3A_1178 = tpu.memref_slice %arg7[%mul3A_755, %dma_wait3A_1177] : memref<1000000x64xf32, #tpu.memory_space<hbm>> -> memref<400x64xf32, #tpu.memory_space<hbm>>
    %dma_wait3A_1179 = arith.constant 0 : i32
    %dma_wait3A_1180 = tpu.memref_slice %arg7[%mul3A_755, %dma_wait3A_1179] : memref<1000000x64xf32, #tpu.memory_space<hbm>> -> memref<400x64xf32, #tpu.memory_space<hbm>>
    tpu.wait_dma2 semaphore(%arg13 : memref<!tpu.dma_semaphore, #tpu.memory_space<semaphore_mem>>) src(%arg8 : memref<400x64xf32, #tpu.memory_space<vmem>>) dst(%dma_wait3A_1180 : memref<400x64xf32, #tpu.memory_space<hbm>>)
    %dma_wait3A_1181 = arith.constant 0 : i32
    %dma_wait3A_1182 = tpu.memref_slice %arg7[%mul3A_763, %dma_wait3A_1181] : memref<1000000x64xf32, #tpu.memory_space<hbm>> -> memref<400x64xf32, #tpu.memory_space<hbm>>
    %dma_wait3A_1183 = arith.constant 0 : i32
    %dma_wait3A_1184 = tpu.memref_slice %arg7[%mul3A_763, %dma_wait3A_1183] : memref<1000000x64xf32, #tpu.memory_space<hbm>> -> memref<400x64xf32, #tpu.memory_space<hbm>>
    tpu.wait_dma2 semaphore(%arg13 : memref<!tpu.dma_semaphore, #tpu.memory_space<semaphore_mem>>) src(%arg8 : memref<400x64xf32, #tpu.memory_space<vmem>>) dst(%dma_wait3A_1184 : memref<400x64xf32, #tpu.memory_space<hbm>>)
    %dma_wait3A_1185 = arith.constant 0 : i32
    %dma_wait3A_1186 = tpu.memref_slice %arg7[%mul3A_771, %dma_wait3A_1185] : memref<1000000x64xf32, #tpu.memory_space<hbm>> -> memref<400x64xf32, #tpu.memory_space<hbm>>
    %dma_wait3A_1187 = arith.constant 0 : i32
    %dma_wait3A_1188 = tpu.memref_slice %arg7[%mul3A_771, %dma_wait3A_1187] : memref<1000000x64xf32, #tpu.memory_space<hbm>> -> memref<400x64xf32, #tpu.memory_space<hbm>>
    tpu.wait_dma2 semaphore(%arg13 : memref<!tpu.dma_semaphore, #tpu.memory_space<semaphore_mem>>) src(%arg8 : memref<400x64xf32, #tpu.memory_space<vmem>>) dst(%dma_wait3A_1188 : memref<400x64xf32, #tpu.memory_space<hbm>>)
    %dma_wait3A_1189 = arith.constant 0 : i32
    %dma_wait3A_1190 = tpu.memref_slice %arg7[%mul3A_779, %dma_wait3A_1189] : memref<1000000x64xf32, #tpu.memory_space<hbm>> -> memref<400x64xf32, #tpu.memory_space<hbm>>
    %dma_wait3A_1191 = arith.constant 0 : i32
    %dma_wait3A_1192 = tpu.memref_slice %arg7[%mul3A_779, %dma_wait3A_1191] : memref<1000000x64xf32, #tpu.memory_space<hbm>> -> memref<400x64xf32, #tpu.memory_space<hbm>>
    tpu.wait_dma2 semaphore(%arg13 : memref<!tpu.dma_semaphore, #tpu.memory_space<semaphore_mem>>) src(%arg8 : memref<400x64xf32, #tpu.memory_space<vmem>>) dst(%dma_wait3A_1192 : memref<400x64xf32, #tpu.memory_space<hbm>>)
    %dma_wait3A_1193 = arith.constant 0 : i32
    %dma_wait3A_1194 = tpu.memref_slice %arg7[%mul3A_787, %dma_wait3A_1193] : memref<1000000x64xf32, #tpu.memory_space<hbm>> -> memref<400x64xf32, #tpu.memory_space<hbm>>
    %dma_wait3A_1195 = arith.constant 0 : i32
    %dma_wait3A_1196 = tpu.memref_slice %arg7[%mul3A_787, %dma_wait3A_1195] : memref<1000000x64xf32, #tpu.memory_space<hbm>> -> memref<400x64xf32, #tpu.memory_space<hbm>>
    tpu.wait_dma2 semaphore(%arg13 : memref<!tpu.dma_semaphore, #tpu.memory_space<semaphore_mem>>) src(%arg8 : memref<400x64xf32, #tpu.memory_space<vmem>>) dst(%dma_wait3A_1196 : memref<400x64xf32, #tpu.memory_space<hbm>>)
    %dma_wait3A_1197 = arith.constant 0 : i32
    %dma_wait3A_1198 = tpu.memref_slice %arg7[%mul3A_795, %dma_wait3A_1197] : memref<1000000x64xf32, #tpu.memory_space<hbm>> -> memref<400x64xf32, #tpu.memory_space<hbm>>
    %dma_wait3A_1199 = arith.constant 0 : i32
    %dma_wait3A_1200 = tpu.memref_slice %arg7[%mul3A_795, %dma_wait3A_1199] : memref<1000000x64xf32, #tpu.memory_space<hbm>> -> memref<400x64xf32, #tpu.memory_space<hbm>>
    tpu.wait_dma2 semaphore(%arg13 : memref<!tpu.dma_semaphore, #tpu.memory_space<semaphore_mem>>) src(%arg8 : memref<400x64xf32, #tpu.memory_space<vmem>>) dst(%dma_wait3A_1200 : memref<400x64xf32, #tpu.memory_space<hbm>>)
    %dma_wait3A_1201 = arith.constant 0 : i32
    %dma_wait3A_1202 = tpu.memref_slice %arg7[%mul3A_803, %dma_wait3A_1201] : memref<1000000x64xf32, #tpu.memory_space<hbm>> -> memref<400x64xf32, #tpu.memory_space<hbm>>
    %dma_wait3A_1203 = arith.constant 0 : i32
    %dma_wait3A_1204 = tpu.memref_slice %arg7[%mul3A_803, %dma_wait3A_1203] : memref<1000000x64xf32, #tpu.memory_space<hbm>> -> memref<400x64xf32, #tpu.memory_space<hbm>>
    tpu.wait_dma2 semaphore(%arg13 : memref<!tpu.dma_semaphore, #tpu.memory_space<semaphore_mem>>) src(%arg8 : memref<400x64xf32, #tpu.memory_space<vmem>>) dst(%dma_wait3A_1204 : memref<400x64xf32, #tpu.memory_space<hbm>>)
    %dma_wait3A_1205 = arith.constant 0 : i32
    %dma_wait3A_1206 = tpu.memref_slice %arg7[%mul3A_811, %dma_wait3A_1205] : memref<1000000x64xf32, #tpu.memory_space<hbm>> -> memref<400x64xf32, #tpu.memory_space<hbm>>
    %dma_wait3A_1207 = arith.constant 0 : i32
    %dma_wait3A_1208 = tpu.memref_slice %arg7[%mul3A_811, %dma_wait3A_1207] : memref<1000000x64xf32, #tpu.memory_space<hbm>> -> memref<400x64xf32, #tpu.memory_space<hbm>>
    tpu.wait_dma2 semaphore(%arg13 : memref<!tpu.dma_semaphore, #tpu.memory_space<semaphore_mem>>) src(%arg8 : memref<400x64xf32, #tpu.memory_space<vmem>>) dst(%dma_wait3A_1208 : memref<400x64xf32, #tpu.memory_space<hbm>>)
    %dma_wait3A_1209 = arith.constant 0 : i32
    %dma_wait3A_1210 = tpu.memref_slice %arg7[%mul3A_819, %dma_wait3A_1209] : memref<1000000x64xf32, #tpu.memory_space<hbm>> -> memref<400x64xf32, #tpu.memory_space<hbm>>
    %dma_wait3A_1211 = arith.constant 0 : i32
    %dma_wait3A_1212 = tpu.memref_slice %arg7[%mul3A_819, %dma_wait3A_1211] : memref<1000000x64xf32, #tpu.memory_space<hbm>> -> memref<400x64xf32, #tpu.memory_space<hbm>>
    tpu.wait_dma2 semaphore(%arg13 : memref<!tpu.dma_semaphore, #tpu.memory_space<semaphore_mem>>) src(%arg8 : memref<400x64xf32, #tpu.memory_space<vmem>>) dst(%dma_wait3A_1212 : memref<400x64xf32, #tpu.memory_space<hbm>>)
    %dma_wait3A_1213 = arith.constant 0 : i32
    %dma_wait3A_1214 = tpu.memref_slice %arg7[%mul3A_827, %dma_wait3A_1213] : memref<1000000x64xf32, #tpu.memory_space<hbm>> -> memref<400x64xf32, #tpu.memory_space<hbm>>
    %dma_wait3A_1215 = arith.constant 0 : i32
    %dma_wait3A_1216 = tpu.memref_slice %arg7[%mul3A_827, %dma_wait3A_1215] : memref<1000000x64xf32, #tpu.memory_space<hbm>> -> memref<400x64xf32, #tpu.memory_space<hbm>>
    tpu.wait_dma2 semaphore(%arg13 : memref<!tpu.dma_semaphore, #tpu.memory_space<semaphore_mem>>) src(%arg8 : memref<400x64xf32, #tpu.memory_space<vmem>>) dst(%dma_wait3A_1216 : memref<400x64xf32, #tpu.memory_space<hbm>>)
    %dma_wait3A_1217 = arith.constant 0 : i32
    %dma_wait3A_1218 = tpu.memref_slice %arg7[%mul3A_835, %dma_wait3A_1217] : memref<1000000x64xf32, #tpu.memory_space<hbm>> -> memref<400x64xf32, #tpu.memory_space<hbm>>
    %dma_wait3A_1219 = arith.constant 0 : i32
    %dma_wait3A_1220 = tpu.memref_slice %arg7[%mul3A_835, %dma_wait3A_1219] : memref<1000000x64xf32, #tpu.memory_space<hbm>> -> memref<400x64xf32, #tpu.memory_space<hbm>>
    tpu.wait_dma2 semaphore(%arg13 : memref<!tpu.dma_semaphore, #tpu.memory_space<semaphore_mem>>) src(%arg8 : memref<400x64xf32, #tpu.memory_space<vmem>>) dst(%dma_wait3A_1220 : memref<400x64xf32, #tpu.memory_space<hbm>>)
    %dma_wait3A_1221 = arith.constant 0 : i32
    %dma_wait3A_1222 = tpu.memref_slice %arg7[%mul3A_843, %dma_wait3A_1221] : memref<1000000x64xf32, #tpu.memory_space<hbm>> -> memref<400x64xf32, #tpu.memory_space<hbm>>
    %dma_wait3A_1223 = arith.constant 0 : i32
    %dma_wait3A_1224 = tpu.memref_slice %arg7[%mul3A_843, %dma_wait3A_1223] : memref<1000000x64xf32, #tpu.memory_space<hbm>> -> memref<400x64xf32, #tpu.memory_space<hbm>>
    tpu.wait_dma2 semaphore(%arg13 : memref<!tpu.dma_semaphore, #tpu.memory_space<semaphore_mem>>) src(%arg8 : memref<400x64xf32, #tpu.memory_space<vmem>>) dst(%dma_wait3A_1224 : memref<400x64xf32, #tpu.memory_space<hbm>>)
    %dma_wait3A_1225 = arith.constant 0 : i32
    %dma_wait3A_1226 = tpu.memref_slice %arg7[%mul3A_851, %dma_wait3A_1225] : memref<1000000x64xf32, #tpu.memory_space<hbm>> -> memref<400x64xf32, #tpu.memory_space<hbm>>
    %dma_wait3A_1227 = arith.constant 0 : i32
    %dma_wait3A_1228 = tpu.memref_slice %arg7[%mul3A_851, %dma_wait3A_1227] : memref<1000000x64xf32, #tpu.memory_space<hbm>> -> memref<400x64xf32, #tpu.memory_space<hbm>>
    tpu.wait_dma2 semaphore(%arg13 : memref<!tpu.dma_semaphore, #tpu.memory_space<semaphore_mem>>) src(%arg8 : memref<400x64xf32, #tpu.memory_space<vmem>>) dst(%dma_wait3A_1228 : memref<400x64xf32, #tpu.memory_space<hbm>>)
    %dma_wait3A_1229 = arith.constant 0 : i32
    %dma_wait3A_1230 = tpu.memref_slice %arg7[%mul3A_859, %dma_wait3A_1229] : memref<1000000x64xf32, #tpu.memory_space<hbm>> -> memref<400x64xf32, #tpu.memory_space<hbm>>
    %dma_wait3A_1231 = arith.constant 0 : i32
    %dma_wait3A_1232 = tpu.memref_slice %arg7[%mul3A_859, %dma_wait3A_1231] : memref<1000000x64xf32, #tpu.memory_space<hbm>> -> memref<400x64xf32, #tpu.memory_space<hbm>>
    tpu.wait_dma2 semaphore(%arg13 : memref<!tpu.dma_semaphore, #tpu.memory_space<semaphore_mem>>) src(%arg8 : memref<400x64xf32, #tpu.memory_space<vmem>>) dst(%dma_wait3A_1232 : memref<400x64xf32, #tpu.memory_space<hbm>>)
    %dma_wait3A_1233 = arith.constant 0 : i32
    %dma_wait3A_1234 = tpu.memref_slice %arg7[%mul3A_867, %dma_wait3A_1233] : memref<1000000x64xf32, #tpu.memory_space<hbm>> -> memref<400x64xf32, #tpu.memory_space<hbm>>
    %dma_wait3A_1235 = arith.constant 0 : i32
    %dma_wait3A_1236 = tpu.memref_slice %arg7[%mul3A_867, %dma_wait3A_1235] : memref<1000000x64xf32, #tpu.memory_space<hbm>> -> memref<400x64xf32, #tpu.memory_space<hbm>>
    tpu.wait_dma2 semaphore(%arg13 : memref<!tpu.dma_semaphore, #tpu.memory_space<semaphore_mem>>) src(%arg8 : memref<400x64xf32, #tpu.memory_space<vmem>>) dst(%dma_wait3A_1236 : memref<400x64xf32, #tpu.memory_space<hbm>>)
    %dma_wait3A_1237 = arith.constant 0 : i32
    %dma_wait3A_1238 = tpu.memref_slice %arg7[%mul3A_875, %dma_wait3A_1237] : memref<1000000x64xf32, #tpu.memory_space<hbm>> -> memref<400x64xf32, #tpu.memory_space<hbm>>
    %dma_wait3A_1239 = arith.constant 0 : i32
    %dma_wait3A_1240 = tpu.memref_slice %arg7[%mul3A_875, %dma_wait3A_1239] : memref<1000000x64xf32, #tpu.memory_space<hbm>> -> memref<400x64xf32, #tpu.memory_space<hbm>>
    tpu.wait_dma2 semaphore(%arg13 : memref<!tpu.dma_semaphore, #tpu.memory_space<semaphore_mem>>) src(%arg8 : memref<400x64xf32, #tpu.memory_space<vmem>>) dst(%dma_wait3A_1240 : memref<400x64xf32, #tpu.memory_space<hbm>>)
    %dma_wait3A_1241 = arith.constant 0 : i32
    %dma_wait3A_1242 = tpu.memref_slice %arg7[%mul3A_883, %dma_wait3A_1241] : memref<1000000x64xf32, #tpu.memory_space<hbm>> -> memref<400x64xf32, #tpu.memory_space<hbm>>
    %dma_wait3A_1243 = arith.constant 0 : i32
    %dma_wait3A_1244 = tpu.memref_slice %arg7[%mul3A_883, %dma_wait3A_1243] : memref<1000000x64xf32, #tpu.memory_space<hbm>> -> memref<400x64xf32, #tpu.memory_space<hbm>>
    tpu.wait_dma2 semaphore(%arg13 : memref<!tpu.dma_semaphore, #tpu.memory_space<semaphore_mem>>) src(%arg8 : memref<400x64xf32, #tpu.memory_space<vmem>>) dst(%dma_wait3A_1244 : memref<400x64xf32, #tpu.memory_space<hbm>>)
    %dma_wait3A_1245 = arith.constant 0 : i32
    %dma_wait3A_1246 = tpu.memref_slice %arg7[%mul3A_891, %dma_wait3A_1245] : memref<1000000x64xf32, #tpu.memory_space<hbm>> -> memref<400x64xf32, #tpu.memory_space<hbm>>
    %dma_wait3A_1247 = arith.constant 0 : i32
    %dma_wait3A_1248 = tpu.memref_slice %arg7[%mul3A_891, %dma_wait3A_1247] : memref<1000000x64xf32, #tpu.memory_space<hbm>> -> memref<400x64xf32, #tpu.memory_space<hbm>>
    tpu.wait_dma2 semaphore(%arg13 : memref<!tpu.dma_semaphore, #tpu.memory_space<semaphore_mem>>) src(%arg8 : memref<400x64xf32, #tpu.memory_space<vmem>>) dst(%dma_wait3A_1248 : memref<400x64xf32, #tpu.memory_space<hbm>>)
    %dma_wait3A_1249 = arith.constant 0 : i32
    %dma_wait3A_1250 = tpu.memref_slice %arg7[%mul3A_899, %dma_wait3A_1249] : memref<1000000x64xf32, #tpu.memory_space<hbm>> -> memref<400x64xf32, #tpu.memory_space<hbm>>
    %dma_wait3A_1251 = arith.constant 0 : i32
    %dma_wait3A_1252 = tpu.memref_slice %arg7[%mul3A_899, %dma_wait3A_1251] : memref<1000000x64xf32, #tpu.memory_space<hbm>> -> memref<400x64xf32, #tpu.memory_space<hbm>>
    tpu.wait_dma2 semaphore(%arg13 : memref<!tpu.dma_semaphore, #tpu.memory_space<semaphore_mem>>) src(%arg8 : memref<400x64xf32, #tpu.memory_space<vmem>>) dst(%dma_wait3A_1252 : memref<400x64xf32, #tpu.memory_space<hbm>>)
    %dma_wait3A_1253 = arith.constant 0 : i32
    %dma_wait3A_1254 = tpu.memref_slice %arg7[%mul3A_907, %dma_wait3A_1253] : memref<1000000x64xf32, #tpu.memory_space<hbm>> -> memref<400x64xf32, #tpu.memory_space<hbm>>
    %dma_wait3A_1255 = arith.constant 0 : i32
    %dma_wait3A_1256 = tpu.memref_slice %arg7[%mul3A_907, %dma_wait3A_1255] : memref<1000000x64xf32, #tpu.memory_space<hbm>> -> memref<400x64xf32, #tpu.memory_space<hbm>>
    tpu.wait_dma2 semaphore(%arg13 : memref<!tpu.dma_semaphore, #tpu.memory_space<semaphore_mem>>) src(%arg8 : memref<400x64xf32, #tpu.memory_space<vmem>>) dst(%dma_wait3A_1256 : memref<400x64xf32, #tpu.memory_space<hbm>>)
    %dma_wait3A_1257 = arith.constant 0 : i32
    %dma_wait3A_1258 = tpu.memref_slice %arg7[%mul3A_915, %dma_wait3A_1257] : memref<1000000x64xf32, #tpu.memory_space<hbm>> -> memref<400x64xf32, #tpu.memory_space<hbm>>
    %dma_wait3A_1259 = arith.constant 0 : i32
    %dma_wait3A_1260 = tpu.memref_slice %arg7[%mul3A_915, %dma_wait3A_1259] : memref<1000000x64xf32, #tpu.memory_space<hbm>> -> memref<400x64xf32, #tpu.memory_space<hbm>>
    tpu.wait_dma2 semaphore(%arg13 : memref<!tpu.dma_semaphore, #tpu.memory_space<semaphore_mem>>) src(%arg8 : memref<400x64xf32, #tpu.memory_space<vmem>>) dst(%dma_wait3A_1260 : memref<400x64xf32, #tpu.memory_space<hbm>>)
    %dma_wait3A_1261 = arith.constant 0 : i32
    %dma_wait3A_1262 = tpu.memref_slice %arg7[%mul3A_923, %dma_wait3A_1261] : memref<1000000x64xf32, #tpu.memory_space<hbm>> -> memref<400x64xf32, #tpu.memory_space<hbm>>
    %dma_wait3A_1263 = arith.constant 0 : i32
    %dma_wait3A_1264 = tpu.memref_slice %arg7[%mul3A_923, %dma_wait3A_1263] : memref<1000000x64xf32, #tpu.memory_space<hbm>> -> memref<400x64xf32, #tpu.memory_space<hbm>>
    tpu.wait_dma2 semaphore(%arg13 : memref<!tpu.dma_semaphore, #tpu.memory_space<semaphore_mem>>) src(%arg8 : memref<400x64xf32, #tpu.memory_space<vmem>>) dst(%dma_wait3A_1264 : memref<400x64xf32, #tpu.memory_space<hbm>>)
    %dma_wait3A_1265 = arith.constant 0 : i32
    %dma_wait3A_1266 = tpu.memref_slice %arg7[%mul3A_931, %dma_wait3A_1265] : memref<1000000x64xf32, #tpu.memory_space<hbm>> -> memref<400x64xf32, #tpu.memory_space<hbm>>
    %dma_wait3A_1267 = arith.constant 0 : i32
    %dma_wait3A_1268 = tpu.memref_slice %arg7[%mul3A_931, %dma_wait3A_1267] : memref<1000000x64xf32, #tpu.memory_space<hbm>> -> memref<400x64xf32, #tpu.memory_space<hbm>>
    tpu.wait_dma2 semaphore(%arg13 : memref<!tpu.dma_semaphore, #tpu.memory_space<semaphore_mem>>) src(%arg8 : memref<400x64xf32, #tpu.memory_space<vmem>>) dst(%dma_wait3A_1268 : memref<400x64xf32, #tpu.memory_space<hbm>>)
    %dma_wait3A_1269 = arith.constant 0 : i32
    %dma_wait3A_1270 = tpu.memref_slice %arg7[%mul3A_939, %dma_wait3A_1269] : memref<1000000x64xf32, #tpu.memory_space<hbm>> -> memref<400x64xf32, #tpu.memory_space<hbm>>
    %dma_wait3A_1271 = arith.constant 0 : i32
    %dma_wait3A_1272 = tpu.memref_slice %arg7[%mul3A_939, %dma_wait3A_1271] : memref<1000000x64xf32, #tpu.memory_space<hbm>> -> memref<400x64xf32, #tpu.memory_space<hbm>>
    tpu.wait_dma2 semaphore(%arg13 : memref<!tpu.dma_semaphore, #tpu.memory_space<semaphore_mem>>) src(%arg8 : memref<400x64xf32, #tpu.memory_space<vmem>>) dst(%dma_wait3A_1272 : memref<400x64xf32, #tpu.memory_space<hbm>>)
    %dma_wait3A_1273 = arith.constant 0 : i32
    %dma_wait3A_1274 = tpu.memref_slice %arg7[%mul3A_947, %dma_wait3A_1273] : memref<1000000x64xf32, #tpu.memory_space<hbm>> -> memref<400x64xf32, #tpu.memory_space<hbm>>
    %dma_wait3A_1275 = arith.constant 0 : i32
    %dma_wait3A_1276 = tpu.memref_slice %arg7[%mul3A_947, %dma_wait3A_1275] : memref<1000000x64xf32, #tpu.memory_space<hbm>> -> memref<400x64xf32, #tpu.memory_space<hbm>>
    tpu.wait_dma2 semaphore(%arg13 : memref<!tpu.dma_semaphore, #tpu.memory_space<semaphore_mem>>) src(%arg8 : memref<400x64xf32, #tpu.memory_space<vmem>>) dst(%dma_wait3A_1276 : memref<400x64xf32, #tpu.memory_space<hbm>>)
    %dma_wait3A_1277 = arith.constant 0 : i32
    %dma_wait3A_1278 = tpu.memref_slice %arg7[%mul3A_955, %dma_wait3A_1277] : memref<1000000x64xf32, #tpu.memory_space<hbm>> -> memref<400x64xf32, #tpu.memory_space<hbm>>
    %dma_wait3A_1279 = arith.constant 0 : i32
    %dma_wait3A_1280 = tpu.memref_slice %arg7[%mul3A_955, %dma_wait3A_1279] : memref<1000000x64xf32, #tpu.memory_space<hbm>> -> memref<400x64xf32, #tpu.memory_space<hbm>>
    tpu.wait_dma2 semaphore(%arg13 : memref<!tpu.dma_semaphore, #tpu.memory_space<semaphore_mem>>) src(%arg8 : memref<400x64xf32, #tpu.memory_space<vmem>>) dst(%dma_wait3A_1280 : memref<400x64xf32, #tpu.memory_space<hbm>>)
    %lt3A_1281 = arith.constant 4 : i32
    %lt3A_1282 = arith.cmpi slt, %add3A, %lt3A_1281 : i32
    %convert_element_type3A_1283 = arith.extui %lt3A_1282 : i1 to i32
    %cond3A_1284 = arith.constant 0 : i32
    %cond3A_1285 = arith.cmpi ne, %convert_element_type3A_1283, %cond3A_1284 : i32
    scf.if %cond3A_1285 {
      %dma_wait3A_1286 = arith.constant 0 : i32
      %dma_wait3A_1287 = tpu.memref_slice %arg7[%mul3A_963, %dma_wait3A_1286] : memref<1000000x64xf32, #tpu.memory_space<hbm>> -> memref<400x64xf32, #tpu.memory_space<hbm>>
      %dma_wait3A_1288 = arith.constant 0 : i32
      %dma_wait3A_1289 = tpu.memref_slice %arg7[%mul3A_963, %dma_wait3A_1288] : memref<1000000x64xf32, #tpu.memory_space<hbm>> -> memref<400x64xf32, #tpu.memory_space<hbm>>
      tpu.wait_dma2 semaphore(%arg13 : memref<!tpu.dma_semaphore, #tpu.memory_space<semaphore_mem>>) src(%arg8 : memref<400x64xf32, #tpu.memory_space<vmem>>) dst(%dma_wait3A_1289 : memref<400x64xf32, #tpu.memory_space<hbm>>)
    } else {
    }
    return
  }
}

</mosaic_0001>

<sc_bundles>
// kernel: kernel.3.cloned.1.call-start
scs
__scs_entry_jumppad:
0x0: {  	(pc) =	sbr.rel $0x88, $3  }
0x1: {  	(tag) =	ssettag $0x0;
	lr =	simm.s32 $0x1  }
0x2: {  	[smem:$0x3F9E] =	sst lr;
	_ =	strace $0xD0000000  }
0x3: {  	_ = 	snop  }
0x4: {  	_ = 	snop  }
0x5: {  	_ = 	snop  }
0x6: {  	_ = 	snop  }
0x7: {  	_ = 	snop  }
__scs_overlays_trampoline_lowered:
0x8: {  	[smem:$0x3FAD] =	sst s0  }
0x9: {  	[smem:$0x3FAE] =	sst s1  }
0xa: {  	[smem:$0x3FAF] =	sst s2  }
0xb: {  	[smem:$0x3FB0] =	sst s3  }
0xc: {  	[smem:$0x3FB1] =	sst s4  }
0xd: {  	[smem:$0x3FB2] =	sst s5  }
0xe: {  	[smem:$0x3FB3] =	sst s6  }
0xf: {  	[smem:$0x3FB4] =	sst s7  }
0x10: {  	[smem:$0x3FB5] =	sst s8  }
0x11: {  	[smem:$0x3FB6] =	sst s9;
	s0 =	simm.s32 @!p0 $0x0  }
0x12: {  	s1 =	sld [smem:$0x3F9C];
	s0 =	simm.s32 @p0 $0x1  }
0x13: {  	[smem:$0x3FB7] =	sst s0;
	s0 =	simm.s32 @!p1 $0x0  }
0x14: {  	s2 =	sld [smem:$0x3F9B];
	s0 =	simm.s32 @p1 $0x1  }
0x15: {  	[smem:$0x3FB8] =	sst s0;
	s0 =	simm.s32 @!p2 $0x0  }
0x16: {  	s3 =	sld [smem:$0x3FDB];
	s0 =	simm.s32 @p2 $0x1  }
0x17: {  	s4 =	simm.s32 $0x1BF5;
	[smem:$0x3FBA] =	sst s0  }
0x18: {  	s0 =	sld [smem:$0x3F9D];
	_ =	swait.ge [sflag:s4], $0x0  }
0x19: {  	s7 =	sld [smem:$0x3F9E]  }
0x1a: {  	s8 =	sadd.s32 $0xFFFFE003, lr  }
0x1b: {  	s9 =	sadd.s32 $0xFFFFFEF7, lr;
	s5 =	simm.s32 $0xFFFFFFFF;
	p2 =	slt.u32 s8, $0xFFFFF086  }
0x1c: {  	p1 =	slt.u32 s9, $0xF7A;
	s5 =	simm.s32 @!p2 $0x0  }
0x1d: {  	s5 =	simm.s32 @p1 $0x1;
	p0 =	seq.s32 s7, s2  }
0x1e: {  	s7 =	smul.u32 @!p0 $0xF7A, s2;
	p2 =	seq.s32 @!p0 s5, $0x0  }
0x1f: {  	s9 =	smul.u32 $0xF7A, s1;
	s8 =	simm.s32 @!p0 $0x1BF5;
	p2 =	por !p2, p0  }
0x20: {  	[sflag:s8] =	ssyncset.s32 @!p0 $0xFFFFF086;
	s6 =	sadd.s32 @!p0 s3, s7;
	s7 =	simm.s32 @!p0 $0x108  }
0x21: {  	s3 =	sadd.s32 s3, s9;
	s6 =	sadd.s32 @!p0 $0x88, s6;
	s7 =	simm.s32 @p2 $0x1082  }
0x22: {  	[simem:s7], [sflag:s8] =	dma.local @!p0 [hbm:s6], $0xF7A  }
0x23: {  	s9 =	sor.u32 $0xD0000000, s2;
	s6 =	simm.s32 $0x108;
	_ =	swait.ge @!p0 [sflag:s8], $0x0  }
0x24: {  	s3 =	sadd.s32 $0x88, s3;
	s6 =	simm.s32 @!p1 $0x1082;
	[sflag:s4] =	ssyncset.s32 $0xFFFFF086  }
0x25: {  	[simem:s6], [sflag:s4] =	dma.local [hbm:s3], $0xF7A  }
0x26: {  	[smem:$0x3F9E] =	sst s1;
	(tag) =	ssettag s2;
	_ =	strace s9  }
0x27: {  	s1 =	sld [smem:$0x3FAE]  }
0x28: {  	s2 =	sld [smem:$0x3FAF]  }
0x29: {  	s4 =	sld [smem:$0x3FB1]  }
0x2a: {  	p0 =	seq.s32 s5, $0x0;
	s5 =	sld [smem:$0x3FB2]  }
0x2b: {  	s6 =	sld [smem:$0x3FB3]  }
0x2c: {  	s7 =	sld [smem:$0x3FB4]  }
0x2d: {  	s3 =	simm.s32 $0x108;
	s8 =	sld [smem:$0x3FB5]  }
0x2e: {  	s3 =	simm.s32 @!p0 $0x1082;
	s9 =	sld [smem:$0x3FB6]  }
0x2f: {  	lr =	sadd.s32 s0, s3;
	s0 =	sld [smem:$0x3FAD]  }
0x30: {  	s3 =	sld [smem:$0x3FB0]  }
0x31: {  	[smem:$0x3FB9] =	sst s10  }
0x32: {  	s10 =	sld [smem:$0x3FB7];
	_ =	sdelay $0x3  }
0x33: {  	p0 =	seq.s32 s10, $0x1;
	s10 =	sld [smem:$0x3FB9];
	_ =	sdelay $0x3  }
0x34: {  	[smem:$0x3FB9] =	sst s10  }
0x35: {  	s10 =	sld [smem:$0x3FB8];
	_ =	sdelay $0x3  }
0x36: {  	p1 =	seq.s32 s10, $0x1;
	s10 =	sld [smem:$0x3FB9];
	_ =	sdelay $0x3  }
0x37: {  	[smem:$0x3FB9] =	sst s10  }
0x38: {  	s10 =	sld [smem:$0x3FBA]  }
0x39: {  	_ = 	snop;
	(pc) =	sbr.ind lr, $3  }
0x3a: {  	_ = 	snop  }
0x3b: {  	_ = 	snop  }
0x3c: {  	p2 =	seq.s32 s10, $0x1;
	s10 =	sld [smem:$0x3FB9]  }
0x3d: {  	_ =	shalt  }
0x3e: {  	_ =	shalt  }
0x3f: {  	_ =	shalt  }
0x40: {  	_ =	shalt  }
0x41: {  	_ =	shalt  }
0x42: {  	_ =	shalt  }
0x43: {  	_ =	shalt  }
0x44: {  	_ =	shalt  }
0x45: {  	_ =	shalt  }
0x46: {  	_ =	shalt  }
0x47: {  	_ =	shalt  }
0x48: {  	_ =	shalt  }
0x49: {  	_ =	shalt  }
0x4a: {  	_ =	shalt  }
0x4b: {  	_ =	shalt  }
0x4c: {  	_ =	shalt  }
0x4d: {  	_ =	shalt  }
0x4e: {  	_ =	shalt  }
0x4f: {  	_ =	shalt  }
0x50: {  	_ =	shalt  }
0x51: {  	_ =	shalt  }
0x52: {  	_ =	shalt  }
0x53: {  	_ =	shalt  }
0x54: {  	_ =	shalt  }
0x55: {  	_ =	shalt  }
0x56: {  	_ =	shalt  }
0x57: {  	_ =	shalt  }
0x58: {  	_ =	shalt  }
0x59: {  	_ =	shalt  }
0x5a: {  	_ =	shalt  }
0x5b: {  	_ =	shalt  }
0x5c: {  	_ =	shalt  }
0x5d: {  	_ =	shalt  }
0x5e: {  	_ =	shalt  }
0x5f: {  	_ =	shalt  }
0x60: {  	_ =	shalt  }
0x61: {  	_ =	shalt  }
0x62: {  	_ =	shalt  }
0x63: {  	_ =	shalt  }
0x64: {  	_ =	shalt  }
0x65: {  	_ =	shalt  }
0x66: {  	_ =	shalt  }
0x67: {  	_ =	shalt  }
0x68: {  	_ =	shalt  }
0x69: {  	_ =	shalt  }
0x6a: {  	_ =	shalt  }
0x6b: {  	_ =	shalt  }
0x6c: {  	_ =	shalt  }
0x6d: {  	_ =	shalt  }
0x6e: {  	_ =	shalt  }
0x6f: {  	_ =	shalt  }
0x70: {  	_ =	shalt  }
0x71: {  	_ =	shalt  }
0x72: {  	_ =	shalt  }
0x73: {  	_ =	shalt  }
0x74: {  	_ =	shalt  }
0x75: {  	_ =	shalt  }
0x76: {  	_ =	shalt  }
0x77: {  	_ =	shalt  }
0x78: {  	_ =	shalt  }
0x79: {  	_ =	shalt  }
0x7a: {  	_ =	shalt  }
0x7b: {  	_ =	shalt  }
0x7c: {  	_ =	shalt  }
0x7d: {  	_ =	shalt  }
0x7e: {  	_ =	shalt  }
0x7f: {  	_ =	shalt  }
0x80: {  	_ =	shalt  }
0x81: {  	_ =	shalt  }
0x82: {  	_ =	shalt  }
0x83: {  	_ =	shalt  }
0x84: {  	_ =	shalt  }
0x85: {  	_ =	shalt  }
0x86: {  	_ =	shalt  }
0x87: {  	_ =	shalt  }
.Lfunc_end0:
.L_simem_size_0:
called_computation_lowered:
.L_overlay_start_0:
0x88: {  	s2 =	sld [smem:$0x3FD9]  }
0x89: {  	s3 =	sld [smem:$0x3FFE];
	_ =	sdelay $0x1  }
0x8a: {  	s1 =	srdreg.scid  }
0x8b: {  	s0 =	sand.u32 $0x1, s1  }
0x8c: {  	s14 =	sshll.u32 s0, $0xA;
	s2 =	sadd.s32 s3, s2  }
0x8d: {  	s2 =	sadd.s32 s2, s14  }
0x8e: {  	[smem:$0x3FC5] =	sst s2  }
0x8f: {  	_ = 	snop  }
0x90: {  	s2 =	sld [smem:$0x3FD0];
	_ =	sdelay $0x2  }
0x91: {  	s4 =	simm.s32 $0xA;
	s5 =	simm.s32 $0x10;
	s15 =	sld [smem:$0x3FC7]  }
0x92: {  	[smem:s5], [sflag:s4] =	dma.local [hbm:s2], $0x1  }
0x93: {  	_ =	swait.eq [sflag:s4], $0x1  }
0x94: {  	[sflag:s4] =	ssyncset.done $0x0  }
0x95: {  	s16 =	sld [smem:$0x11];
	[sflag:s4] =	ssyncadd.s32 $0xFFFFFFFF  }
0x96: {  	s17 =	sld [smem:$0x12];
	(tm) =	ssettm $0x1  }
0x97: {  	s18 =	sld [smem:$0x3FFB];
	_ =	sdelay $0x3  }
0x98: {  	_ =	strace s18  }
0x99: {  	s5 =	sld [smem:$0x3FFC];
	_ =	sdelay $0x3  }
0x9a: {  	_ =	strace s5  }
0x9b: {  	s5 =	sld [smem:$0x3FFD];
	_ =	sdelay $0x3  }
0x9c: {  	_ =	strace s5  }
0x9d: {  	_ =	strace $0x8FFFFFFF  }
0x9e: {  	s19 =	sld [smem:$0x3FDB];
	_ =	sdelay $0x1  }
0x9f: {  	s6 =	simm.s32 $_scs_section_size  }
0xa0: {  	s7 =	simm.s32 $_size__tile_overlayer_lowered;
	s8 =	simm.s32 $_tile_overlayer_lowered  }
0xa1: {  	s22 =	simm.s32 $0x1BFF;
	s21 =	sshll.u32 s8, $0x1;
	s5 =	sadd.s32 s6, s19  }
0xa2: {  	s9 =	simm.s32 $0x0;
	s20 =	sshll.u32 s7, $0x1;
	s7 =	sadd.s32 s21, s5  }
0xa3: {  	[timem:s9], [sflag:s22] =	dma.local [hbm:s7], s20  }
0xa4: {  	_ =	swait.ge [sflag:s22], s20  }
0xa5: {  	s6 =	ssub.s32 $0x0, s20;
	[sflag:s22] =	ssyncset.done $0x0  }
0xa6: {  	[sflag:s22] =	ssyncadd.s32 s6;
	_ =	sdelay $0x1  }
0xa7: {  	s23 =	simm.s32 $0x1B8B  }
0xa8: {  	_ =	swait.ge [sflag:s23], $0x1  }
0xa9: {  	[sflag:s23] =	ssyncset.done $0x0  }
0xaa: {  	s25 =	simm.s32 $0x1B8E;
	s24 =	sld [smem:$0x3FFE];
	[sflag:s23] =	ssyncadd.s32 $0xFFFFFFFF  }
0xab: {  	s26 =	simm.s32 $execute0_lowered;
	[smem:$0x3FD2] =	sst s25  }
0xac: {  	s7 =	sshll.u32 s26, $0x1;
	_ =	strace $0x80000046;
	[dreg:$0x1] =	wrdreg $0xFFFFFFFF  }
0xad: {  	s28 =	simm.s32 $_size_execute0_lowered;
	s5 =	sadd.s32 s5, s7;
	[dreg:$0x0] =	wrdreg $0x0  }
0xae: {  	s7 =	sshll.u32 s28, $0x1;
	[dreg:$0x2] =	wrdreg s5  }
0xaf: {  	[dreg:$0x3] =	wrdreg s7  }
0xb0: {  	[dreg:$0x4] =	wrdreg $0xC0  }
0xb1: {  	_ =	task [dreg:s9], $0x5FFFF  }
0xb2: {  	[dreg:$0x1] =	wrdreg $0xFFFFFFFF  }
0xb3: {  	[dreg:$0x0] =	wrdreg $0x60  }
0xb4: {  	[dreg:$0x2] =	wrdreg s16  }
0xb5: {  	[dreg:$0x3] =	wrdreg s17  }
0xb6: {  	[dreg:$0x4] =	wrdreg s15  }
0xb7: {  	[dreg:$0x5] =	wrdreg s24  }
0xb8: {  	[dreg:$0x6] =	wrdreg $0x9  }
0xb9: {  	_ =	task.clear_ibuf [dreg:s9], $0x7FFFF;
	_ =	strace $0x90000046  }
0xba: {  	s29 =	simm.s32 $0x9;
	_ =	strace $0x80000048  }
0xbb: {  	_ =	swait.ge [sflag:s29], $0x1  }
0xbc: {  	[sflag:s29] =	ssyncadd.s32 $0xFFFFFFFF  }
0xbd: {  	_ =	strace $0x90000048  }
0xbe: {  	_ =	sfence  }
0xbf: {  	s30 =	sld [smem:$0x0];
	_ =	sdelay $0x2  }
0xc0: {  	s31 =	sshll.u32 s1, $0xD;
	s1 =	sshrl.u32 s1, $0x2  }
0xc1: {  	s3 =	sand.u32 $0x4000, s31;
	s1 =	sadd.s32 s1, s30  }
0xc2: {  	s0 =	sor.u32 s3, s0;
	s1 =	sshll.u32 s1, $0x11  }
0xc3: {  	s0 =	sor.u32 s1, s0  }
0xc4: {  	s0 =	sadd.s32 $0x8F2B, s0  }
0xc5: {  	[sflag:s0] =	ssyncadd.remote.s32 $0x1  }
0xc6: {  	_ =	sfence.sel $0xFFFF  }
0xc7: {  	[dreg:$0x0] =	wrdreg $0xFFFFFFFF;
	(pc) =	sbr.abs _section_cstart, $3  }
0xc8: {  	[dreg:$0x1] =	wrdreg $0xFFFFFFFF  }
0xc9: {  	_ =	task.clear_ibuf [dreg:s9], $0x2FFFF;
	_ =	strace $0x9FFFFFFF  }
0xca: {  	(tm) =	ssettm $0x7FFFFFFF  }
0xcb: {  	_ =	shalt  }
tec
execute0_lowered:
.L_overlay_start_1:
0x0: {  	(tag) =	ssettag $0x1  }
0x1: {  	s0 =	srdreg.scid  }
0x2: {  	s5 =	sand.u32 $0x1, s0  }
0x3: {  	s3 =	rddreg [dreg:$0x1];
	s4 =	stileid.u32;
	s0 =	sshll.u32 s5, $0x4  }
0x4: {  	s2 =	rddreg [dreg:$0x3];
	s1 =	simm.s32 $0x0;
	s0 =	sor.u32 s4, s0  }
0x5: {  	[smem:$0x7FF] =	sst s1;
	s5 =	ssub.s32 $0x2, s5;
	s6 =	sor.u32 $0x20, s0  }
0x6: {  	s4 =	sadd.s32 $0x4800, s2;
	s11 =	sshrl.u32 s5, $0x1;
	s7 =	smul.u32 $0xC80, s6  }
0x7: {  	s8 =	sor.u32 $0x40, s0;
	s10 =	sor.u32 $0x60, s0;
	s13 =	sor.u32 $0x80, s0  }
0x8: {  	s21 =	ssub.s32 s5, s11;
	s9 =	smul.u32 $0xC80, s8;
	s14 =	sadd.s32 s3, s7  }
0x9: {  	s23 =	sor.u32 $0xA0, s0;
	s7 =	sadd.s32 s4, s7;
	[dreg:$0x5] =	wrdreg s14  }
0xa: {  	s12 =	smul.u32 $0xC80, s10;
	s17 =	sadd.s32 s3, s9;
	[dreg:$0x6] =	wrdreg s7  }
0xb: {  	s15 =	sor.u32 $0xC0, s0;
	s9 =	sadd.s32 s4, s9;
	[dreg:$0x7] =	wrdreg s17  }
0xc: {  	s22 =	smul.u32 $0xC80, s13;
	s30 =	sadd.s32 s3, s12;
	[dreg:$0x8] =	wrdreg s9  }
0xd: {  	s16 =	sor.u32 $0xE0, s0;
	s12 =	sadd.s32 s4, s12;
	[dreg:$0x9] =	wrdreg s30  }
0xe: {  	s26 =	smul.u32 $0xC80, s16;
	s31 =	sadd.s32 s3, s22;
	[dreg:$0xa] =	wrdreg s12  }
0xf: {  	s24 =	smul.u32 $0xC80, s23;
	s5 =	sadd.s32 s4, s22;
	[dreg:$0xb] =	wrdreg s31  }
0x10: {  	s11 =	sor.u32 $0x120, s0;
	s18 =	sadd.s32 s3, s26;
	[dreg:$0xc] =	wrdreg s5  }
0x11: {  	s25 =	smul.u32 $0xC80, s15;
	s12 =	sadd.s32 s3, s24;
	[dreg:$0x11] =	wrdreg s18  }
0x12: {  	s22 =	smul.u32 $0xC80, s11;
	s14 =	sadd.s32 s4, s24;
	[dreg:$0xd] =	wrdreg s12  }
0x13: {  	s5 =	smul.u32 $0x1900, s8;
	s17 =	sadd.s32 s3, s25;
	[dreg:$0xe] =	wrdreg s14  }
0x14: {  	s8 =	smul.u32 $0x1900, s10;
	s7 =	sadd.s32 s4, s25;
	[dreg:$0xf] =	wrdreg s17  }
0x15: {  	s10 =	smul.u32 $0x1900, s13;
	s9 =	sadd.s32 s4, s26;
	[dreg:$0x10] =	wrdreg s7  }
0x16: {  	s12 =	sor.u32 $0x100, s0;
	[dreg:$0x12] =	wrdreg s9;
	s9 =	smul.u32 $0x1900, s23  }
0x17: {  	s14 =	sor.u32 $0x140, s0;
	s18 =	sadd.s32 s3, s22;
	s19 =	smul.u32 $0xC80, s12  }
0x18: {  	s17 =	sor.u32 $0x160, s0;
	s13 =	sadd.s32 s4, s22;
	[dreg:$0x15] =	wrdreg s18  }
0x19: {  	s23 =	smul.u32 $0xC80, s14;
	[dreg:$0x16] =	wrdreg s13;
	s20 =	sadd.s32 s3, s19  }
0x1a: {  	s24 =	smul.u32 $0xC80, s17;
	s7 =	sadd.s32 s4, s19;
	[dreg:$0x13] =	wrdreg s20  }
0x1b: {  	s25 =	sadd.s32 s3, s23;
	[dreg:$0x14] =	wrdreg s7  }
0x1c: {  	s18 =	sor.u32 $0x180, s0;
	s26 =	sadd.s32 s3, s24;
	[dreg:$0x17] =	wrdreg s25  }
0x1d: {  	s30 =	smul.u32 $0xC80, s18;
	s13 =	sadd.s32 s4, s24;
	[dreg:$0x19] =	wrdreg s26  }
0x1e: {  	s19 =	sor.u32 $0x1A0, s0;
	s7 =	sadd.s32 s4, s23;
	[dreg:$0x1a] =	wrdreg s13  }
0x1f: {  	s20 =	sadd.s32 s3, s30;
	s31 =	smul.u32 $0xC80, s19;
	[dreg:$0x18] =	wrdreg s7  }
0x20: {  	s22 =	sor.u32 $0x1C0, s0;
	[dreg:$0x1b] =	wrdreg s20;
	s7 =	sadd.s32 s4, s30  }
0x21: {  	s25 =	smul.u32 $0xC80, s22;
	[dreg:$0x1c] =	wrdreg s7;
	s24 =	sadd.s32 s3, s31  }
0x22: {  	s20 =	sadd.s32 s4, s31;
	[dreg:$0x1d] =	wrdreg s24  }
0x23: {  	s13 =	smul.u32 $0xC80, s0;
	s30 =	sadd.s32 s3, s25;
	[dreg:$0x1e] =	wrdreg s20  }
0x24: {  	s23 =	sor.u32 $0x1E0, s0;
	s7 =	sadd.s32 s4, s25;
	[dreg:$0x1f] =	wrdreg s30  }
0x25: {  	s26 =	smul.u32 $0xC80, s23;
	s31 =	sadd.s32 s3, s13;
	[smem:$0x7BB] =	sst s7  }
0x26: {  	[smem:$0x7BC] =	sst s31  }
0x27: {  	s6 =	smul.u32 $0x1900, s6;
	s3 =	sadd.s32 s3, s26;
	s20 =	rddreg [dreg:$0x0]  }
0x28: {  	s7 =	smul.u32 $0x1900, s16;
	s16 =	sadd.s32 s4, s26;
	[smem:$0x7BD] =	sst s3  }
0x29: {  	s25 =	smul.u32 $0x1900, s0;
	s4 =	sadd.s32 s4, s13;
	[smem:$0x7BE] =	sst s16  }
0x2a: {  	s3 =	smul.u32 $0x1900, s12;
	[smem:$0x7BF] =	sst s4  }
0x2b: {  	s24 =	sadd.s32 s20, s13;
	s12 =	sadd.s32 s13, s2;
	s2 =	sadd.s32 $0x18B200, s2  }
0x2c: {  	[smem:$0x7C0] =	sst s24;
	s4 =	sadd.s32 s2, s25  }
0x2d: {  	s15 =	smul.u32 $0x1900, s15;
	s30 =	sadd.s32 s2, s6;
	[smem:$0x7C1] =	sst s4  }
0x2e: {  	s11 =	smul.u32 $0x1900, s11;
	s5 =	sadd.s32 s2, s5;
	[smem:$0x7C2] =	sst s30  }
0x2f: {  	s26 =	smul.u32 $0x1900, s14;
	s8 =	sadd.s32 s2, s8;
	[smem:$0x7C3] =	sst s5  }
0x30: {  	s31 =	smul.u32 $0x1900, s17;
	s16 =	sadd.s32 s2, s10;
	[smem:$0x7C4] =	sst s8  }
0x31: {  	s14 =	smul.u32 $0x1900, s18;
	s17 =	sadd.s32 s2, s9;
	[smem:$0x7C5] =	sst s16  }
0x32: {  	s18 =	smul.u32 $0x1900, s19;
	s19 =	sadd.s32 s2, s15;
	[smem:$0x7C6] =	sst s17  }
0x33: {  	s7 =	sadd.s32 s2, s7;
	[smem:$0x7C7] =	sst s19  }
0x34: {  	s20 =	smul.u32 $0x1900, s22;
	s22 =	sadd.s32 s2, s11;
	[smem:$0x7C8] =	sst s7  }
0x35: {  	s25 =	sadd.s32 s2, s26;
	[smem:$0x7CA] =	sst s22  }
0x36: {  	s3 =	sadd.s32 s2, s3;
	[smem:$0x7CB] =	sst s25  }
0x37: {  	s4 =	sadd.s32 s2, s31;
	[smem:$0x7C9] =	sst s3  }
0x38: {  	s24 =	smul.u32 $0x1900, s23;
	s5 =	sadd.s32 s2, s14;
	[smem:$0x7CC] =	sst s4  }
0x39: {  	s26 =	smul.u32 $0xC800, s0;
	s30 =	sadd.s32 s2, s18;
	[smem:$0x7CD] =	sst s5  }
0x3a: {  	s31 =	sadd.s32 s2, s20;
	[smem:$0x7CE] =	sst s30  }
0x3b: {  	[smem:$0x7CF] =	sst s31;
	s3 =	sadd.s32 s2, s24;
	s6 =	sshrl.u32 s26, $0x3  }
0x3c: {  	s7 =	sadd.s32 $0x800, s12;
	[smem:$0x7D0] =	sst s3;
	s20 =	sadd.s32 s2, s6  }
0x3d: {  	_ =	strace $0x80000047;
	[smem:$0x7D1] =	sst s7;
	s8 =	sadd.s32 $0x320000, s20  }
0x3e: {  	s9 =	sadd.s32 $0x352000, s20;
	[smem:$0x7D2] =	sst s8  }
0x3f: {  	s10 =	sadd.s32 $0x384000, s20;
	[smem:$0x7D3] =	sst s9  }
0x40: {  	s11 =	sadd.s32 $0x3B6000, s20;
	[smem:$0x7D4] =	sst s10  }
0x41: {  	s12 =	sadd.s32 $0x3E8000, s20;
	[smem:$0x7D5] =	sst s11  }
0x42: {  	s13 =	sadd.s32 $0x41A000, s20;
	[smem:$0x7D6] =	sst s12  }
0x43: {  	s14 =	sadd.s32 $0x44C000, s20;
	[smem:$0x7D7] =	sst s13  }
0x44: {  	s15 =	sadd.s32 $0x47E000, s20;
	[smem:$0x7D8] =	sst s14  }
0x45: {  	s16 =	sadd.s32 $0x4B0000, s20;
	[smem:$0x7D9] =	sst s15  }
0x46: {  	s17 =	sadd.s32 $0x4E2000, s20;
	[smem:$0x7DA] =	sst s16  }
0x47: {  	s18 =	sadd.s32 $0x514000, s20;
	[smem:$0x7DB] =	sst s17  }
0x48: {  	s19 =	sadd.s32 $0x546000, s20;
	[smem:$0x7DC] =	sst s18  }
0x49: {  	s22 =	sadd.s32 $0x578000, s20;
	[smem:$0x7DD] =	sst s19  }
0x4a: {  	s23 =	sadd.s32 $0x5AA000, s20;
	[smem:$0x7DE] =	sst s22  }
0x4b: {  	s24 =	sadd.s32 $0x5DC000, s20;
	[smem:$0x7DF] =	sst s23  }
0x4c: {  	s25 =	sadd.s32 $0x60E000, s20;
	[smem:$0x7E0] =	sst s24  }
0x4d: {  	s26 =	sadd.s32 $0x640000, s20;
	[smem:$0x7E1] =	sst s25  }
0x4e: {  	s30 =	sadd.s32 $0x672000, s20;
	[smem:$0x7E2] =	sst s26  }
0x4f: {  	s31 =	sadd.s32 $0x6A4000, s20;
	[smem:$0x7E3] =	sst s30  }
0x50: {  	s2 =	sadd.s32 $0x6D6000, s20;
	[smem:$0x7E4] =	sst s31  }
0x51: {  	s3 =	sadd.s32 $0x708000, s20;
	[smem:$0x7E5] =	sst s2  }
0x52: {  	s4 =	sadd.s32 $0x73A000, s20;
	[smem:$0x7E6] =	sst s3  }
0x53: {  	s5 =	sadd.s32 $0x76C000, s20;
	[smem:$0x7E7] =	sst s4  }
0x54: {  	s6 =	sadd.s32 $0x79E000, s20;
	[smem:$0x7E8] =	sst s5  }
0x55: {  	s7 =	sadd.s32 $0x7D0000, s20;
	[smem:$0x7E9] =	sst s6  }
0x56: {  	[smem:$0x7EA] =	sst s7;
	s8 =	sadd.s32 $0x802000, s20  }
0x57: {  	s9 =	sadd.s32 $0x834000, s20;
	[smem:$0x7EB] =	sst s8  }
0x58: {  	s10 =	sadd.s32 $0x866000, s20;
	[smem:$0x7EC] =	sst s9  }
0x59: {  	s11 =	sadd.s32 $0x898000, s20;
	[smem:$0x7ED] =	sst s10  }
0x5a: {  	s12 =	sadd.s32 $0x8CA000, s20;
	[smem:$0x7EE] =	sst s11  }
0x5b: {  	s13 =	sadd.s32 $0x8FC000, s20;
	[smem:$0x7EF] =	sst s12  }
0x5c: {  	s14 =	sadd.s32 $0x92E000, s20;
	[smem:$0x7F0] =	sst s13  }
0x5d: {  	s15 =	sadd.s32 $0x960000, s20;
	[smem:$0x7F1] =	sst s14  }
0x5e: {  	s16 =	sadd.s32 $0x992000, s20;
	[smem:$0x7F2] =	sst s15  }
0x5f: {  	s28 =	simm.s32 $0x3;
	s17 =	sadd.s32 $0x9C4000, s20;
	[smem:$0x7F3] =	sst s16  }
0x60: {  	s29 =	simm.s32 $0x0;
	s18 =	sadd.s32 $0x9F6000, s20;
	[smem:$0x7F4] =	sst s17  }
0x61: {  	p0 =	sgt.u32 s0, $0x13;
	s19 =	sadd.s32 $0xA28000, s20;
	[smem:$0x7F5] =	sst s18  }
0x62: {  	p1 =	sgt.u32 s0, $0x4;
	s22 =	sadd.s32 $0xA5A000, s20;
	[smem:$0x7F6] =	sst s19  }
0x63: {  	p2 =	sgt.u32 s0, $0x3;
	s23 =	sadd.s32 $0xA8C000, s20;
	[smem:$0x7F7] =	sst s22  }
0x64: {  	s21 =	smax.u32 s21, $0x1;
	s24 =	sadd.s32 $0xABE000, s20;
	[smem:$0x7F8] =	sst s23  }
0x65: {  	s25 =	sadd.s32 $0xAF0000, s20;
	s26 =	sadd.s32 $0xB22000, s20;
	[smem:$0x7F9] =	sst s24  }
0x66: {  	s30 =	sadd.s32 $0xB54000, s20;
	s31 =	sadd.s32 $0xB86000, s20;
	[smem:$0x7FA] =	sst s25  }
0x67: {  	s2 =	sadd.s32 $0xBB8000, s20;
	s3 =	sadd.s32 $0xBEA000, s20;
	[smem:$0x7FB] =	sst s26  }
0x68: {  	s4 =	sadd.s32 $0xC1C000, s20;
	s5 =	sadd.s32 $0xC4E000, s20;
	[smem:$0x7FC] =	sst s30  }
0x69: {  	s6 =	sadd.s32 $0xC80000, s20;
	s7 =	sadd.s32 $0xCB2000, s20;
	[smem:$0x7FD] =	sst s31  }
0x6a: {  	s8 =	sadd.s32 $0xCE4000, s20;
	s9 =	sadd.s32 $0xD16000, s20;
	s10 =	sadd.s32 $0xD48000, s20  }
0x6b: {  	s11 =	sadd.s32 $0xD7A000, s20;
	s12 =	sadd.s32 $0xDAC000, s20;
	s13 =	sadd.s32 $0xDDE000, s20  }
0x6c: {  	s14 =	sadd.s32 $0xE10000, s20;
	s15 =	sadd.s32 $0xE42000, s20;
	s16 =	sadd.s32 $0xE74000, s20  }
0x6d: {  	s17 =	sadd.s32 $0xEA6000, s20;
	s18 =	sadd.s32 $0xED8000, s20;
	s19 =	sadd.s32 $0xF0A000, s20  }
0x6e: {  	s20 =	sadd.s32 $0xF3C000, s20;
	s22 =	simm.s32 $0xC800;
	s23 =	simm.s32 $0x12C00  }
0x6f: {  	s24 =	simm.s32 $0x2;
	s25 =	simm.s32 $0x1;
	s26 =	simm.s32 $0x5  }
.LBB2_1:
0x70: {  	s0 =	sld [smem:$0x7BC];
	_ =	sdelay $0x2  }
0x71: {  	[tilespmem:s22], [sflag:$0x1] =	stream.linear.gather [hbm4b:s0+s1], $0x6400, $0x38;
	[tilespmem:$0x19000] =	vst v63  }
0x72: {  	_ =	swait.ge [sflag:s25], $0x6400  }
0x73: {  	s31 =	sld [smem:$0x7BF]  }
0x74: {  	[sflag:s25] =	ssyncset.done $0x0  }
0x75: {  	[sflag:s25] =	ssyncadd.s32 $0xFFFF9C00  }
0x76: {  	[hbm4b:s31+s1] =	stream.linear.scatter [tilespmem:s22], [sflag:$0x1], $0x6400, $0x38;
	[tilespmem:$0x19000] =	vst v63  }
0x77: {  	s31 =	rddreg [dreg:$0x5]  }
0x78: {  	[tilespmem:s23], [sflag:$0x2] =	stream.linear.gather [hbm4b:s31+s1], $0x6400, $0x38;
	[tilespmem:$0x19000] =	vst v63  }
0x79: {  	_ =	swait.ge [sflag:s24], $0x6400  }
0x7a: {  	[sflag:s24] =	ssyncset.done $0x0  }
0x7b: {  	s31 =	rddreg [dreg:$0x6];
	[sflag:s24] =	ssyncadd.s32 $0xFFFF9C00  }
0x7c: {  	[hbm4b:s31+s1] =	stream.linear.scatter [tilespmem:s23], [sflag:$0x2], $0x6400, $0x38;
	[tilespmem:$0x19000] =	vst v63  }
0x7d: {  	_ =	swait.ge [sflag:s25], $0x6400  }
0x7e: {  	[sflag:s25] =	ssyncset.done $0x0  }
0x7f: {  	s31 =	rddreg [dreg:$0x7];
	[sflag:s25] =	ssyncadd.s32 $0xFFFF9C00  }
0x80: {  	[tilespmem:s22], [sflag:$0x1] =	stream.linear.gather [hbm4b:s31+s1], $0x6400, $0x38;
	[tilespmem:$0x19000] =	vst v63  }
0x81: {  	_ =	swait.ge [sflag:s25], $0x6400  }
0x82: {  	[sflag:s25] =	ssyncset.done $0x0  }
0x83: {  	s31 =	rddreg [dreg:$0x8];
	[sflag:s25] =	ssyncadd.s32 $0xFFFF9C00  }
0x84: {  	[hbm4b:s31+s1] =	stream.linear.scatter [tilespmem:s22], [sflag:$0x1], $0x6400, $0x38;
	[tilespmem:$0x19000] =	vst v63  }
0x85: {  	_ =	swait.ge [sflag:s24], $0x6400  }
0x86: {  	[sflag:s24] =	ssyncset.done $0x0  }
0x87: {  	s31 =	rddreg [dreg:$0x9];
	[sflag:s24] =	ssyncadd.s32 $0xFFFF9C00  }
0x88: {  	[tilespmem:s23], [sflag:$0x2] =	stream.linear.gather [hbm4b:s31+s1], $0x6400, $0x38;
	[tilespmem:$0x19000] =	vst v63  }
0x89: {  	_ =	swait.ge [sflag:s24], $0x6400  }
0x8a: {  	[sflag:s24] =	ssyncset.done $0x0  }
0x8b: {  	s31 =	rddreg [dreg:$0xa];
	[sflag:s24] =	ssyncadd.s32 $0xFFFF9C00  }
0x8c: {  	[hbm4b:s31+s1] =	stream.linear.scatter [tilespmem:s23], [sflag:$0x2], $0x6400, $0x38;
	[tilespmem:$0x19000] =	vst v63  }
0x8d: {  	_ =	swait.ge [sflag:s25], $0x6400  }
0x8e: {  	[sflag:s25] =	ssyncset.done $0x0  }
0x8f: {  	s31 =	rddreg [dreg:$0xb];
	[sflag:s25] =	ssyncadd.s32 $0xFFFF9C00  }
0x90: {  	[tilespmem:s22], [sflag:$0x1] =	stream.linear.gather [hbm4b:s31+s1], $0x6400, $0x38;
	[tilespmem:$0x19000] =	vst v63  }
0x91: {  	_ =	swait.ge [sflag:s25], $0x6400  }
0x92: {  	[sflag:s25] =	ssyncset.done $0x0  }
0x93: {  	s31 =	rddreg [dreg:$0xc];
	[sflag:s25] =	ssyncadd.s32 $0xFFFF9C00  }
0x94: {  	[hbm4b:s31+s1] =	stream.linear.scatter [tilespmem:s22], [sflag:$0x1], $0x6400, $0x38;
	[tilespmem:$0x19000] =	vst v63  }
0x95: {  	_ =	swait.ge [sflag:s24], $0x6400  }
0x96: {  	[sflag:s24] =	ssyncset.done $0x0  }
0x97: {  	s31 =	rddreg [dreg:$0xd];
	[sflag:s24] =	ssyncadd.s32 $0xFFFF9C00  }
0x98: {  	[tilespmem:s23], [sflag:$0x2] =	stream.linear.gather [hbm4b:s31+s1], $0x6400, $0x38;
	[tilespmem:$0x19000] =	vst v63  }
0x99: {  	_ =	swait.ge [sflag:s24], $0x6400  }
0x9a: {  	[sflag:s24] =	ssyncset.done $0x0  }
0x9b: {  	s31 =	rddreg [dreg:$0xe];
	[sflag:s24] =	ssyncadd.s32 $0xFFFF9C00  }
0x9c: {  	[hbm4b:s31+s1] =	stream.linear.scatter [tilespmem:s23], [sflag:$0x2], $0x6400, $0x38;
	[tilespmem:$0x19000] =	vst v63  }
0x9d: {  	_ =	swait.ge [sflag:s25], $0x6400  }
0x9e: {  	[sflag:s25] =	ssyncset.done $0x0  }
0x9f: {  	s31 =	rddreg [dreg:$0xf];
	[sflag:s25] =	ssyncadd.s32 $0xFFFF9C00  }
0xa0: {  	[tilespmem:s22], [sflag:$0x1] =	stream.linear.gather [hbm4b:s31+s1], $0x6400, $0x38;
	[tilespmem:$0x19000] =	vst v63  }
0xa1: {  	_ =	swait.ge [sflag:s25], $0x6400  }
0xa2: {  	[sflag:s25] =	ssyncset.done $0x0  }
0xa3: {  	s31 =	rddreg [dreg:$0x10];
	[sflag:s25] =	ssyncadd.s32 $0xFFFF9C00  }
0xa4: {  	[hbm4b:s31+s1] =	stream.linear.scatter [tilespmem:s22], [sflag:$0x1], $0x6400, $0x38;
	[tilespmem:$0x19000] =	vst v63  }
0xa5: {  	_ =	swait.ge [sflag:s24], $0x6400  }
0xa6: {  	[sflag:s24] =	ssyncset.done $0x0  }
0xa7: {  	s31 =	rddreg [dreg:$0x11];
	[sflag:s24] =	ssyncadd.s32 $0xFFFF9C00  }
0xa8: {  	[tilespmem:s23], [sflag:$0x2] =	stream.linear.gather [hbm4b:s31+s1], $0x6400, $0x38;
	[tilespmem:$0x19000] =	vst v63  }
0xa9: {  	_ =	swait.ge [sflag:s24], $0x6400  }
0xaa: {  	[sflag:s24] =	ssyncset.done $0x0  }
0xab: {  	s31 =	rddreg [dreg:$0x12];
	[sflag:s24] =	ssyncadd.s32 $0xFFFF9C00  }
0xac: {  	[hbm4b:s31+s1] =	stream.linear.scatter [tilespmem:s23], [sflag:$0x2], $0x6400, $0x38;
	[tilespmem:$0x19000] =	vst v63  }
0xad: {  	_ =	swait.ge [sflag:s25], $0x6400  }
0xae: {  	[sflag:s25] =	ssyncset.done $0x0  }
0xaf: {  	s31 =	rddreg [dreg:$0x13];
	[sflag:s25] =	ssyncadd.s32 $0xFFFF9C00  }
0xb0: {  	[tilespmem:s22], [sflag:$0x1] =	stream.linear.gather [hbm4b:s31+s1], $0x6400, $0x38;
	[tilespmem:$0x19000] =	vst v63  }
0xb1: {  	_ =	swait.ge [sflag:s25], $0x6400  }
0xb2: {  	[sflag:s25] =	ssyncset.done $0x0  }
0xb3: {  	s31 =	rddreg [dreg:$0x14];
	[sflag:s25] =	ssyncadd.s32 $0xFFFF9C00  }
0xb4: {  	[hbm4b:s31+s1] =	stream.linear.scatter [tilespmem:s22], [sflag:$0x1], $0x6400, $0x38;
	[tilespmem:$0x19000] =	vst v63  }
0xb5: {  	_ =	swait.ge [sflag:s24], $0x6400  }
0xb6: {  	[sflag:s24] =	ssyncset.done $0x0  }
0xb7: {  	s31 =	rddreg [dreg:$0x15];
	[sflag:s24] =	ssyncadd.s32 $0xFFFF9C00  }
0xb8: {  	[tilespmem:s23], [sflag:$0x2] =	stream.linear.gather [hbm4b:s31+s1], $0x6400, $0x38;
	[tilespmem:$0x19000] =	vst v63  }
0xb9: {  	_ =	swait.ge [sflag:s24], $0x6400  }
0xba: {  	[sflag:s24] =	ssyncset.done $0x0  }
0xbb: {  	s31 =	rddreg [dreg:$0x16];
	[sflag:s24] =	ssyncadd.s32 $0xFFFF9C00  }
0xbc: {  	[hbm4b:s31+s1] =	stream.linear.scatter [tilespmem:s23], [sflag:$0x2], $0x6400, $0x38;
	[tilespmem:$0x19000] =	vst v63  }
0xbd: {  	_ =	swait.ge [sflag:s25], $0x6400  }
0xbe: {  	[sflag:s25] =	ssyncset.done $0x0  }
0xbf: {  	s31 =	rddreg [dreg:$0x17];
	[sflag:s25] =	ssyncadd.s32 $0xFFFF9C00  }
0xc0: {  	[tilespmem:s22], [sflag:$0x1] =	stream.linear.gather [hbm4b:s31+s1], $0x6400, $0x38;
	[tilespmem:$0x19000] =	vst v63  }
0xc1: {  	_ =	swait.ge [sflag:s25], $0x6400  }
0xc2: {  	[sflag:s25] =	ssyncset.done $0x0  }
0xc3: {  	s31 =	rddreg [dreg:$0x18];
	[sflag:s25] =	ssyncadd.s32 $0xFFFF9C00  }
0xc4: {  	[hbm4b:s31+s1] =	stream.linear.scatter [tilespmem:s22], [sflag:$0x1], $0x6400, $0x38;
	[tilespmem:$0x19000] =	vst v63  }
0xc5: {  	_ =	swait.ge [sflag:s24], $0x6400  }
0xc6: {  	[sflag:s24] =	ssyncset.done $0x0  }
0xc7: {  	s31 =	rddreg [dreg:$0x19];
	[sflag:s24] =	ssyncadd.s32 $0xFFFF9C00  }
0xc8: {  	[tilespmem:s23], [sflag:$0x2] =	stream.linear.gather [hbm4b:s31+s1], $0x6400, $0x38;
	[tilespmem:$0x19000] =	vst v63  }
0xc9: {  	_ =	swait.ge [sflag:s24], $0x6400  }
0xca: {  	[sflag:s24] =	ssyncset.done $0x0  }
0xcb: {  	s31 =	rddreg [dreg:$0x1a];
	[sflag:s24] =	ssyncadd.s32 $0xFFFF9C00  }
0xcc: {  	[hbm4b:s31+s1] =	stream.linear.scatter [tilespmem:s23], [sflag:$0x2], $0x6400, $0x38;
	[tilespmem:$0x19000] =	vst v63  }
0xcd: {  	_ =	swait.ge [sflag:s25], $0x6400  }
0xce: {  	[sflag:s25] =	ssyncset.done $0x0  }
0xcf: {  	s31 =	rddreg [dreg:$0x1b];
	[sflag:s25] =	ssyncadd.s32 $0xFFFF9C00  }
0xd0: {  	[tilespmem:s22], [sflag:$0x1] =	stream.linear.gather [hbm4b:s31+s1], $0x6400, $0x38;
	[tilespmem:$0x19000] =	vst v63  }
0xd1: {  	_ =	swait.ge [sflag:s25], $0x6400  }
0xd2: {  	[sflag:s25] =	ssyncset.done $0x0  }
0xd3: {  	s31 =	rddreg [dreg:$0x1c];
	[sflag:s25] =	ssyncadd.s32 $0xFFFF9C00  }
0xd4: {  	[hbm4b:s31+s1] =	stream.linear.scatter [tilespmem:s22], [sflag:$0x1], $0x6400, $0x38;
	[tilespmem:$0x19000] =	vst v63  }
0xd5: {  	_ =	swait.ge [sflag:s24], $0x6400  }
0xd6: {  	[sflag:s24] =	ssyncset.done $0x0  }
0xd7: {  	s31 =	rddreg [dreg:$0x1d];
	[sflag:s24] =	ssyncadd.s32 $0xFFFF9C00  }
0xd8: {  	[tilespmem:s23], [sflag:$0x2] =	stream.linear.gather [hbm4b:s31+s1], $0x6400, $0x38;
	[tilespmem:$0x19000] =	vst v63  }
0xd9: {  	_ =	swait.ge [sflag:s24], $0x6400  }
0xda: {  	[sflag:s24] =	ssyncset.done $0x0  }
0xdb: {  	s31 =	rddreg [dreg:$0x1e];
	[sflag:s24] =	ssyncadd.s32 $0xFFFF9C00  }
0xdc: {  	[hbm4b:s31+s1] =	stream.linear.scatter [tilespmem:s23], [sflag:$0x2], $0x6400, $0x38;
	[tilespmem:$0x19000] =	vst v63  }
0xdd: {  	_ =	swait.ge [sflag:s25], $0x6400  }
0xde: {  	[sflag:s25] =	ssyncset.done $0x0  }
0xdf: {  	s31 =	rddreg [dreg:$0x1f];
	[sflag:s25] =	ssyncadd.s32 $0xFFFF9C00  }
0xe0: {  	[tilespmem:s22], [sflag:$0x1] =	stream.linear.gather [hbm4b:s31+s1], $0x6400, $0x38;
	[tilespmem:$0x19000] =	vst v63  }
0xe1: {  	_ =	swait.ge [sflag:s25], $0x6400  }
0xe2: {  	s31 =	sld [smem:$0x7BB]  }
0xe3: {  	[sflag:s25] =	ssyncset.done $0x0  }
.Ltmp0:
0xe4: {  	[sflag:s25] =	ssyncadd.s32 $0xFFFF9C00;
	(pc) =	sbr.rel @p0 .LBB2_4-.Ltmp0, $4  }
0xe5: {  	[hbm4b:s31+s1] =	stream.linear.scatter [tilespmem:s22], [sflag:$0x1], $0x6400, $0x38;
	[tilespmem:$0x19000] =	vst v63  }
0xe6: {  	_ =	swait.ge [sflag:s24], $0x6400  }
0xe7: {  	[sflag:s24] =	ssyncset.done $0x0  }
0xe8: {  	s30 =	simm.s32 $0x1;
	[sflag:s24] =	ssyncadd.s32 $0xFFFF9C00  }
0xe9: {  	s0 =	sld [smem:$0x7BD];
	_ =	sdelay $0x2  }
0xea: {  	[tilespmem:s23], [sflag:$0x2] =	stream.linear.gather [hbm4b:s0+s1], $0x6400, $0x38;
	[tilespmem:$0x19000] =	vst v63  }
0xeb: {  	_ =	swait.ge [sflag:s24], $0x6400  }
0xec: {  	s31 =	sld [smem:$0x7BE]  }
0xed: {  	[sflag:s24] =	ssyncset.done $0x0  }
0xee: {  	[sflag:s24] =	ssyncadd.s32 $0xFFFF9C00  }
0xef: {  	[hbm4b:s31+s1] =	stream.linear.scatter [tilespmem:s23], [sflag:$0x2], $0x6400, $0x38;
	[tilespmem:$0x19000] =	vst v63  }
0xf0: {  	_ =	swait.ge [sflag:s24], $0x6400  }
.Ltmp1:
0xf1: {  	[sflag:s24] =	ssyncset.done $0x0;
	(pc) =	sbr.rel @p1 .LBB2_5-.Ltmp1, $4  }
0xf2: {  	[sflag:s24] =	ssyncadd.s32 $0xFFFF9C00  }
0xf3: {  	_ =	swait.ge [sflag:s25], $0x6400  }
0xf4: {  	[sflag:s25] =	ssyncset.done $0x0  }
0xf5: {  	[sflag:s25] =	ssyncadd.s32 $0xFFFF9C00  }
0xf6: {  	s0 =	sld [smem:$0x7C0];
	_ =	sdelay $0x1  }
0xf7: {  	s30 =	simm.s32 $0x4  }
0xf8: {  	[tilespmem:s22], [sflag:$0x4] =	stream.linear.gather [hbm4b:s0+s1], $0x6400, $0x38;
	[tilespmem:$0x19000] =	vst v63  }
0xf9: {  	_ =	swait.ge [sflag:s30], $0x6400  }
0xfa: {  	s31 =	sld [smem:$0x7D1]  }
0xfb: {  	[sflag:s30] =	ssyncset.done $0x0  }
0xfc: {  	[sflag:s30] =	ssyncadd.s32 $0xFFFF9C00  }
0xfd: {  	[hbm4b:s31+s1] =	stream.linear.scatter [tilespmem:s22], [sflag:$0x4], $0x6400, $0x38;
	[tilespmem:$0x19000] =	vst v63  }
.LBB2_4:
0xfe: {  	_ =	swait.ge [sflag:s30], $0x6400  }
0xff: {  	[sflag:s30] =	ssyncset.done $0x0  }
0x100: {  	[sflag:s30] =	ssyncadd.s32 $0xFFFF9C00  }
.LBB2_5:
0x101: {  	s0 =	rddreg [dreg:$0x2]  }
0x102: {  	[tilespmem:s1], [sflag:$0x5] =	stream.linear.gather [hbm4b:s0+s1], $0x80, $0x38;
	[tilespmem:$0x19000] =	vst v63  }
0x103: {  	_ =	swait.ge [sflag:s26], $0x80  }
0x104: {  	[sflag:s26] =	ssyncset.done $0x0  }
0x105: {  	[sflag:s26] =	ssyncadd.s32 $0xFFFFFF80  }
0x106: {  	v3 =	vld [tilespmem:$0x30]  }
0x107: {  	v2 =	vld [tilespmem:$0x20]  }
0x108: {  	v0 =	vld [tilespmem:$0x0]  }
0x109: {  	v1 =	vld [tilespmem:$0x10]  }
0x10a: {  	s31 =	simm.s32 $0xFFFCE400;
	s30 =	simm.s32 $0xFFFF3880  }
.LBB2_6:
0x10b: {  	p3 =	sne.s32 s31, $0xFFFFFE00;
	[tilespmem:s30+$0xC830] =	vst v3;
	s0 =	smov.u32 s31;
	s31 =	sadd.s32 $0x200, s31  }
.Ltmp2:
0x10c: {  	[tilespmem:s30+$0xC820] =	vst v2;
	(pc) =	sbr.rel @p3 .LBB2_6-.Ltmp2, $3  }
0x10d: {  	[tilespmem:s30+$0xC800] =	vst v0  }
0x10e: {  	[tilespmem:s30+$0xC810] =	vst v1;
	_ =	sdelay $0x1  }
0x10f: {  	s30 =	sshra.s32 s0, $0x2  }
0x110: {  	[tilespmem:s30+$0xC830] =	vst v3  }
0x111: {  	[tilespmem:s30+$0xC820] =	vst v2;
	s0 =	sld [smem:$0x7C1]  }
0x112: {  	[tilespmem:s30+$0xC800] =	vst v0  }
0x113: {  	[tilespmem:s30+$0xC810] =	vst v1;
	s31 =	sld [smem:$0x7C2]  }
0x114: {  	[hbm4b:s0+s1] =	stream.linear.scatter [tilespmem:s1], [sflag:$0x3], $0xC800, $0x38;
	[tilespmem:$0x19000] =	vst v63  }
0x115: {  	s30 =	sld [smem:$0x7C3]  }
0x116: {  	[hbm4b:s31+s1] =	stream.linear.scatter [tilespmem:s1], [sflag:$0x3], $0xC800, $0x38;
	[tilespmem:$0x19000] =	vst v63  }
0x117: {  	s31 =	sld [smem:$0x7C4]  }
0x118: {  	[hbm4b:s30+s1] =	stream.linear.scatter [tilespmem:s1], [sflag:$0x3], $0xC800, $0x38;
	[tilespmem:$0x19000] =	vst v63  }
0x119: {  	s30 =	sld [smem:$0x7C5]  }
0x11a: {  	[hbm4b:s31+s1] =	stream.linear.scatter [tilespmem:s1], [sflag:$0x3], $0xC800, $0x38;
	[tilespmem:$0x19000] =	vst v63  }
0x11b: {  	s31 =	sld [smem:$0x7C6]  }
0x11c: {  	[hbm4b:s30+s1] =	stream.linear.scatter [tilespmem:s1], [sflag:$0x3], $0xC800, $0x38;
	[tilespmem:$0x19000] =	vst v63  }
0x11d: {  	s30 =	sld [smem:$0x7C7]  }
0x11e: {  	[hbm4b:s31+s1] =	stream.linear.scatter [tilespmem:s1], [sflag:$0x3], $0xC800, $0x38;
	[tilespmem:$0x19000] =	vst v63  }
0x11f: {  	s31 =	sld [smem:$0x7C8]  }
0x120: {  	[hbm4b:s30+s1] =	stream.linear.scatter [tilespmem:s1], [sflag:$0x3], $0xC800, $0x38;
	[tilespmem:$0x19000] =	vst v63  }
0x121: {  	s30 =	sld [smem:$0x7C9]  }
0x122: {  	[hbm4b:s31+s1] =	stream.linear.scatter [tilespmem:s1], [sflag:$0x3], $0xC800, $0x38;
	[tilespmem:$0x19000] =	vst v63  }
0x123: {  	s31 =	sld [smem:$0x7CA]  }
0x124: {  	[hbm4b:s30+s1] =	stream.linear.scatter [tilespmem:s1], [sflag:$0x3], $0xC800, $0x38;
	[tilespmem:$0x19000] =	vst v63  }
0x125: {  	s30 =	sld [smem:$0x7CB]  }
0x126: {  	[hbm4b:s31+s1] =	stream.linear.scatter [tilespmem:s1], [sflag:$0x3], $0xC800, $0x38;
	[tilespmem:$0x19000] =	vst v63  }
0x127: {  	s31 =	sld [smem:$0x7CC]  }
0x128: {  	[hbm4b:s30+s1] =	stream.linear.scatter [tilespmem:s1], [sflag:$0x3], $0xC800, $0x38;
	[tilespmem:$0x19000] =	vst v63  }
0x129: {  	s30 =	sld [smem:$0x7CD]  }
0x12a: {  	[hbm4b:s31+s1] =	stream.linear.scatter [tilespmem:s1], [sflag:$0x3], $0xC800, $0x38;
	[tilespmem:$0x19000] =	vst v63  }
0x12b: {  	s31 =	sld [smem:$0x7CE]  }
0x12c: {  	[hbm4b:s30+s1] =	stream.linear.scatter [tilespmem:s1], [sflag:$0x3], $0xC800, $0x38;
	[tilespmem:$0x19000] =	vst v63  }
0x12d: {  	s30 =	sld [smem:$0x7CF]  }
0x12e: {  	[hbm4b:s31+s1] =	stream.linear.scatter [tilespmem:s1], [sflag:$0x3], $0xC800, $0x38;
	[tilespmem:$0x19000] =	vst v63  }
0x12f: {  	s31 =	sld [smem:$0x7D0]  }
0x130: {  	[hbm4b:s30+s1] =	stream.linear.scatter [tilespmem:s1], [sflag:$0x3], $0xC800, $0x38;
	[tilespmem:$0x19000] =	vst v63  }
0x131: {  	s30 =	sld [smem:$0x7D2]  }
0x132: {  	[hbm4b:s31+s1] =	stream.linear.scatter [tilespmem:s1], [sflag:$0x3], $0xC800, $0x38;
	[tilespmem:$0x19000] =	vst v63  }
0x133: {  	s31 =	sld [smem:$0x7D3]  }
0x134: {  	[hbm4b:s30+s1] =	stream.linear.scatter [tilespmem:s1], [sflag:$0x3], $0xC800, $0x38;
	[tilespmem:$0x19000] =	vst v63  }
0x135: {  	s30 =	sld [smem:$0x7D4]  }
0x136: {  	[hbm4b:s31+s1] =	stream.linear.scatter [tilespmem:s1], [sflag:$0x3], $0xC800, $0x38;
	[tilespmem:$0x19000] =	vst v63  }
0x137: {  	s31 =	sld [smem:$0x7D5]  }
0x138: {  	[hbm4b:s30+s1] =	stream.linear.scatter [tilespmem:s1], [sflag:$0x3], $0xC800, $0x38;
	[tilespmem:$0x19000] =	vst v63  }
0x139: {  	s30 =	sld [smem:$0x7D6]  }
0x13a: {  	[hbm4b:s31+s1] =	stream.linear.scatter [tilespmem:s1], [sflag:$0x3], $0xC800, $0x38;
	[tilespmem:$0x19000] =	vst v63  }
0x13b: {  	s31 =	sld [smem:$0x7D7]  }
0x13c: {  	[hbm4b:s30+s1] =	stream.linear.scatter [tilespmem:s1], [sflag:$0x3], $0xC800, $0x38;
	[tilespmem:$0x19000] =	vst v63  }
0x13d: {  	s30 =	sld [smem:$0x7D8]  }
0x13e: {  	[hbm4b:s31+s1] =	stream.linear.scatter [tilespmem:s1], [sflag:$0x3], $0xC800, $0x38;
	[tilespmem:$0x19000] =	vst v63  }
0x13f: {  	s31 =	sld [smem:$0x7D9]  }
0x140: {  	[hbm4b:s30+s1] =	stream.linear.scatter [tilespmem:s1], [sflag:$0x3], $0xC800, $0x38;
	[tilespmem:$0x19000] =	vst v63  }
0x141: {  	s30 =	sld [smem:$0x7DA]  }
0x142: {  	[hbm4b:s31+s1] =	stream.linear.scatter [tilespmem:s1], [sflag:$0x3], $0xC800, $0x38;
	[tilespmem:$0x19000] =	vst v63  }
0x143: {  	s31 =	sld [smem:$0x7DB]  }
0x144: {  	[hbm4b:s30+s1] =	stream.linear.scatter [tilespmem:s1], [sflag:$0x3], $0xC800, $0x38;
	[tilespmem:$0x19000] =	vst v63  }
0x145: {  	s30 =	sld [smem:$0x7DC]  }
0x146: {  	[hbm4b:s31+s1] =	stream.linear.scatter [tilespmem:s1], [sflag:$0x3], $0xC800, $0x38;
	[tilespmem:$0x19000] =	vst v63  }
0x147: {  	s31 =	sld [smem:$0x7DD]  }
0x148: {  	[hbm4b:s30+s1] =	stream.linear.scatter [tilespmem:s1], [sflag:$0x3], $0xC800, $0x38;
	[tilespmem:$0x19000] =	vst v63  }
0x149: {  	s30 =	sld [smem:$0x7DE]  }
0x14a: {  	[hbm4b:s31+s1] =	stream.linear.scatter [tilespmem:s1], [sflag:$0x3], $0xC800, $0x38;
	[tilespmem:$0x19000] =	vst v63  }
0x14b: {  	s31 =	sld [smem:$0x7DF]  }
0x14c: {  	[hbm4b:s30+s1] =	stream.linear.scatter [tilespmem:s1], [sflag:$0x3], $0xC800, $0x38;
	[tilespmem:$0x19000] =	vst v63  }
0x14d: {  	s30 =	sld [smem:$0x7E0]  }
0x14e: {  	[hbm4b:s31+s1] =	stream.linear.scatter [tilespmem:s1], [sflag:$0x3], $0xC800, $0x38;
	[tilespmem:$0x19000] =	vst v63  }
0x14f: {  	s31 =	sld [smem:$0x7E1]  }
0x150: {  	[hbm4b:s30+s1] =	stream.linear.scatter [tilespmem:s1], [sflag:$0x3], $0xC800, $0x38;
	[tilespmem:$0x19000] =	vst v63  }
0x151: {  	s30 =	sld [smem:$0x7E2]  }
0x152: {  	[hbm4b:s31+s1] =	stream.linear.scatter [tilespmem:s1], [sflag:$0x3], $0xC800, $0x38;
	[tilespmem:$0x19000] =	vst v63  }
0x153: {  	s31 =	sld [smem:$0x7E3]  }
0x154: {  	[hbm4b:s30+s1] =	stream.linear.scatter [tilespmem:s1], [sflag:$0x3], $0xC800, $0x38;
	[tilespmem:$0x19000] =	vst v63  }
0x155: {  	s30 =	sld [smem:$0x7E4]  }
0x156: {  	[hbm4b:s31+s1] =	stream.linear.scatter [tilespmem:s1], [sflag:$0x3], $0xC800, $0x38;
	[tilespmem:$0x19000] =	vst v63  }
0x157: {  	s31 =	sld [smem:$0x7E5]  }
0x158: {  	[hbm4b:s30+s1] =	stream.linear.scatter [tilespmem:s1], [sflag:$0x3], $0xC800, $0x38;
	[tilespmem:$0x19000] =	vst v63  }
0x159: {  	s30 =	sld [smem:$0x7E6]  }
0x15a: {  	[hbm4b:s31+s1] =	stream.linear.scatter [tilespmem:s1], [sflag:$0x3], $0xC800, $0x38;
	[tilespmem:$0x19000] =	vst v63  }
0x15b: {  	s31 =	sld [smem:$0x7E7]  }
0x15c: {  	[hbm4b:s30+s1] =	stream.linear.scatter [tilespmem:s1], [sflag:$0x3], $0xC800, $0x38;
	[tilespmem:$0x19000] =	vst v63  }
0x15d: {  	s30 =	sld [smem:$0x7E8]  }
0x15e: {  	[hbm4b:s31+s1] =	stream.linear.scatter [tilespmem:s1], [sflag:$0x3], $0xC800, $0x38;
	[tilespmem:$0x19000] =	vst v63  }
0x15f: {  	s31 =	sld [smem:$0x7E9]  }
0x160: {  	[hbm4b:s30+s1] =	stream.linear.scatter [tilespmem:s1], [sflag:$0x3], $0xC800, $0x38;
	[tilespmem:$0x19000] =	vst v63  }
0x161: {  	s30 =	sld [smem:$0x7EA]  }
0x162: {  	[hbm4b:s31+s1] =	stream.linear.scatter [tilespmem:s1], [sflag:$0x3], $0xC800, $0x38;
	[tilespmem:$0x19000] =	vst v63  }
0x163: {  	s31 =	sld [smem:$0x7EB]  }
0x164: {  	[hbm4b:s30+s1] =	stream.linear.scatter [tilespmem:s1], [sflag:$0x3], $0xC800, $0x38;
	[tilespmem:$0x19000] =	vst v63  }
0x165: {  	s30 =	sld [smem:$0x7EC]  }
0x166: {  	[hbm4b:s31+s1] =	stream.linear.scatter [tilespmem:s1], [sflag:$0x3], $0xC800, $0x38;
	[tilespmem:$0x19000] =	vst v63  }
0x167: {  	s31 =	sld [smem:$0x7ED]  }
0x168: {  	[hbm4b:s30+s1] =	stream.linear.scatter [tilespmem:s1], [sflag:$0x3], $0xC800, $0x38;
	[tilespmem:$0x19000] =	vst v63  }
0x169: {  	s30 =	sld [smem:$0x7EE]  }
0x16a: {  	[hbm4b:s31+s1] =	stream.linear.scatter [tilespmem:s1], [sflag:$0x3], $0xC800, $0x38;
	[tilespmem:$0x19000] =	vst v63  }
0x16b: {  	s31 =	sld [smem:$0x7EF]  }
0x16c: {  	[hbm4b:s30+s1] =	stream.linear.scatter [tilespmem:s1], [sflag:$0x3], $0xC800, $0x38;
	[tilespmem:$0x19000] =	vst v63  }
0x16d: {  	s30 =	sld [smem:$0x7F0]  }
0x16e: {  	[hbm4b:s31+s1] =	stream.linear.scatter [tilespmem:s1], [sflag:$0x3], $0xC800, $0x38;
	[tilespmem:$0x19000] =	vst v63  }
0x16f: {  	s31 =	sld [smem:$0x7F1]  }
0x170: {  	[hbm4b:s30+s1] =	stream.linear.scatter [tilespmem:s1], [sflag:$0x3], $0xC800, $0x38;
	[tilespmem:$0x19000] =	vst v63  }
0x171: {  	s30 =	sld [smem:$0x7F2]  }
0x172: {  	[hbm4b:s31+s1] =	stream.linear.scatter [tilespmem:s1], [sflag:$0x3], $0xC800, $0x38;
	[tilespmem:$0x19000] =	vst v63  }
0x173: {  	s31 =	sld [smem:$0x7F3]  }
0x174: {  	[hbm4b:s30+s1] =	stream.linear.scatter [tilespmem:s1], [sflag:$0x3], $0xC800, $0x38;
	[tilespmem:$0x19000] =	vst v63  }
0x175: {  	s30 =	sld [smem:$0x7F4]  }
0x176: {  	[hbm4b:s31+s1] =	stream.linear.scatter [tilespmem:s1], [sflag:$0x3], $0xC800, $0x38;
	[tilespmem:$0x19000] =	vst v63  }
0x177: {  	s31 =	sld [smem:$0x7F5]  }
0x178: {  	[hbm4b:s30+s1] =	stream.linear.scatter [tilespmem:s1], [sflag:$0x3], $0xC800, $0x38;
	[tilespmem:$0x19000] =	vst v63  }
0x179: {  	s30 =	sld [smem:$0x7F6]  }
0x17a: {  	[hbm4b:s31+s1] =	stream.linear.scatter [tilespmem:s1], [sflag:$0x3], $0xC800, $0x38;
	[tilespmem:$0x19000] =	vst v63  }
0x17b: {  	s31 =	sld [smem:$0x7F7]  }
0x17c: {  	[hbm4b:s30+s1] =	stream.linear.scatter [tilespmem:s1], [sflag:$0x3], $0xC800, $0x38;
	[tilespmem:$0x19000] =	vst v63  }
0x17d: {  	s30 =	sld [smem:$0x7F8]  }
0x17e: {  	[hbm4b:s31+s1] =	stream.linear.scatter [tilespmem:s1], [sflag:$0x3], $0xC800, $0x38;
	[tilespmem:$0x19000] =	vst v63  }
0x17f: {  	s31 =	sld [smem:$0x7F9]  }
0x180: {  	[hbm4b:s30+s1] =	stream.linear.scatter [tilespmem:s1], [sflag:$0x3], $0xC800, $0x38;
	[tilespmem:$0x19000] =	vst v63  }
0x181: {  	s30 =	sld [smem:$0x7FA]  }
0x182: {  	[hbm4b:s31+s1] =	stream.linear.scatter [tilespmem:s1], [sflag:$0x3], $0xC800, $0x38;
	[tilespmem:$0x19000] =	vst v63  }
0x183: {  	s31 =	sld [smem:$0x7FB]  }
0x184: {  	[hbm4b:s30+s1] =	stream.linear.scatter [tilespmem:s1], [sflag:$0x3], $0xC800, $0x38;
	[tilespmem:$0x19000] =	vst v63  }
0x185: {  	s30 =	sld [smem:$0x7FC]  }
0x186: {  	[hbm4b:s31+s1] =	stream.linear.scatter [tilespmem:s1], [sflag:$0x3], $0xC800, $0x38;
	[tilespmem:$0x19000] =	vst v63  }
0x187: {  	s31 =	sld [smem:$0x7FD]  }
0x188: {  	[hbm4b:s30+s1] =	stream.linear.scatter [tilespmem:s1], [sflag:$0x3], $0xC800, $0x38;
	[tilespmem:$0x19000] =	vst v63  }
0x189: {  	_ = 	snop  }
0x18a: {  	[hbm4b:s31+s1] =	stream.linear.scatter [tilespmem:s1], [sflag:$0x3], $0xC800, $0x38;
	[tilespmem:$0x19000] =	vst v63  }
0x18b: {  	_ = 	snop  }
0x18c: {  	[hbm4b:s2+s1] =	stream.linear.scatter [tilespmem:s1], [sflag:$0x3], $0xC800, $0x38;
	[tilespmem:$0x19000] =	vst v63  }
0x18d: {  	_ = 	snop  }
0x18e: {  	[hbm4b:s3+s1] =	stream.linear.scatter [tilespmem:s1], [sflag:$0x3], $0xC800, $0x38;
	[tilespmem:$0x19000] =	vst v63  }
0x18f: {  	_ = 	snop  }
0x190: {  	[hbm4b:s4+s1] =	stream.linear.scatter [tilespmem:s1], [sflag:$0x3], $0xC800, $0x38;
	[tilespmem:$0x19000] =	vst v63  }
0x191: {  	_ = 	snop  }
0x192: {  	[hbm4b:s5+s1] =	stream.linear.scatter [tilespmem:s1], [sflag:$0x3], $0xC800, $0x38;
	[tilespmem:$0x19000] =	vst v63  }
0x193: {  	_ = 	snop  }
0x194: {  	[hbm4b:s6+s1] =	stream.linear.scatter [tilespmem:s1], [sflag:$0x3], $0xC800, $0x38;
	[tilespmem:$0x19000] =	vst v63  }
0x195: {  	_ = 	snop  }
0x196: {  	[hbm4b:s7+s1] =	stream.linear.scatter [tilespmem:s1], [sflag:$0x3], $0xC800, $0x38;
	[tilespmem:$0x19000] =	vst v63  }
0x197: {  	_ = 	snop  }
0x198: {  	[hbm4b:s8+s1] =	stream.linear.scatter [tilespmem:s1], [sflag:$0x3], $0xC800, $0x38;
	[tilespmem:$0x19000] =	vst v63  }
0x199: {  	_ = 	snop  }
0x19a: {  	[hbm4b:s9+s1] =	stream.linear.scatter [tilespmem:s1], [sflag:$0x3], $0xC800, $0x38;
	[tilespmem:$0x19000] =	vst v63  }
0x19b: {  	_ = 	snop  }
0x19c: {  	[hbm4b:s10+s1] =	stream.linear.scatter [tilespmem:s1], [sflag:$0x3], $0xC800, $0x38;
	[tilespmem:$0x19000] =	vst v63  }
0x19d: {  	_ = 	snop  }
0x19e: {  	[hbm4b:s11+s1] =	stream.linear.scatter [tilespmem:s1], [sflag:$0x3], $0xC800, $0x38;
	[tilespmem:$0x19000] =	vst v63  }
0x19f: {  	_ = 	snop  }
0x1a0: {  	[hbm4b:s12+s1] =	stream.linear.scatter [tilespmem:s1], [sflag:$0x3], $0xC800, $0x38;
	[tilespmem:$0x19000] =	vst v63  }
0x1a1: {  	_ = 	snop  }
0x1a2: {  	[hbm4b:s13+s1] =	stream.linear.scatter [tilespmem:s1], [sflag:$0x3], $0xC800, $0x38;
	[tilespmem:$0x19000] =	vst v63  }
0x1a3: {  	_ = 	snop  }
0x1a4: {  	[hbm4b:s14+s1] =	stream.linear.scatter [tilespmem:s1], [sflag:$0x3], $0xC800, $0x38;
	[tilespmem:$0x19000] =	vst v63  }
0x1a5: {  	_ = 	snop  }
0x1a6: {  	[hbm4b:s15+s1] =	stream.linear.scatter [tilespmem:s1], [sflag:$0x3], $0xC800, $0x38;
	[tilespmem:$0x19000] =	vst v63  }
0x1a7: {  	_ = 	snop  }
0x1a8: {  	[hbm4b:s16+s1] =	stream.linear.scatter [tilespmem:s1], [sflag:$0x3], $0xC800, $0x38;
	[tilespmem:$0x19000] =	vst v63  }
0x1a9: {  	_ = 	snop  }
0x1aa: {  	[hbm4b:s17+s1] =	stream.linear.scatter [tilespmem:s1], [sflag:$0x3], $0xC800, $0x38;
	[tilespmem:$0x19000] =	vst v63  }
0x1ab: {  	_ = 	snop  }
0x1ac: {  	[hbm4b:s18+s1] =	stream.linear.scatter [tilespmem:s1], [sflag:$0x3], $0xC800, $0x38;
	[tilespmem:$0x19000] =	vst v63  }
0x1ad: {  	_ = 	snop  }
0x1ae: {  	[hbm4b:s19+s1] =	stream.linear.scatter [tilespmem:s1], [sflag:$0x3], $0xC800, $0x38;
	[tilespmem:$0x19000] =	vst v63  }
0x1af: {  	s0 =	simm.s32 @!p2 $0x0  }
0x1b0: {  	[hbm4b:s20+s0] =	stream.linear.scatter @!p2 [tilespmem:s0], [sflag:$0x3], $0xC800, $0x38;
	[tilespmem:$0x19000] =	vst v63  }
0x1b1: {  	_ =	swait.ge [sflag:s28], $0xC800  }
0x1b2: {  	[sflag:s28] =	ssyncset.done $0x0  }
0x1b3: {  	[sflag:s28] =	ssyncadd.s32 $0xFFFF3800  }
0x1b4: {  	_ =	swait.ge [sflag:s28], $0xC800  }
0x1b5: {  	[sflag:s28] =	ssyncset.done $0x0  }
0x1b6: {  	[sflag:s28] =	ssyncadd.s32 $0xFFFF3800  }
0x1b7: {  	_ =	swait.ge [sflag:s28], $0xC800  }
0x1b8: {  	[sflag:s28] =	ssyncset.done $0x0  }
0x1b9: {  	[sflag:s28] =	ssyncadd.s32 $0xFFFF3800  }
0x1ba: {  	_ =	swait.ge [sflag:s28], $0xC800  }
0x1bb: {  	[sflag:s28] =	ssyncset.done $0x0  }
0x1bc: {  	[sflag:s28] =	ssyncadd.s32 $0xFFFF3800  }
0x1bd: {  	_ =	swait.ge [sflag:s28], $0xC800  }
0x1be: {  	[sflag:s28] =	ssyncset.done $0x0  }
0x1bf: {  	[sflag:s28] =	ssyncadd.s32 $0xFFFF3800  }
0x1c0: {  	_ =	swait.ge [sflag:s28], $0xC800  }
0x1c1: {  	[sflag:s28] =	ssyncset.done $0x0  }
0x1c2: {  	[sflag:s28] =	ssyncadd.s32 $0xFFFF3800  }
0x1c3: {  	_ =	swait.ge [sflag:s28], $0xC800  }
0x1c4: {  	[sflag:s28] =	ssyncset.done $0x0  }
0x1c5: {  	[sflag:s28] =	ssyncadd.s32 $0xFFFF3800  }
0x1c6: {  	_ =	swait.ge [sflag:s28], $0xC800  }
0x1c7: {  	[sflag:s28] =	ssyncset.done $0x0  }
0x1c8: {  	[sflag:s28] =	ssyncadd.s32 $0xFFFF3800  }
0x1c9: {  	_ =	swait.ge [sflag:s28], $0xC800  }
0x1ca: {  	[sflag:s28] =	ssyncset.done $0x0  }
0x1cb: {  	[sflag:s28] =	ssyncadd.s32 $0xFFFF3800  }
0x1cc: {  	_ =	swait.ge [sflag:s28], $0xC800  }
0x1cd: {  	[sflag:s28] =	ssyncset.done $0x0  }
0x1ce: {  	[sflag:s28] =	ssyncadd.s32 $0xFFFF3800  }
0x1cf: {  	_ =	swait.ge [sflag:s28], $0xC800  }
0x1d0: {  	[sflag:s28] =	ssyncset.done $0x0  }
0x1d1: {  	[sflag:s28] =	ssyncadd.s32 $0xFFFF3800  }
0x1d2: {  	_ =	swait.ge [sflag:s28], $0xC800  }
0x1d3: {  	[sflag:s28] =	ssyncset.done $0x0  }
0x1d4: {  	[sflag:s28] =	ssyncadd.s32 $0xFFFF3800  }
0x1d5: {  	_ =	swait.ge [sflag:s28], $0xC800  }
0x1d6: {  	[sflag:s28] =	ssyncset.done $0x0  }
0x1d7: {  	[sflag:s28] =	ssyncadd.s32 $0xFFFF3800  }
0x1d8: {  	_ =	swait.ge [sflag:s28], $0xC800  }
0x1d9: {  	[sflag:s28] =	ssyncset.done $0x0  }
0x1da: {  	[sflag:s28] =	ssyncadd.s32 $0xFFFF3800  }
0x1db: {  	_ =	swait.ge [sflag:s28], $0xC800  }
0x1dc: {  	[sflag:s28] =	ssyncset.done $0x0  }
0x1dd: {  	[sflag:s28] =	ssyncadd.s32 $0xFFFF3800  }
0x1de: {  	_ =	swait.ge [sflag:s28], $0xC800  }
0x1df: {  	[sflag:s28] =	ssyncset.done $0x0  }
0x1e0: {  	[sflag:s28] =	ssyncadd.s32 $0xFFFF3800  }
0x1e1: {  	_ =	swait.ge [sflag:s28], $0xC800  }
0x1e2: {  	[sflag:s28] =	ssyncset.done $0x0  }
0x1e3: {  	[sflag:s28] =	ssyncadd.s32 $0xFFFF3800  }
0x1e4: {  	_ =	swait.ge [sflag:s28], $0xC800  }
0x1e5: {  	[sflag:s28] =	ssyncset.done $0x0  }
0x1e6: {  	[sflag:s28] =	ssyncadd.s32 $0xFFFF3800  }
0x1e7: {  	_ =	swait.ge [sflag:s28], $0xC800  }
0x1e8: {  	[sflag:s28] =	ssyncset.done $0x0  }
0x1e9: {  	[sflag:s28] =	ssyncadd.s32 $0xFFFF3800  }
0x1ea: {  	_ =	swait.ge [sflag:s28], $0xC800  }
0x1eb: {  	[sflag:s28] =	ssyncset.done $0x0  }
0x1ec: {  	[sflag:s28] =	ssyncadd.s32 $0xFFFF3800  }
0x1ed: {  	_ =	swait.ge [sflag:s28], $0xC800  }
0x1ee: {  	[sflag:s28] =	ssyncset.done $0x0  }
0x1ef: {  	[sflag:s28] =	ssyncadd.s32 $0xFFFF3800  }
0x1f0: {  	_ =	swait.ge [sflag:s28], $0xC800  }
0x1f1: {  	[sflag:s28] =	ssyncset.done $0x0  }
0x1f2: {  	[sflag:s28] =	ssyncadd.s32 $0xFFFF3800  }
0x1f3: {  	_ =	swait.ge [sflag:s28], $0xC800  }
0x1f4: {  	[sflag:s28] =	ssyncset.done $0x0  }
0x1f5: {  	[sflag:s28] =	ssyncadd.s32 $0xFFFF3800  }
0x1f6: {  	_ =	swait.ge [sflag:s28], $0xC800  }
0x1f7: {  	[sflag:s28] =	ssyncset.done $0x0  }
0x1f8: {  	[sflag:s28] =	ssyncadd.s32 $0xFFFF3800  }
0x1f9: {  	_ =	swait.ge [sflag:s28], $0xC800  }
0x1fa: {  	[sflag:s28] =	ssyncset.done $0x0  }
0x1fb: {  	[sflag:s28] =	ssyncadd.s32 $0xFFFF3800  }
0x1fc: {  	_ =	swait.ge [sflag:s28], $0xC800  }
0x1fd: {  	[sflag:s28] =	ssyncset.done $0x0  }
0x1fe: {  	[sflag:s28] =	ssyncadd.s32 $0xFFFF3800  }
0x1ff: {  	_ =	swait.ge [sflag:s28], $0xC800  }
0x200: {  	[sflag:s28] =	ssyncset.done $0x0  }
0x201: {  	[sflag:s28] =	ssyncadd.s32 $0xFFFF3800  }
0x202: {  	_ =	swait.ge [sflag:s28], $0xC800  }
0x203: {  	[sflag:s28] =	ssyncset.done $0x0  }
0x204: {  	[sflag:s28] =	ssyncadd.s32 $0xFFFF3800  }
0x205: {  	_ =	swait.ge [sflag:s28], $0xC800  }
0x206: {  	[sflag:s28] =	ssyncset.done $0x0  }
0x207: {  	[sflag:s28] =	ssyncadd.s32 $0xFFFF3800  }
0x208: {  	_ =	swait.ge [sflag:s28], $0xC800  }
0x209: {  	[sflag:s28] =	ssyncset.done $0x0  }
0x20a: {  	[sflag:s28] =	ssyncadd.s32 $0xFFFF3800  }
0x20b: {  	_ =	swait.ge [sflag:s28], $0xC800  }
0x20c: {  	[sflag:s28] =	ssyncset.done $0x0  }
0x20d: {  	[sflag:s28] =	ssyncadd.s32 $0xFFFF3800  }
0x20e: {  	_ =	swait.ge [sflag:s28], $0xC800  }
0x20f: {  	[sflag:s28] =	ssyncset.done $0x0  }
0x210: {  	[sflag:s28] =	ssyncadd.s32 $0xFFFF3800  }
0x211: {  	_ =	swait.ge [sflag:s28], $0xC800  }
0x212: {  	[sflag:s28] =	ssyncset.done $0x0  }
0x213: {  	[sflag:s28] =	ssyncadd.s32 $0xFFFF3800  }
0x214: {  	_ =	swait.ge [sflag:s28], $0xC800  }
0x215: {  	[sflag:s28] =	ssyncset.done $0x0  }
0x216: {  	[sflag:s28] =	ssyncadd.s32 $0xFFFF3800  }
0x217: {  	_ =	swait.ge [sflag:s28], $0xC800  }
0x218: {  	[sflag:s28] =	ssyncset.done $0x0  }
0x219: {  	[sflag:s28] =	ssyncadd.s32 $0xFFFF3800  }
0x21a: {  	_ =	swait.ge [sflag:s28], $0xC800  }
0x21b: {  	[sflag:s28] =	ssyncset.done $0x0  }
0x21c: {  	[sflag:s28] =	ssyncadd.s32 $0xFFFF3800  }
0x21d: {  	_ =	swait.ge [sflag:s28], $0xC800  }
0x21e: {  	[sflag:s28] =	ssyncset.done $0x0  }
0x21f: {  	[sflag:s28] =	ssyncadd.s32 $0xFFFF3800  }
0x220: {  	_ =	swait.ge [sflag:s28], $0xC800  }
0x221: {  	[sflag:s28] =	ssyncset.done $0x0  }
0x222: {  	[sflag:s28] =	ssyncadd.s32 $0xFFFF3800  }
0x223: {  	_ =	swait.ge [sflag:s28], $0xC800  }
0x224: {  	[sflag:s28] =	ssyncset.done $0x0  }
0x225: {  	[sflag:s28] =	ssyncadd.s32 $0xFFFF3800  }
0x226: {  	_ =	swait.ge [sflag:s28], $0xC800  }
0x227: {  	[sflag:s28] =	ssyncset.done $0x0  }
0x228: {  	[sflag:s28] =	ssyncadd.s32 $0xFFFF3800  }
0x229: {  	_ =	swait.ge [sflag:s28], $0xC800  }
0x22a: {  	[sflag:s28] =	ssyncset.done $0x0  }
0x22b: {  	[sflag:s28] =	ssyncadd.s32 $0xFFFF3800  }
0x22c: {  	_ =	swait.ge [sflag:s28], $0xC800  }
0x22d: {  	[sflag:s28] =	ssyncset.done $0x0  }
0x22e: {  	[sflag:s28] =	ssyncadd.s32 $0xFFFF3800  }
0x22f: {  	_ =	swait.ge [sflag:s28], $0xC800  }
0x230: {  	[sflag:s28] =	ssyncset.done $0x0  }
0x231: {  	[sflag:s28] =	ssyncadd.s32 $0xFFFF3800  }
0x232: {  	_ =	swait.ge [sflag:s28], $0xC800  }
0x233: {  	[sflag:s28] =	ssyncset.done $0x0  }
0x234: {  	[sflag:s28] =	ssyncadd.s32 $0xFFFF3800  }
0x235: {  	_ =	swait.ge [sflag:s28], $0xC800  }
0x236: {  	[sflag:s28] =	ssyncset.done $0x0  }
0x237: {  	[sflag:s28] =	ssyncadd.s32 $0xFFFF3800  }
0x238: {  	_ =	swait.ge [sflag:s28], $0xC800  }
0x239: {  	[sflag:s28] =	ssyncset.done $0x0  }
0x23a: {  	[sflag:s28] =	ssyncadd.s32 $0xFFFF3800  }
0x23b: {  	_ =	swait.ge [sflag:s28], $0xC800  }
0x23c: {  	[sflag:s28] =	ssyncset.done $0x0  }
0x23d: {  	[sflag:s28] =	ssyncadd.s32 $0xFFFF3800  }
0x23e: {  	_ =	swait.ge [sflag:s28], $0xC800  }
0x23f: {  	[sflag:s28] =	ssyncset.done $0x0  }
0x240: {  	[sflag:s28] =	ssyncadd.s32 $0xFFFF3800  }
0x241: {  	_ =	swait.ge [sflag:s28], $0xC800  }
0x242: {  	[sflag:s28] =	ssyncset.done $0x0  }
0x243: {  	[sflag:s28] =	ssyncadd.s32 $0xFFFF3800  }
0x244: {  	_ =	swait.ge [sflag:s28], $0xC800  }
0x245: {  	[sflag:s28] =	ssyncset.done $0x0  }
0x246: {  	[sflag:s28] =	ssyncadd.s32 $0xFFFF3800  }
0x247: {  	_ =	swait.ge [sflag:s28], $0xC800  }
0x248: {  	[sflag:s28] =	ssyncset.done $0x0  }
0x249: {  	[sflag:s28] =	ssyncadd.s32 $0xFFFF3800  }
0x24a: {  	_ =	swait.ge [sflag:s28], $0xC800  }
0x24b: {  	[sflag:s28] =	ssyncset.done $0x0  }
0x24c: {  	[sflag:s28] =	ssyncadd.s32 $0xFFFF3800  }
0x24d: {  	_ =	swait.ge [sflag:s28], $0xC800  }
0x24e: {  	[sflag:s28] =	ssyncset.done $0x0  }
0x24f: {  	[sflag:s28] =	ssyncadd.s32 $0xFFFF3800  }
0x250: {  	_ =	swait.ge [sflag:s28], $0xC800  }
0x251: {  	[sflag:s28] =	ssyncset.done $0x0  }
0x252: {  	[sflag:s28] =	ssyncadd.s32 $0xFFFF3800  }
0x253: {  	_ =	swait.ge [sflag:s28], $0xC800  }
0x254: {  	[sflag:s28] =	ssyncset.done $0x0  }
0x255: {  	[sflag:s28] =	ssyncadd.s32 $0xFFFF3800  }
0x256: {  	_ =	swait.ge [sflag:s28], $0xC800  }
0x257: {  	[sflag:s28] =	ssyncset.done $0x0  }
0x258: {  	[sflag:s28] =	ssyncadd.s32 $0xFFFF3800  }
0x259: {  	_ =	swait.ge [sflag:s28], $0xC800  }
0x25a: {  	[sflag:s28] =	ssyncset.done $0x0  }
0x25b: {  	[sflag:s28] =	ssyncadd.s32 $0xFFFF3800  }
0x25c: {  	_ =	swait.ge [sflag:s28], $0xC800  }
0x25d: {  	[sflag:s28] =	ssyncset.done $0x0  }
0x25e: {  	[sflag:s28] =	ssyncadd.s32 $0xFFFF3800  }
0x25f: {  	_ =	swait.ge [sflag:s28], $0xC800  }
0x260: {  	[sflag:s28] =	ssyncset.done $0x0  }
0x261: {  	[sflag:s28] =	ssyncadd.s32 $0xFFFF3800  }
0x262: {  	_ =	swait.ge [sflag:s28], $0xC800  }
0x263: {  	[sflag:s28] =	ssyncset.done $0x0  }
0x264: {  	[sflag:s28] =	ssyncadd.s32 $0xFFFF3800  }
0x265: {  	_ =	swait.ge [sflag:s28], $0xC800  }
0x266: {  	[sflag:s28] =	ssyncset.done $0x0  }
0x267: {  	[sflag:s28] =	ssyncadd.s32 $0xFFFF3800  }
0x268: {  	_ =	swait.ge [sflag:s28], $0xC800  }
0x269: {  	[sflag:s28] =	ssyncset.done $0x0  }
0x26a: {  	[sflag:s28] =	ssyncadd.s32 $0xFFFF3800  }
0x26b: {  	_ =	swait.ge [sflag:s28], $0xC800  }
0x26c: {  	[sflag:s28] =	ssyncset.done $0x0  }
0x26d: {  	[sflag:s28] =	ssyncadd.s32 $0xFFFF3800  }
0x26e: {  	_ =	swait.ge [sflag:s28], $0xC800  }
0x26f: {  	[sflag:s28] =	ssyncset.done $0x0  }
0x270: {  	[sflag:s28] =	ssyncadd.s32 $0xFFFF3800  }
0x271: {  	_ =	swait.ge [sflag:s28], $0xC800  }
0x272: {  	[sflag:s28] =	ssyncset.done $0x0  }
0x273: {  	[sflag:s28] =	ssyncadd.s32 $0xFFFF3800  }
0x274: {  	_ =	swait.ge [sflag:s28], $0xC800  }
0x275: {  	[sflag:s28] =	ssyncset.done $0x0  }
0x276: {  	[sflag:s28] =	ssyncadd.s32 $0xFFFF3800  }
0x277: {  	_ =	swait.ge [sflag:s28], $0xC800  }
0x278: {  	[sflag:s28] =	ssyncset.done $0x0  }
0x279: {  	[sflag:s28] =	ssyncadd.s32 $0xFFFF3800  }
0x27a: {  	_ =	swait.ge [sflag:s28], $0xC800  }
0x27b: {  	[sflag:s28] =	ssyncset.done $0x0  }
0x27c: {  	[sflag:s28] =	ssyncadd.s32 $0xFFFF3800  }
0x27d: {  	_ =	swait.ge [sflag:s28], $0xC800  }
0x27e: {  	[sflag:s28] =	ssyncset.done $0x0  }
0x27f: {  	[sflag:s28] =	ssyncadd.s32 $0xFFFF3800  }
0x280: {  	_ =	swait.ge [sflag:s28], $0xC800  }
0x281: {  	[sflag:s28] =	ssyncset.done $0x0  }
0x282: {  	[sflag:s28] =	ssyncadd.s32 $0xFFFF3800  }
0x283: {  	_ =	swait.ge [sflag:s28], $0xC800  }
0x284: {  	[sflag:s28] =	ssyncset.done $0x0  }
0x285: {  	[sflag:s28] =	ssyncadd.s32 $0xFFFF3800  }
0x286: {  	_ =	swait.ge [sflag:s28], $0xC800  }
0x287: {  	[sflag:s28] =	ssyncset.done $0x0  }
0x288: {  	[sflag:s28] =	ssyncadd.s32 $0xFFFF3800  }
0x289: {  	_ =	swait.ge [sflag:s28], $0xC800  }
0x28a: {  	[sflag:s28] =	ssyncset.done $0x0  }
0x28b: {  	[sflag:s28] =	ssyncadd.s32 $0xFFFF3800  }
0x28c: {  	_ =	swait.ge [sflag:s28], $0xC800  }
0x28d: {  	[sflag:s28] =	ssyncset.done $0x0  }
0x28e: {  	[sflag:s28] =	ssyncadd.s32 $0xFFFF3800  }
0x28f: {  	_ =	swait.ge [sflag:s28], $0xC800  }
0x290: {  	[sflag:s28] =	ssyncset.done $0x0  }
0x291: {  	[sflag:s28] =	ssyncadd.s32 $0xFFFF3800  }
0x292: {  	_ =	swait.ge [sflag:s28], $0xC800  }
0x293: {  	[sflag:s28] =	ssyncset.done $0x0  }
0x294: {  	[sflag:s28] =	ssyncadd.s32 $0xFFFF3800  }
0x295: {  	_ =	swait.ge [sflag:s28], $0xC800  }
0x296: {  	[sflag:s28] =	ssyncset.done $0x0  }
0x297: {  	s29 =	sadd.s32 $0x1, s29;
	[sflag:s28] =	ssyncadd.s32 $0xFFFF3800  }
0x298: {  	p3 =	sne.s32 s29, s21;
	_ =	swait.ge [sflag:s28], $0xC800  }
.Ltmp3:
0x299: {  	[sflag:s28] =	ssyncset.done $0x0;
	(pc) =	sbr.rel @p3 .LBB2_1-.Ltmp3, $4  }
0x29a: {  	s0 =	simm.s32 @!p2 $0x3;
	[sflag:s28] =	ssyncadd.s32 $0xFFFF3800  }
0x29b: {  	_ =	swait.ge @!p2 [sflag:s0], $0xC800  }
0x29c: {  	[sflag:s0] =	ssyncset.done @!p2 $0x0  }
0x29d: {  	[sflag:s0] =	ssyncadd.s32 @!p2 $0xFFFF3800  }
0x29e: {  	_ =	sfence.sel $0x180000  }
0x29f: {  	[bflag:$0x0] =	sbarrier.arrive $0xFFFF  }
0x2a0: {  	_ =	strace $0x90000047  }
0x2a1: {  	s0 =	stileid.u32;
	[bflag:$0x2] =	sbarrier.arrive $0xFFFF  }
0x2a2: {  	p0 =	sne.s32 s0, $0x0;
	s0 =	rddreg [dreg:$0x4]  }
0x2a3: {  	s0 =	sadd.s32 @!p0 $0x100000, s0  }
0x2a4: {  	[sflag:s0] =	ssyncadd.tile.s32 @!p0 $0x1;
	_ =	shalt  }
.Lfunc_end2:
_tile_overlayer_lowered:
.L_overlay_start_2:
0x2a5: {  	(tag) =	ssettag $0x2  }
0x2a6: {  	s0 =	rddreg [dreg:$0x0];
	s2 =	stileid.u32  }
0x2a7: {  	s1 =	rddreg [dreg:$0x1];
	p0 =	sne.s32 s2, $0x0  }
0x2a8: {  	s3 =	rddreg [dreg:$0x2];
	[bflag:$0x3] =	sbarrier.arrive $0xFFFF;
	s2 =	simm.s32 @!p0 $0x1C05  }
0x2a9: {  	[timem:s3], [sflag:s2] =	dma.local @!p0 [hbm:s0], s1  }
0x2aa: {  	s0 =	simm.s32 @!p0 $0x5  }
0x2ab: {  	_ =	swait.ge @!p0 [sflag:s0], s1  }
0x2ac: {  	s1 =	ssub.s32 @!p0 $0x0, s1;
	[sflag:s0] =	ssyncset.done @!p0 $0x0  }
0x2ad: {  	[sflag:s0] =	ssyncadd.s32 @!p0 s1  }
0x2ae: {  	[bflag:$0x3] =	sbarrier.arrive $0xFFFF  }
0x2af: {  	_ =	shalt  }

</sc_bundles>
